<compile_context>
chip_gen: v7x
topology: tpu7x:2x2x1
jax: 0.10.2.dev20260603
libtpu: 0.0.44.dev20260713+nightly
codegen_flags: <defaults>
</compile_context>

<pallas_src>
import functools

import jax
import jax.numpy as jnp
from jax import lax
from jax.experimental import pallas as pl
from jax.experimental.pallas import tpu as pltpu
from jax.experimental.pallas import tpu_sc as plsc

B = 128
C = 10
W = 8
K = C * W
COLS = 2944
NS = 16
RPW = B // NS
NCH = K // 16
LN2 = 0.6931471805599453


_GDN = lax.GatherDimensionNumbers(
    offset_dims=(), collapsed_slice_dims=(0,), start_index_map=(0,))


def _shuf(v, idx):
    return lax.gather(v, idx[:, None], _GDN, (1,),
                      mode=lax.GatherScatterMode.PROMISE_IN_BOUNDS)


def _bsum(v, lane, steps):
    for k in steps:
        v = v + _shuf(v, lane ^ k)
    return v


def _bmax(v, lane, steps):
    for k in steps:
        v = jnp.maximum(v, _shuf(v, lane ^ k))
    return v


def _ln(v):
    i = plsc.bitcast(v, jnp.int32)
    ex = ((i >> 23) & 0xFF) - 127
    mant = plsc.bitcast((i & 0x7FFFFF) | 0x3F800000, jnp.float32)
    t = (mant - 1.0) / (mant + 1.0)
    t2 = t * t
    lnm = 2.0 * t * (1.0 + t2 * (1.0 / 3.0 + t2 * (0.2 + t2 * (1.0 / 7.0))))
    return ex.astype(jnp.float32) * LN2 + lnm


def _sc_body(logits_hbm, ids_hbm, w_hbm, labels_hbm, out_hbm,
             rows_v, ids_v, w_v, labels_v, acc_v, loss_v,
             part_sh, tmp_v, sem, sem_w, sem_l, sem_i):
    sid = lax.axis_index("s")
    base = sid * RPW
    cp = pltpu.async_copy(logits_hbm.at[pl.ds(base * COLS, RPW * COLS)],
                          rows_v, sem)
    cpw = pltpu.async_copy(w_hbm, w_v, sem_w)
    cpl = pltpu.async_copy(labels_hbm, labels_v, sem_l)
    cpi = pltpu.async_copy(ids_hbm, ids_v, sem_i)

    lane = lax.iota(jnp.int32, 16)
    eight_sel = (lane & 1) * 8

    cpw.wait()
    wsm = []
    for ci in range(NCH):
        wv = w_v[pl.ds(16 * ci, 16)]
        m = _bmax(wv, lane, (1, 2, 4))
        e = jnp.exp(wv - m)
        wsm.append(e / _bsum(e, lane, (1, 2, 4)))

    cpl.wait()
    lab16 = plsc.load_gather(labels_v, [base + (lane & 7)])

    cpi.wait()
    idc = [ids_v[pl.ds(16 * ci, 16)] for ci in range(NCH)]
    cp.wait()

    acc = jnp.zeros((16,), jnp.float32)
    for r in range(RPW):
        rbase = jnp.full((16,), r * COLS, jnp.int32)
        svec = jnp.zeros((16,), jnp.float32)
        for ci in range(NCH):
            idx = rbase + idc[ci]
            g = plsc.load_gather(rows_v, [idx])
            x = wsm[ci] * g
            t = _bsum(x, lane, (1, 2, 4))
            s12 = _shuf(t, eight_sel)
            svec = svec + jnp.where((lane >> 1) == ci, s12, 0.0)
        smask = jnp.where(lane < C, svec, -1e30)
        m = _bmax(smask, lane, (1, 2, 4, 8))
        z = jnp.exp(smask - m)
        se = _bsum(z, lane, (1, 2, 4, 8))
        lse = m + _ln(se)
        labr = _shuf(lab16, jnp.full((16,), r, jnp.int32))
        picked = _shuf(svec, labr)
        acc = acc + jnp.where(lane == 0, lse - picked, 0.0)

    acc_v[...] = acc
    pltpu.sync_copy(acc_v, part_sh.at[pl.ds(sid * 16, 16)])
    plsc.subcore_barrier()

    @pl.when(sid == 0)
    def _():
        pltpu.sync_copy(part_sh, tmp_v)
        total = jnp.zeros((16,), jnp.float32)
        for t in range(NS):
            total = total + tmp_v[pl.ds(t * 16, 16)]
        loss_v[...] = total * (1.0 / B)
        pltpu.sync_copy(loss_v.at[pl.ds(0, 1)], out_hbm)


_sc_loss = functools.partial(
    pl.kernel,
    out_type=jax.ShapeDtypeStruct((1,), jnp.float32),
    mesh=plsc.VectorSubcoreMesh(core_axis_name="c", subcore_axis_name="s",
                                num_cores=1),
    compiler_params=pltpu.CompilerParams(needs_layout_passes=False),
    scratch_types=[
        pltpu.VMEM((RPW * COLS,), jnp.float32),
        pltpu.VMEM((K,), jnp.int32),
        pltpu.VMEM((K,), jnp.float32),
        pltpu.VMEM((B,), jnp.int32),
        pltpu.VMEM((16,), jnp.float32),
        pltpu.VMEM((16,), jnp.float32),
        pltpu.VMEM_SHARED((NS * 16,), jnp.float32),
        pltpu.VMEM((NS * 16,), jnp.float32),
        pltpu.SemaphoreType.DMA,
        pltpu.SemaphoreType.DMA,
        pltpu.SemaphoreType.DMA,
        pltpu.SemaphoreType.DMA,
    ],
)(_sc_body)


def kernel(all_logits, labels, label_word_ids, learnable_weights):
    ids = label_word_ids.reshape(-1)
    w = learnable_weights.reshape(-1)
    logits_sl = all_logits[:, :COLS].reshape(-1)
    loss = _sc_loss(logits_sl, ids, w, labels)
    return loss.reshape(())

# --- scband reference (transcript-rebuilt; emitter-appended) ---
"""Pipeline reference for scband-ranking-criterion-67456756351415 (READ-ONLY COPY).

The authoritative reference and input builder live on the scoring server;
editing this copy changes nothing except your own understanding.
"""

import jax, jax.numpy as jnp
import numpy as np

CLASS_NUM = 10
MAX_LEN = 8
BATCH = 128
VOCAB = 100000


def setup_inputs(seed: int = 0) -> dict:
    key = jax.random.key(seed)
    k1, k2 = jax.random.split(key)
    all_logits = jax.random.normal(k1, (BATCH, VOCAB), dtype=jnp.float32)
    labels = jax.random.randint(k2, (BATCH,), 0, CLASS_NUM, dtype=jnp.int32)
    # encode_all_label_words truncated to first token per word: id = (i*MAX_LEN + j)*37 + 1
    label_word_ids = jnp.asarray((np.arange(CLASS_NUM * MAX_LEN) * 37 + 1).reshape(CLASS_NUM, MAX_LEN), dtype=jnp.int32)
    # learnable parameter, initialized to zeros as in the torch module
    learnable_weights = jnp.zeros((CLASS_NUM, MAX_LEN), dtype=jnp.float32)
    return {"all_logits": all_logits, "labels": labels, "label_word_ids": label_word_ids, "learnable_weights": learnable_weights}


def reference(all_logits, labels, label_word_ids, learnable_weights):
    # gather label-word logits at mask position: [B, C*L]
    my_logits = jnp.take(all_logits, label_word_ids.reshape(-1), axis=1)
    # softmax over learnable per-class word weights, flattened
    weight = jax.nn.softmax(learnable_weights, axis=-1).reshape(-1)
    my_logits = weight * my_logits
    my_logits = jax.nn.softmax(my_logits, axis=-1)
    my_logits = jnp.log(my_logits + 1e-15)
    scores = my_logits.reshape(my_logits.shape[0], CLASS_NUM, MAX_LEN)
    scores = jnp.sum(scores, axis=-1)
    # CrossEntropyLoss (mean reduction)
    logp = jax.nn.log_softmax(scores, axis=-1)
    nll = -jnp.take_along_axis(logp, labels[:, None].astype(jnp.int32), axis=1)[:, 0]
    return jnp.mean(nll)

if __name__ == "__main__":
    import jax
    _d = setup_inputs()
    print(jax.jit(kernel)(*tuple(_d.values())))

</pallas_src>

<mosaic_0001>
#map = affine_map<(d0, d1) -> (0)>
module attributes {stable_mosaic.version = 14 : i64} {
  func.func @_sc_body(%arg0: i32, %arg1: i32, %arg2: memref<376832xf32, #tpu.memory_space<hbm>>, %arg3: memref<80xi32, #tpu.memory_space<hbm>>, %arg4: memref<80xf32, #tpu.memory_space<hbm>>, %arg5: memref<128xi32, #tpu.memory_space<hbm>>, %arg6: memref<1xf32, #tpu.memory_space<hbm>>, %arg7: memref<23552xf32, #tpu.memory_space<vmem>>, %arg8: memref<80xi32, #tpu.memory_space<vmem>>, %arg9: memref<80xf32, #tpu.memory_space<vmem>>, %arg10: memref<128xi32, #tpu.memory_space<vmem>>, %arg11: memref<16xf32, #tpu.memory_space<vmem>>, %arg12: memref<16xf32, #tpu.memory_space<vmem>>, %arg13: memref<256xf32, #tpu.memory_space<vmem_shared>>, %arg14: memref<256xf32, #tpu.memory_space<vmem>>, %arg15: memref<!tpu.dma_semaphore, #tpu.memory_space<semaphore_mem>>, %arg16: memref<!tpu.dma_semaphore, #tpu.memory_space<semaphore_mem>>, %arg17: memref<!tpu.dma_semaphore, #tpu.memory_space<semaphore_mem>>, %arg18: memref<!tpu.dma_semaphore, #tpu.memory_space<semaphore_mem>>) attributes {dimension_semantics = [#tpu.dimension_semantics<core_parallel>, #tpu.dimension_semantics<subcore_parallel>], iteration_bounds = array<i64: 1, 16>, scalar_prefetch = 0 : i64, scratch_operands = 12 : i64, tpu.core_type = #tpu.core_type<sc_vector_subcore>, window_params = [{transform_indices = #map}, {transform_indices = #map}, {transform_indices = #map}, {transform_indices = #map}, {transform_indices = #map}]} {
    %mul3A = arith.constant 8 : i32
    %mul3A_0 = arith.muli %arg1, %mul3A : i32
    %mul3A_1 = arith.constant 2944 : i32
    %mul3A_2 = arith.muli %mul3A_0, %mul3A_1 : i32
    %dma_start3A = tpu.memref_slice %arg2[%mul3A_2] : memref<376832xf32, #tpu.memory_space<hbm>> -> memref<23552xf32, #tpu.memory_space<hbm>>
    %dma_start3A_3 = tpu.memref_slice %arg2[%mul3A_2] : memref<376832xf32, #tpu.memory_space<hbm>> -> memref<23552xf32, #tpu.memory_space<hbm>>
    tpu.enqueue_dma source(%dma_start3A_3 : memref<23552xf32, #tpu.memory_space<hbm>>) target(%arg7 : memref<23552xf32, #tpu.memory_space<vmem>>) target_semaphore(%arg15 : memref<!tpu.dma_semaphore, #tpu.memory_space<semaphore_mem>>)
    tpu.enqueue_dma source(%arg4 : memref<80xf32, #tpu.memory_space<hbm>>) target(%arg9 : memref<80xf32, #tpu.memory_space<vmem>>) target_semaphore(%arg16 : memref<!tpu.dma_semaphore, #tpu.memory_space<semaphore_mem>>)
    tpu.enqueue_dma source(%arg5 : memref<128xi32, #tpu.memory_space<hbm>>) target(%arg10 : memref<128xi32, #tpu.memory_space<vmem>>) target_semaphore(%arg17 : memref<!tpu.dma_semaphore, #tpu.memory_space<semaphore_mem>>)
    tpu.enqueue_dma source(%arg3 : memref<80xi32, #tpu.memory_space<hbm>>) target(%arg8 : memref<80xi32, #tpu.memory_space<vmem>>) target_semaphore(%arg18 : memref<!tpu.dma_semaphore, #tpu.memory_space<semaphore_mem>>)
    %iota3A = tpu.iota {dimensions = array<i32: 0>} : vector<16xi32>
    %and3A = arith.constant 1 : i32
    %and3A_4 = vector.broadcast %and3A : i32 to vector<16xi32>
    %and3A_5 = arith.andi %iota3A, %and3A_4 : vector<16xi32>
    %mul3A_6 = arith.constant 8 : i32
    %mul3A_7 = vector.broadcast %mul3A_6 : i32 to vector<16xi32>
    %mul3A_8 = arith.muli %and3A_5, %mul3A_7 : vector<16xi32>
    tpu.wait_dma2 semaphore(%arg16 : memref<!tpu.dma_semaphore, #tpu.memory_space<semaphore_mem>>) src(%arg4 : memref<80xf32, #tpu.memory_space<hbm>>) dst(%arg9 : memref<80xf32, #tpu.memory_space<vmem>>)
    %get3A = arith.constant 0 : index
    %get3A_9 = tpu.vector_load %arg9[%get3A] {strides = array<i32>} : memref<80xf32, #tpu.memory_space<vmem>>, vector<16xf32>,
    %xor3A = arith.constant 1 : i32
    %xor3A_10 = vector.broadcast %xor3A : i32 to vector<16xi32>
    %xor3A_11 = arith.xori %iota3A, %xor3A_10 : vector<16xi32>
    %broadcast_in_dim3A = vector.shape_cast %xor3A_11 : vector<16xi32> to vector<16x1xi32>
    %gather3A = vector.shape_cast %broadcast_in_dim3A : vector<16x1xi32> to vector<16xi32>
    %gather3A_12 = tpu.dynamic_gather %get3A_9[%gather3A] in [0] : vector<16xf32>, vector<16xi32> -> vector<16xf32>
    %max3A = arith.maximumf %get3A_9, %gather3A_12 : vector<16xf32>
    %xor3A_13 = arith.constant 2 : i32
    %xor3A_14 = vector.broadcast %xor3A_13 : i32 to vector<16xi32>
    %xor3A_15 = arith.xori %iota3A, %xor3A_14 : vector<16xi32>
    %broadcast_in_dim3A_16 = vector.shape_cast %xor3A_15 : vector<16xi32> to vector<16x1xi32>
    %gather3A_17 = vector.shape_cast %broadcast_in_dim3A_16 : vector<16x1xi32> to vector<16xi32>
    %gather3A_18 = tpu.dynamic_gather %max3A[%gather3A_17] in [0] : vector<16xf32>, vector<16xi32> -> vector<16xf32>
    %max3A_19 = arith.maximumf %max3A, %gather3A_18 : vector<16xf32>
    %xor3A_20 = arith.constant 4 : i32
    %xor3A_21 = vector.broadcast %xor3A_20 : i32 to vector<16xi32>
    %xor3A_22 = arith.xori %iota3A, %xor3A_21 : vector<16xi32>
    %broadcast_in_dim3A_23 = vector.shape_cast %xor3A_22 : vector<16xi32> to vector<16x1xi32>
    %gather3A_24 = vector.shape_cast %broadcast_in_dim3A_23 : vector<16x1xi32> to vector<16xi32>
    %gather3A_25 = tpu.dynamic_gather %max3A_19[%gather3A_24] in [0] : vector<16xf32>, vector<16xi32> -> vector<16xf32>
    %max3A_26 = arith.maximumf %max3A_19, %gather3A_25 : vector<16xf32>
    %sub3A = arith.subf %get3A_9, %max3A_26 : vector<16xf32>
    %exp3A = math.exp %sub3A : vector<16xf32>
    %xor3A_27 = arith.constant 1 : i32
    %xor3A_28 = vector.broadcast %xor3A_27 : i32 to vector<16xi32>
    %xor3A_29 = arith.xori %iota3A, %xor3A_28 : vector<16xi32>
    %broadcast_in_dim3A_30 = vector.shape_cast %xor3A_29 : vector<16xi32> to vector<16x1xi32>
    %gather3A_31 = vector.shape_cast %broadcast_in_dim3A_30 : vector<16x1xi32> to vector<16xi32>
    %gather3A_32 = tpu.dynamic_gather %exp3A[%gather3A_31] in [0] : vector<16xf32>, vector<16xi32> -> vector<16xf32>
    %add3A = arith.addf %exp3A, %gather3A_32 : vector<16xf32>
    %xor3A_33 = arith.constant 2 : i32
    %xor3A_34 = vector.broadcast %xor3A_33 : i32 to vector<16xi32>
    %xor3A_35 = arith.xori %iota3A, %xor3A_34 : vector<16xi32>
    %broadcast_in_dim3A_36 = vector.shape_cast %xor3A_35 : vector<16xi32> to vector<16x1xi32>
    %gather3A_37 = vector.shape_cast %broadcast_in_dim3A_36 : vector<16x1xi32> to vector<16xi32>
    %gather3A_38 = tpu.dynamic_gather %add3A[%gather3A_37] in [0] : vector<16xf32>, vector<16xi32> -> vector<16xf32>
    %add3A_39 = arith.addf %add3A, %gather3A_38 : vector<16xf32>
    %xor3A_40 = arith.constant 4 : i32
    %xor3A_41 = vector.broadcast %xor3A_40 : i32 to vector<16xi32>
    %xor3A_42 = arith.xori %iota3A, %xor3A_41 : vector<16xi32>
    %broadcast_in_dim3A_43 = vector.shape_cast %xor3A_42 : vector<16xi32> to vector<16x1xi32>
    %gather3A_44 = vector.shape_cast %broadcast_in_dim3A_43 : vector<16x1xi32> to vector<16xi32>
    %gather3A_45 = tpu.dynamic_gather %add3A_39[%gather3A_44] in [0] : vector<16xf32>, vector<16xi32> -> vector<16xf32>
    %add3A_46 = arith.addf %add3A_39, %gather3A_45 : vector<16xf32>
    %div3A = arith.divf %exp3A, %add3A_46 : vector<16xf32>
    %get3A_47 = arith.constant 16 : index
    %get3A_48 = tpu.vector_load %arg9[%get3A_47] {strides = array<i32>} : memref<80xf32, #tpu.memory_space<vmem>>, vector<16xf32>,
    %xor3A_49 = arith.constant 1 : i32
    %xor3A_50 = vector.broadcast %xor3A_49 : i32 to vector<16xi32>
    %xor3A_51 = arith.xori %iota3A, %xor3A_50 : vector<16xi32>
    %broadcast_in_dim3A_52 = vector.shape_cast %xor3A_51 : vector<16xi32> to vector<16x1xi32>
    %gather3A_53 = vector.shape_cast %broadcast_in_dim3A_52 : vector<16x1xi32> to vector<16xi32>
    %gather3A_54 = tpu.dynamic_gather %get3A_48[%gather3A_53] in [0] : vector<16xf32>, vector<16xi32> -> vector<16xf32>
    %max3A_55 = arith.maximumf %get3A_48, %gather3A_54 : vector<16xf32>
    %xor3A_56 = arith.constant 2 : i32
    %xor3A_57 = vector.broadcast %xor3A_56 : i32 to vector<16xi32>
    %xor3A_58 = arith.xori %iota3A, %xor3A_57 : vector<16xi32>
    %broadcast_in_dim3A_59 = vector.shape_cast %xor3A_58 : vector<16xi32> to vector<16x1xi32>
    %gather3A_60 = vector.shape_cast %broadcast_in_dim3A_59 : vector<16x1xi32> to vector<16xi32>
    %gather3A_61 = tpu.dynamic_gather %max3A_55[%gather3A_60] in [0] : vector<16xf32>, vector<16xi32> -> vector<16xf32>
    %max3A_62 = arith.maximumf %max3A_55, %gather3A_61 : vector<16xf32>
    %xor3A_63 = arith.constant 4 : i32
    %xor3A_64 = vector.broadcast %xor3A_63 : i32 to vector<16xi32>
    %xor3A_65 = arith.xori %iota3A, %xor3A_64 : vector<16xi32>
    %broadcast_in_dim3A_66 = vector.shape_cast %xor3A_65 : vector<16xi32> to vector<16x1xi32>
    %gather3A_67 = vector.shape_cast %broadcast_in_dim3A_66 : vector<16x1xi32> to vector<16xi32>
    %gather3A_68 = tpu.dynamic_gather %max3A_62[%gather3A_67] in [0] : vector<16xf32>, vector<16xi32> -> vector<16xf32>
    %max3A_69 = arith.maximumf %max3A_62, %gather3A_68 : vector<16xf32>
    %sub3A_70 = arith.subf %get3A_48, %max3A_69 : vector<16xf32>
    %exp3A_71 = math.exp %sub3A_70 : vector<16xf32>
    %xor3A_72 = arith.constant 1 : i32
    %xor3A_73 = vector.broadcast %xor3A_72 : i32 to vector<16xi32>
    %xor3A_74 = arith.xori %iota3A, %xor3A_73 : vector<16xi32>
    %broadcast_in_dim3A_75 = vector.shape_cast %xor3A_74 : vector<16xi32> to vector<16x1xi32>
    %gather3A_76 = vector.shape_cast %broadcast_in_dim3A_75 : vector<16x1xi32> to vector<16xi32>
    %gather3A_77 = tpu.dynamic_gather %exp3A_71[%gather3A_76] in [0] : vector<16xf32>, vector<16xi32> -> vector<16xf32>
    %add3A_78 = arith.addf %exp3A_71, %gather3A_77 : vector<16xf32>
    %xor3A_79 = arith.constant 2 : i32
    %xor3A_80 = vector.broadcast %xor3A_79 : i32 to vector<16xi32>
    %xor3A_81 = arith.xori %iota3A, %xor3A_80 : vector<16xi32>
    %broadcast_in_dim3A_82 = vector.shape_cast %xor3A_81 : vector<16xi32> to vector<16x1xi32>
    %gather3A_83 = vector.shape_cast %broadcast_in_dim3A_82 : vector<16x1xi32> to vector<16xi32>
    %gather3A_84 = tpu.dynamic_gather %add3A_78[%gather3A_83] in [0] : vector<16xf32>, vector<16xi32> -> vector<16xf32>
    %add3A_85 = arith.addf %add3A_78, %gather3A_84 : vector<16xf32>
    %xor3A_86 = arith.constant 4 : i32
    %xor3A_87 = vector.broadcast %xor3A_86 : i32 to vector<16xi32>
    %xor3A_88 = arith.xori %iota3A, %xor3A_87 : vector<16xi32>
    %broadcast_in_dim3A_89 = vector.shape_cast %xor3A_88 : vector<16xi32> to vector<16x1xi32>
    %gather3A_90 = vector.shape_cast %broadcast_in_dim3A_89 : vector<16x1xi32> to vector<16xi32>
    %gather3A_91 = tpu.dynamic_gather %add3A_85[%gather3A_90] in [0] : vector<16xf32>, vector<16xi32> -> vector<16xf32>
    %add3A_92 = arith.addf %add3A_85, %gather3A_91 : vector<16xf32>
    %div3A_93 = arith.divf %exp3A_71, %add3A_92 : vector<16xf32>
    %get3A_94 = arith.constant 32 : index
    %get3A_95 = tpu.vector_load %arg9[%get3A_94] {strides = array<i32>} : memref<80xf32, #tpu.memory_space<vmem>>, vector<16xf32>,
    %xor3A_96 = arith.constant 1 : i32
    %xor3A_97 = vector.broadcast %xor3A_96 : i32 to vector<16xi32>
    %xor3A_98 = arith.xori %iota3A, %xor3A_97 : vector<16xi32>
    %broadcast_in_dim3A_99 = vector.shape_cast %xor3A_98 : vector<16xi32> to vector<16x1xi32>
    %gather3A_100 = vector.shape_cast %broadcast_in_dim3A_99 : vector<16x1xi32> to vector<16xi32>
    %gather3A_101 = tpu.dynamic_gather %get3A_95[%gather3A_100] in [0] : vector<16xf32>, vector<16xi32> -> vector<16xf32>
    %max3A_102 = arith.maximumf %get3A_95, %gather3A_101 : vector<16xf32>
    %xor3A_103 = arith.constant 2 : i32
    %xor3A_104 = vector.broadcast %xor3A_103 : i32 to vector<16xi32>
    %xor3A_105 = arith.xori %iota3A, %xor3A_104 : vector<16xi32>
    %broadcast_in_dim3A_106 = vector.shape_cast %xor3A_105 : vector<16xi32> to vector<16x1xi32>
    %gather3A_107 = vector.shape_cast %broadcast_in_dim3A_106 : vector<16x1xi32> to vector<16xi32>
    %gather3A_108 = tpu.dynamic_gather %max3A_102[%gather3A_107] in [0] : vector<16xf32>, vector<16xi32> -> vector<16xf32>
    %max3A_109 = arith.maximumf %max3A_102, %gather3A_108 : vector<16xf32>
    %xor3A_110 = arith.constant 4 : i32
    %xor3A_111 = vector.broadcast %xor3A_110 : i32 to vector<16xi32>
    %xor3A_112 = arith.xori %iota3A, %xor3A_111 : vector<16xi32>
    %broadcast_in_dim3A_113 = vector.shape_cast %xor3A_112 : vector<16xi32> to vector<16x1xi32>
    %gather3A_114 = vector.shape_cast %broadcast_in_dim3A_113 : vector<16x1xi32> to vector<16xi32>
    %gather3A_115 = tpu.dynamic_gather %max3A_109[%gather3A_114] in [0] : vector<16xf32>, vector<16xi32> -> vector<16xf32>
    %max3A_116 = arith.maximumf %max3A_109, %gather3A_115 : vector<16xf32>
    %sub3A_117 = arith.subf %get3A_95, %max3A_116 : vector<16xf32>
    %exp3A_118 = math.exp %sub3A_117 : vector<16xf32>
    %xor3A_119 = arith.constant 1 : i32
    %xor3A_120 = vector.broadcast %xor3A_119 : i32 to vector<16xi32>
    %xor3A_121 = arith.xori %iota3A, %xor3A_120 : vector<16xi32>
    %broadcast_in_dim3A_122 = vector.shape_cast %xor3A_121 : vector<16xi32> to vector<16x1xi32>
    %gather3A_123 = vector.shape_cast %broadcast_in_dim3A_122 : vector<16x1xi32> to vector<16xi32>
    %gather3A_124 = tpu.dynamic_gather %exp3A_118[%gather3A_123] in [0] : vector<16xf32>, vector<16xi32> -> vector<16xf32>
    %add3A_125 = arith.addf %exp3A_118, %gather3A_124 : vector<16xf32>
    %xor3A_126 = arith.constant 2 : i32
    %xor3A_127 = vector.broadcast %xor3A_126 : i32 to vector<16xi32>
    %xor3A_128 = arith.xori %iota3A, %xor3A_127 : vector<16xi32>
    %broadcast_in_dim3A_129 = vector.shape_cast %xor3A_128 : vector<16xi32> to vector<16x1xi32>
    %gather3A_130 = vector.shape_cast %broadcast_in_dim3A_129 : vector<16x1xi32> to vector<16xi32>
    %gather3A_131 = tpu.dynamic_gather %add3A_125[%gather3A_130] in [0] : vector<16xf32>, vector<16xi32> -> vector<16xf32>
    %add3A_132 = arith.addf %add3A_125, %gather3A_131 : vector<16xf32>
    %xor3A_133 = arith.constant 4 : i32
    %xor3A_134 = vector.broadcast %xor3A_133 : i32 to vector<16xi32>
    %xor3A_135 = arith.xori %iota3A, %xor3A_134 : vector<16xi32>
    %broadcast_in_dim3A_136 = vector.shape_cast %xor3A_135 : vector<16xi32> to vector<16x1xi32>
    %gather3A_137 = vector.shape_cast %broadcast_in_dim3A_136 : vector<16x1xi32> to vector<16xi32>
    %gather3A_138 = tpu.dynamic_gather %add3A_132[%gather3A_137] in [0] : vector<16xf32>, vector<16xi32> -> vector<16xf32>
    %add3A_139 = arith.addf %add3A_132, %gather3A_138 : vector<16xf32>
    %div3A_140 = arith.divf %exp3A_118, %add3A_139 : vector<16xf32>
    %get3A_141 = arith.constant 48 : index
    %get3A_142 = tpu.vector_load %arg9[%get3A_141] {strides = array<i32>} : memref<80xf32, #tpu.memory_space<vmem>>, vector<16xf32>,
    %xor3A_143 = arith.constant 1 : i32
    %xor3A_144 = vector.broadcast %xor3A_143 : i32 to vector<16xi32>
    %xor3A_145 = arith.xori %iota3A, %xor3A_144 : vector<16xi32>
    %broadcast_in_dim3A_146 = vector.shape_cast %xor3A_145 : vector<16xi32> to vector<16x1xi32>
    %gather3A_147 = vector.shape_cast %broadcast_in_dim3A_146 : vector<16x1xi32> to vector<16xi32>
    %gather3A_148 = tpu.dynamic_gather %get3A_142[%gather3A_147] in [0] : vector<16xf32>, vector<16xi32> -> vector<16xf32>
    %max3A_149 = arith.maximumf %get3A_142, %gather3A_148 : vector<16xf32>
    %xor3A_150 = arith.constant 2 : i32
    %xor3A_151 = vector.broadcast %xor3A_150 : i32 to vector<16xi32>
    %xor3A_152 = arith.xori %iota3A, %xor3A_151 : vector<16xi32>
    %broadcast_in_dim3A_153 = vector.shape_cast %xor3A_152 : vector<16xi32> to vector<16x1xi32>
    %gather3A_154 = vector.shape_cast %broadcast_in_dim3A_153 : vector<16x1xi32> to vector<16xi32>
    %gather3A_155 = tpu.dynamic_gather %max3A_149[%gather3A_154] in [0] : vector<16xf32>, vector<16xi32> -> vector<16xf32>
    %max3A_156 = arith.maximumf %max3A_149, %gather3A_155 : vector<16xf32>
    %xor3A_157 = arith.constant 4 : i32
    %xor3A_158 = vector.broadcast %xor3A_157 : i32 to vector<16xi32>
    %xor3A_159 = arith.xori %iota3A, %xor3A_158 : vector<16xi32>
    %broadcast_in_dim3A_160 = vector.shape_cast %xor3A_159 : vector<16xi32> to vector<16x1xi32>
    %gather3A_161 = vector.shape_cast %broadcast_in_dim3A_160 : vector<16x1xi32> to vector<16xi32>
    %gather3A_162 = tpu.dynamic_gather %max3A_156[%gather3A_161] in [0] : vector<16xf32>, vector<16xi32> -> vector<16xf32>
    %max3A_163 = arith.maximumf %max3A_156, %gather3A_162 : vector<16xf32>
    %sub3A_164 = arith.subf %get3A_142, %max3A_163 : vector<16xf32>
    %exp3A_165 = math.exp %sub3A_164 : vector<16xf32>
    %xor3A_166 = arith.constant 1 : i32
    %xor3A_167 = vector.broadcast %xor3A_166 : i32 to vector<16xi32>
    %xor3A_168 = arith.xori %iota3A, %xor3A_167 : vector<16xi32>
    %broadcast_in_dim3A_169 = vector.shape_cast %xor3A_168 : vector<16xi32> to vector<16x1xi32>
    %gather3A_170 = vector.shape_cast %broadcast_in_dim3A_169 : vector<16x1xi32> to vector<16xi32>
    %gather3A_171 = tpu.dynamic_gather %exp3A_165[%gather3A_170] in [0] : vector<16xf32>, vector<16xi32> -> vector<16xf32>
    %add3A_172 = arith.addf %exp3A_165, %gather3A_171 : vector<16xf32>
    %xor3A_173 = arith.constant 2 : i32
    %xor3A_174 = vector.broadcast %xor3A_173 : i32 to vector<16xi32>
    %xor3A_175 = arith.xori %iota3A, %xor3A_174 : vector<16xi32>
    %broadcast_in_dim3A_176 = vector.shape_cast %xor3A_175 : vector<16xi32> to vector<16x1xi32>
    %gather3A_177 = vector.shape_cast %broadcast_in_dim3A_176 : vector<16x1xi32> to vector<16xi32>
    %gather3A_178 = tpu.dynamic_gather %add3A_172[%gather3A_177] in [0] : vector<16xf32>, vector<16xi32> -> vector<16xf32>
    %add3A_179 = arith.addf %add3A_172, %gather3A_178 : vector<16xf32>
    %xor3A_180 = arith.constant 4 : i32
    %xor3A_181 = vector.broadcast %xor3A_180 : i32 to vector<16xi32>
    %xor3A_182 = arith.xori %iota3A, %xor3A_181 : vector<16xi32>
    %broadcast_in_dim3A_183 = vector.shape_cast %xor3A_182 : vector<16xi32> to vector<16x1xi32>
    %gather3A_184 = vector.shape_cast %broadcast_in_dim3A_183 : vector<16x1xi32> to vector<16xi32>
    %gather3A_185 = tpu.dynamic_gather %add3A_179[%gather3A_184] in [0] : vector<16xf32>, vector<16xi32> -> vector<16xf32>
    %add3A_186 = arith.addf %add3A_179, %gather3A_185 : vector<16xf32>
    %div3A_187 = arith.divf %exp3A_165, %add3A_186 : vector<16xf32>
    %get3A_188 = arith.constant 64 : index
    %get3A_189 = tpu.vector_load %arg9[%get3A_188] {strides = array<i32>} : memref<80xf32, #tpu.memory_space<vmem>>, vector<16xf32>,
    %xor3A_190 = arith.constant 1 : i32
    %xor3A_191 = vector.broadcast %xor3A_190 : i32 to vector<16xi32>
    %xor3A_192 = arith.xori %iota3A, %xor3A_191 : vector<16xi32>
    %broadcast_in_dim3A_193 = vector.shape_cast %xor3A_192 : vector<16xi32> to vector<16x1xi32>
    %gather3A_194 = vector.shape_cast %broadcast_in_dim3A_193 : vector<16x1xi32> to vector<16xi32>
    %gather3A_195 = tpu.dynamic_gather %get3A_189[%gather3A_194] in [0] : vector<16xf32>, vector<16xi32> -> vector<16xf32>
    %max3A_196 = arith.maximumf %get3A_189, %gather3A_195 : vector<16xf32>
    %xor3A_197 = arith.constant 2 : i32
    %xor3A_198 = vector.broadcast %xor3A_197 : i32 to vector<16xi32>
    %xor3A_199 = arith.xori %iota3A, %xor3A_198 : vector<16xi32>
    %broadcast_in_dim3A_200 = vector.shape_cast %xor3A_199 : vector<16xi32> to vector<16x1xi32>
    %gather3A_201 = vector.shape_cast %broadcast_in_dim3A_200 : vector<16x1xi32> to vector<16xi32>
    %gather3A_202 = tpu.dynamic_gather %max3A_196[%gather3A_201] in [0] : vector<16xf32>, vector<16xi32> -> vector<16xf32>
    %max3A_203 = arith.maximumf %max3A_196, %gather3A_202 : vector<16xf32>
    %xor3A_204 = arith.constant 4 : i32
    %xor3A_205 = vector.broadcast %xor3A_204 : i32 to vector<16xi32>
    %xor3A_206 = arith.xori %iota3A, %xor3A_205 : vector<16xi32>
    %broadcast_in_dim3A_207 = vector.shape_cast %xor3A_206 : vector<16xi32> to vector<16x1xi32>
    %gather3A_208 = vector.shape_cast %broadcast_in_dim3A_207 : vector<16x1xi32> to vector<16xi32>
    %gather3A_209 = tpu.dynamic_gather %max3A_203[%gather3A_208] in [0] : vector<16xf32>, vector<16xi32> -> vector<16xf32>
    %max3A_210 = arith.maximumf %max3A_203, %gather3A_209 : vector<16xf32>
    %sub3A_211 = arith.subf %get3A_189, %max3A_210 : vector<16xf32>
    %exp3A_212 = math.exp %sub3A_211 : vector<16xf32>
    %xor3A_213 = arith.constant 1 : i32
    %xor3A_214 = vector.broadcast %xor3A_213 : i32 to vector<16xi32>
    %xor3A_215 = arith.xori %iota3A, %xor3A_214 : vector<16xi32>
    %broadcast_in_dim3A_216 = vector.shape_cast %xor3A_215 : vector<16xi32> to vector<16x1xi32>
    %gather3A_217 = vector.shape_cast %broadcast_in_dim3A_216 : vector<16x1xi32> to vector<16xi32>
    %gather3A_218 = tpu.dynamic_gather %exp3A_212[%gather3A_217] in [0] : vector<16xf32>, vector<16xi32> -> vector<16xf32>
    %add3A_219 = arith.addf %exp3A_212, %gather3A_218 : vector<16xf32>
    %xor3A_220 = arith.constant 2 : i32
    %xor3A_221 = vector.broadcast %xor3A_220 : i32 to vector<16xi32>
    %xor3A_222 = arith.xori %iota3A, %xor3A_221 : vector<16xi32>
    %broadcast_in_dim3A_223 = vector.shape_cast %xor3A_222 : vector<16xi32> to vector<16x1xi32>
    %gather3A_224 = vector.shape_cast %broadcast_in_dim3A_223 : vector<16x1xi32> to vector<16xi32>
    %gather3A_225 = tpu.dynamic_gather %add3A_219[%gather3A_224] in [0] : vector<16xf32>, vector<16xi32> -> vector<16xf32>
    %add3A_226 = arith.addf %add3A_219, %gather3A_225 : vector<16xf32>
    %xor3A_227 = arith.constant 4 : i32
    %xor3A_228 = vector.broadcast %xor3A_227 : i32 to vector<16xi32>
    %xor3A_229 = arith.xori %iota3A, %xor3A_228 : vector<16xi32>
    %broadcast_in_dim3A_230 = vector.shape_cast %xor3A_229 : vector<16xi32> to vector<16x1xi32>
    %gather3A_231 = vector.shape_cast %broadcast_in_dim3A_230 : vector<16x1xi32> to vector<16xi32>
    %gather3A_232 = tpu.dynamic_gather %add3A_226[%gather3A_231] in [0] : vector<16xf32>, vector<16xi32> -> vector<16xf32>
    %add3A_233 = arith.addf %add3A_226, %gather3A_232 : vector<16xf32>
    %div3A_234 = arith.divf %exp3A_212, %add3A_233 : vector<16xf32>
    tpu.wait_dma2 semaphore(%arg17 : memref<!tpu.dma_semaphore, #tpu.memory_space<semaphore_mem>>) src(%arg5 : memref<128xi32, #tpu.memory_space<hbm>>) dst(%arg10 : memref<128xi32, #tpu.memory_space<vmem>>)
    %and3A_235 = arith.constant 7 : i32
    %and3A_236 = vector.broadcast %and3A_235 : i32 to vector<16xi32>
    %and3A_237 = arith.andi %iota3A, %and3A_236 : vector<16xi32>
    %add3A_238 = vector.broadcast %mul3A_0 : i32 to vector<16xi32>
    %add3A_239 = arith.addi %add3A_238, %and3A_237 : vector<16xi32>
    %gather3A_240 = tpu.vector_load_idx %arg10[%add3A_239] : memref<128xi32, #tpu.memory_space<vmem>>[vector<16xi32>], vector<16xi32>,
    tpu.wait_dma2 semaphore(%arg18 : memref<!tpu.dma_semaphore, #tpu.memory_space<semaphore_mem>>) src(%arg3 : memref<80xi32, #tpu.memory_space<hbm>>) dst(%arg8 : memref<80xi32, #tpu.memory_space<vmem>>)
    %get3A_241 = arith.constant 0 : index
    %get3A_242 = tpu.vector_load %arg8[%get3A_241] {strides = array<i32>} : memref<80xi32, #tpu.memory_space<vmem>>, vector<16xi32>,
    %get3A_243 = arith.constant 16 : index
    %get3A_244 = tpu.vector_load %arg8[%get3A_243] {strides = array<i32>} : memref<80xi32, #tpu.memory_space<vmem>>, vector<16xi32>,
    %get3A_245 = arith.constant 32 : index
    %get3A_246 = tpu.vector_load %arg8[%get3A_245] {strides = array<i32>} : memref<80xi32, #tpu.memory_space<vmem>>, vector<16xi32>,
    %get3A_247 = arith.constant 48 : index
    %get3A_248 = tpu.vector_load %arg8[%get3A_247] {strides = array<i32>} : memref<80xi32, #tpu.memory_space<vmem>>, vector<16xi32>,
    %get3A_249 = arith.constant 64 : index
    %get3A_250 = tpu.vector_load %arg8[%get3A_249] {strides = array<i32>} : memref<80xi32, #tpu.memory_space<vmem>>, vector<16xi32>,
    %dma_wait3A = tpu.memref_slice %arg2[%mul3A_2] : memref<376832xf32, #tpu.memory_space<hbm>> -> memref<23552xf32, #tpu.memory_space<hbm>>
    %dma_wait3A_251 = tpu.memref_slice %arg2[%mul3A_2] : memref<376832xf32, #tpu.memory_space<hbm>> -> memref<23552xf32, #tpu.memory_space<hbm>>
    tpu.wait_dma2 semaphore(%arg15 : memref<!tpu.dma_semaphore, #tpu.memory_space<semaphore_mem>>) src(%dma_wait3A_251 : memref<23552xf32, #tpu.memory_space<hbm>>) dst(%arg7 : memref<23552xf32, #tpu.memory_space<vmem>>)
    %broadcast_in_dim3A_252 = arith.constant 0.000000e+00 : f32
    %broadcast_in_dim3A_253 = vector.broadcast %broadcast_in_dim3A_252 : f32 to vector<16xf32>
    %broadcast_in_dim3A_254 = arith.constant 0 : i32
    %broadcast_in_dim3A_255 = vector.broadcast %broadcast_in_dim3A_254 : i32 to vector<16xi32>
    %broadcast_in_dim3A_256 = arith.constant 0.000000e+00 : f32
    %broadcast_in_dim3A_257 = vector.broadcast %broadcast_in_dim3A_256 : f32 to vector<16xf32>
    %add3A_258 = arith.addi %broadcast_in_dim3A_255, %get3A_242 : vector<16xi32>
    %gather3A_259 = tpu.vector_load_idx %arg7[%add3A_258] : memref<23552xf32, #tpu.memory_space<vmem>>[vector<16xi32>], vector<16xf32>,
    %mul3A_260 = arith.mulf %div3A, %gather3A_259 : vector<16xf32>
    %xor3A_261 = arith.constant 1 : i32
    %xor3A_262 = vector.broadcast %xor3A_261 : i32 to vector<16xi32>
    %xor3A_263 = arith.xori %iota3A, %xor3A_262 : vector<16xi32>
    %broadcast_in_dim3A_264 = vector.shape_cast %xor3A_263 : vector<16xi32> to vector<16x1xi32>
    %gather3A_265 = vector.shape_cast %broadcast_in_dim3A_264 : vector<16x1xi32> to vector<16xi32>
    %gather3A_266 = tpu.dynamic_gather %mul3A_260[%gather3A_265] in [0] : vector<16xf32>, vector<16xi32> -> vector<16xf32>
    %add3A_267 = arith.addf %mul3A_260, %gather3A_266 : vector<16xf32>
    %xor3A_268 = arith.constant 2 : i32
    %xor3A_269 = vector.broadcast %xor3A_268 : i32 to vector<16xi32>
    %xor3A_270 = arith.xori %iota3A, %xor3A_269 : vector<16xi32>
    %broadcast_in_dim3A_271 = vector.shape_cast %xor3A_270 : vector<16xi32> to vector<16x1xi32>
    %gather3A_272 = vector.shape_cast %broadcast_in_dim3A_271 : vector<16x1xi32> to vector<16xi32>
    %gather3A_273 = tpu.dynamic_gather %add3A_267[%gather3A_272] in [0] : vector<16xf32>, vector<16xi32> -> vector<16xf32>
    %add3A_274 = arith.addf %add3A_267, %gather3A_273 : vector<16xf32>
    %xor3A_275 = arith.constant 4 : i32
    %xor3A_276 = vector.broadcast %xor3A_275 : i32 to vector<16xi32>
    %xor3A_277 = arith.xori %iota3A, %xor3A_276 : vector<16xi32>
    %broadcast_in_dim3A_278 = vector.shape_cast %xor3A_277 : vector<16xi32> to vector<16x1xi32>
    %gather3A_279 = vector.shape_cast %broadcast_in_dim3A_278 : vector<16x1xi32> to vector<16xi32>
    %gather3A_280 = tpu.dynamic_gather %add3A_274[%gather3A_279] in [0] : vector<16xf32>, vector<16xi32> -> vector<16xf32>
    %add3A_281 = arith.addf %add3A_274, %gather3A_280 : vector<16xf32>
    %broadcast_in_dim3A_282 = vector.shape_cast %mul3A_8 : vector<16xi32> to vector<16x1xi32>
    %gather3A_283 = vector.shape_cast %broadcast_in_dim3A_282 : vector<16x1xi32> to vector<16xi32>
    %gather3A_284 = tpu.dynamic_gather %add3A_281[%gather3A_283] in [0] : vector<16xf32>, vector<16xi32> -> vector<16xf32>
    %shift_right_arithmetic3A = arith.constant 1 : i32
    %shift_right_arithmetic3A_285 = vector.broadcast %shift_right_arithmetic3A : i32 to vector<16xi32>
    %shift_right_arithmetic3A_286 = arith.shrsi %iota3A, %shift_right_arithmetic3A_285 : vector<16xi32>
    %eq3A = arith.constant 0 : i32
    %eq3A_287 = vector.broadcast %eq3A : i32 to vector<16xi32>
    %eq3A_288 = arith.cmpi eq, %shift_right_arithmetic3A_286, %eq3A_287 : vector<16xi32>
    %jit3A = arith.constant 0.000000e+00 : f32
    %broadcast_in_dim3A_289 = vector.broadcast %jit3A : f32 to vector<16xf32>
    %select_n3A = arith.select %eq3A_288, %gather3A_284, %broadcast_in_dim3A_289 : vector<16xi1>, vector<16xf32>
    %add3A_290 = arith.addf %broadcast_in_dim3A_257, %select_n3A : vector<16xf32>
    %add3A_291 = arith.addi %broadcast_in_dim3A_255, %get3A_244 : vector<16xi32>
    %gather3A_292 = tpu.vector_load_idx %arg7[%add3A_291] : memref<23552xf32, #tpu.memory_space<vmem>>[vector<16xi32>], vector<16xf32>,
    %mul3A_293 = arith.mulf %div3A_93, %gather3A_292 : vector<16xf32>
    %xor3A_294 = arith.constant 1 : i32
    %xor3A_295 = vector.broadcast %xor3A_294 : i32 to vector<16xi32>
    %xor3A_296 = arith.xori %iota3A, %xor3A_295 : vector<16xi32>
    %broadcast_in_dim3A_297 = vector.shape_cast %xor3A_296 : vector<16xi32> to vector<16x1xi32>
    %gather3A_298 = vector.shape_cast %broadcast_in_dim3A_297 : vector<16x1xi32> to vector<16xi32>
    %gather3A_299 = tpu.dynamic_gather %mul3A_293[%gather3A_298] in [0] : vector<16xf32>, vector<16xi32> -> vector<16xf32>
    %add3A_300 = arith.addf %mul3A_293, %gather3A_299 : vector<16xf32>
    %xor3A_301 = arith.constant 2 : i32
    %xor3A_302 = vector.broadcast %xor3A_301 : i32 to vector<16xi32>
    %xor3A_303 = arith.xori %iota3A, %xor3A_302 : vector<16xi32>
    %broadcast_in_dim3A_304 = vector.shape_cast %xor3A_303 : vector<16xi32> to vector<16x1xi32>
    %gather3A_305 = vector.shape_cast %broadcast_in_dim3A_304 : vector<16x1xi32> to vector<16xi32>
    %gather3A_306 = tpu.dynamic_gather %add3A_300[%gather3A_305] in [0] : vector<16xf32>, vector<16xi32> -> vector<16xf32>
    %add3A_307 = arith.addf %add3A_300, %gather3A_306 : vector<16xf32>
    %xor3A_308 = arith.constant 4 : i32
    %xor3A_309 = vector.broadcast %xor3A_308 : i32 to vector<16xi32>
    %xor3A_310 = arith.xori %iota3A, %xor3A_309 : vector<16xi32>
    %broadcast_in_dim3A_311 = vector.shape_cast %xor3A_310 : vector<16xi32> to vector<16x1xi32>
    %gather3A_312 = vector.shape_cast %broadcast_in_dim3A_311 : vector<16x1xi32> to vector<16xi32>
    %gather3A_313 = tpu.dynamic_gather %add3A_307[%gather3A_312] in [0] : vector<16xf32>, vector<16xi32> -> vector<16xf32>
    %add3A_314 = arith.addf %add3A_307, %gather3A_313 : vector<16xf32>
    %broadcast_in_dim3A_315 = vector.shape_cast %mul3A_8 : vector<16xi32> to vector<16x1xi32>
    %gather3A_316 = vector.shape_cast %broadcast_in_dim3A_315 : vector<16x1xi32> to vector<16xi32>
    %gather3A_317 = tpu.dynamic_gather %add3A_314[%gather3A_316] in [0] : vector<16xf32>, vector<16xi32> -> vector<16xf32>
    %shift_right_arithmetic3A_318 = arith.constant 1 : i32
    %shift_right_arithmetic3A_319 = vector.broadcast %shift_right_arithmetic3A_318 : i32 to vector<16xi32>
    %shift_right_arithmetic3A_320 = arith.shrsi %iota3A, %shift_right_arithmetic3A_319 : vector<16xi32>
    %eq3A_321 = arith.constant 1 : i32
    %eq3A_322 = vector.broadcast %eq3A_321 : i32 to vector<16xi32>
    %eq3A_323 = arith.cmpi eq, %shift_right_arithmetic3A_320, %eq3A_322 : vector<16xi32>
    %jit3A_324 = arith.constant 0.000000e+00 : f32
    %broadcast_in_dim3A_325 = vector.broadcast %jit3A_324 : f32 to vector<16xf32>
    %select_n3A_326 = arith.select %eq3A_323, %gather3A_317, %broadcast_in_dim3A_325 : vector<16xi1>, vector<16xf32>
    %add3A_327 = arith.addf %add3A_290, %select_n3A_326 : vector<16xf32>
    %add3A_328 = arith.addi %broadcast_in_dim3A_255, %get3A_246 : vector<16xi32>
    %gather3A_329 = tpu.vector_load_idx %arg7[%add3A_328] : memref<23552xf32, #tpu.memory_space<vmem>>[vector<16xi32>], vector<16xf32>,
    %mul3A_330 = arith.mulf %div3A_140, %gather3A_329 : vector<16xf32>
    %xor3A_331 = arith.constant 1 : i32
    %xor3A_332 = vector.broadcast %xor3A_331 : i32 to vector<16xi32>
    %xor3A_333 = arith.xori %iota3A, %xor3A_332 : vector<16xi32>
    %broadcast_in_dim3A_334 = vector.shape_cast %xor3A_333 : vector<16xi32> to vector<16x1xi32>
    %gather3A_335 = vector.shape_cast %broadcast_in_dim3A_334 : vector<16x1xi32> to vector<16xi32>
    %gather3A_336 = tpu.dynamic_gather %mul3A_330[%gather3A_335] in [0] : vector<16xf32>, vector<16xi32> -> vector<16xf32>
    %add3A_337 = arith.addf %mul3A_330, %gather3A_336 : vector<16xf32>
    %xor3A_338 = arith.constant 2 : i32
    %xor3A_339 = vector.broadcast %xor3A_338 : i32 to vector<16xi32>
    %xor3A_340 = arith.xori %iota3A, %xor3A_339 : vector<16xi32>
    %broadcast_in_dim3A_341 = vector.shape_cast %xor3A_340 : vector<16xi32> to vector<16x1xi32>
    %gather3A_342 = vector.shape_cast %broadcast_in_dim3A_341 : vector<16x1xi32> to vector<16xi32>
    %gather3A_343 = tpu.dynamic_gather %add3A_337[%gather3A_342] in [0] : vector<16xf32>, vector<16xi32> -> vector<16xf32>
    %add3A_344 = arith.addf %add3A_337, %gather3A_343 : vector<16xf32>
    %xor3A_345 = arith.constant 4 : i32
    %xor3A_346 = vector.broadcast %xor3A_345 : i32 to vector<16xi32>
    %xor3A_347 = arith.xori %iota3A, %xor3A_346 : vector<16xi32>
    %broadcast_in_dim3A_348 = vector.shape_cast %xor3A_347 : vector<16xi32> to vector<16x1xi32>
    %gather3A_349 = vector.shape_cast %broadcast_in_dim3A_348 : vector<16x1xi32> to vector<16xi32>
    %gather3A_350 = tpu.dynamic_gather %add3A_344[%gather3A_349] in [0] : vector<16xf32>, vector<16xi32> -> vector<16xf32>
    %add3A_351 = arith.addf %add3A_344, %gather3A_350 : vector<16xf32>
    %broadcast_in_dim3A_352 = vector.shape_cast %mul3A_8 : vector<16xi32> to vector<16x1xi32>
    %gather3A_353 = vector.shape_cast %broadcast_in_dim3A_352 : vector<16x1xi32> to vector<16xi32>
    %gather3A_354 = tpu.dynamic_gather %add3A_351[%gather3A_353] in [0] : vector<16xf32>, vector<16xi32> -> vector<16xf32>
    %shift_right_arithmetic3A_355 = arith.constant 1 : i32
    %shift_right_arithmetic3A_356 = vector.broadcast %shift_right_arithmetic3A_355 : i32 to vector<16xi32>
    %shift_right_arithmetic3A_357 = arith.shrsi %iota3A, %shift_right_arithmetic3A_356 : vector<16xi32>
    %eq3A_358 = arith.constant 2 : i32
    %eq3A_359 = vector.broadcast %eq3A_358 : i32 to vector<16xi32>
    %eq3A_360 = arith.cmpi eq, %shift_right_arithmetic3A_357, %eq3A_359 : vector<16xi32>
    %jit3A_361 = arith.constant 0.000000e+00 : f32
    %broadcast_in_dim3A_362 = vector.broadcast %jit3A_361 : f32 to vector<16xf32>
    %select_n3A_363 = arith.select %eq3A_360, %gather3A_354, %broadcast_in_dim3A_362 : vector<16xi1>, vector<16xf32>
    %add3A_364 = arith.addf %add3A_327, %select_n3A_363 : vector<16xf32>
    %add3A_365 = arith.addi %broadcast_in_dim3A_255, %get3A_248 : vector<16xi32>
    %gather3A_366 = tpu.vector_load_idx %arg7[%add3A_365] : memref<23552xf32, #tpu.memory_space<vmem>>[vector<16xi32>], vector<16xf32>,
    %mul3A_367 = arith.mulf %div3A_187, %gather3A_366 : vector<16xf32>
    %xor3A_368 = arith.constant 1 : i32
    %xor3A_369 = vector.broadcast %xor3A_368 : i32 to vector<16xi32>
    %xor3A_370 = arith.xori %iota3A, %xor3A_369 : vector<16xi32>
    %broadcast_in_dim3A_371 = vector.shape_cast %xor3A_370 : vector<16xi32> to vector<16x1xi32>
    %gather3A_372 = vector.shape_cast %broadcast_in_dim3A_371 : vector<16x1xi32> to vector<16xi32>
    %gather3A_373 = tpu.dynamic_gather %mul3A_367[%gather3A_372] in [0] : vector<16xf32>, vector<16xi32> -> vector<16xf32>
    %add3A_374 = arith.addf %mul3A_367, %gather3A_373 : vector<16xf32>
    %xor3A_375 = arith.constant 2 : i32
    %xor3A_376 = vector.broadcast %xor3A_375 : i32 to vector<16xi32>
    %xor3A_377 = arith.xori %iota3A, %xor3A_376 : vector<16xi32>
    %broadcast_in_dim3A_378 = vector.shape_cast %xor3A_377 : vector<16xi32> to vector<16x1xi32>
    %gather3A_379 = vector.shape_cast %broadcast_in_dim3A_378 : vector<16x1xi32> to vector<16xi32>
    %gather3A_380 = tpu.dynamic_gather %add3A_374[%gather3A_379] in [0] : vector<16xf32>, vector<16xi32> -> vector<16xf32>
    %add3A_381 = arith.addf %add3A_374, %gather3A_380 : vector<16xf32>
    %xor3A_382 = arith.constant 4 : i32
    %xor3A_383 = vector.broadcast %xor3A_382 : i32 to vector<16xi32>
    %xor3A_384 = arith.xori %iota3A, %xor3A_383 : vector<16xi32>
    %broadcast_in_dim3A_385 = vector.shape_cast %xor3A_384 : vector<16xi32> to vector<16x1xi32>
    %gather3A_386 = vector.shape_cast %broadcast_in_dim3A_385 : vector<16x1xi32> to vector<16xi32>
    %gather3A_387 = tpu.dynamic_gather %add3A_381[%gather3A_386] in [0] : vector<16xf32>, vector<16xi32> -> vector<16xf32>
    %add3A_388 = arith.addf %add3A_381, %gather3A_387 : vector<16xf32>
    %broadcast_in_dim3A_389 = vector.shape_cast %mul3A_8 : vector<16xi32> to vector<16x1xi32>
    %gather3A_390 = vector.shape_cast %broadcast_in_dim3A_389 : vector<16x1xi32> to vector<16xi32>
    %gather3A_391 = tpu.dynamic_gather %add3A_388[%gather3A_390] in [0] : vector<16xf32>, vector<16xi32> -> vector<16xf32>
    %shift_right_arithmetic3A_392 = arith.constant 1 : i32
    %shift_right_arithmetic3A_393 = vector.broadcast %shift_right_arithmetic3A_392 : i32 to vector<16xi32>
    %shift_right_arithmetic3A_394 = arith.shrsi %iota3A, %shift_right_arithmetic3A_393 : vector<16xi32>
    %eq3A_395 = arith.constant 3 : i32
    %eq3A_396 = vector.broadcast %eq3A_395 : i32 to vector<16xi32>
    %eq3A_397 = arith.cmpi eq, %shift_right_arithmetic3A_394, %eq3A_396 : vector<16xi32>
    %jit3A_398 = arith.constant 0.000000e+00 : f32
    %broadcast_in_dim3A_399 = vector.broadcast %jit3A_398 : f32 to vector<16xf32>
    %select_n3A_400 = arith.select %eq3A_397, %gather3A_391, %broadcast_in_dim3A_399 : vector<16xi1>, vector<16xf32>
    %add3A_401 = arith.addf %add3A_364, %select_n3A_400 : vector<16xf32>
    %add3A_402 = arith.addi %broadcast_in_dim3A_255, %get3A_250 : vector<16xi32>
    %gather3A_403 = tpu.vector_load_idx %arg7[%add3A_402] : memref<23552xf32, #tpu.memory_space<vmem>>[vector<16xi32>], vector<16xf32>,
    %mul3A_404 = arith.mulf %div3A_234, %gather3A_403 : vector<16xf32>
    %xor3A_405 = arith.constant 1 : i32
    %xor3A_406 = vector.broadcast %xor3A_405 : i32 to vector<16xi32>
    %xor3A_407 = arith.xori %iota3A, %xor3A_406 : vector<16xi32>
    %broadcast_in_dim3A_408 = vector.shape_cast %xor3A_407 : vector<16xi32> to vector<16x1xi32>
    %gather3A_409 = vector.shape_cast %broadcast_in_dim3A_408 : vector<16x1xi32> to vector<16xi32>
    %gather3A_410 = tpu.dynamic_gather %mul3A_404[%gather3A_409] in [0] : vector<16xf32>, vector<16xi32> -> vector<16xf32>
    %add3A_411 = arith.addf %mul3A_404, %gather3A_410 : vector<16xf32>
    %xor3A_412 = arith.constant 2 : i32
    %xor3A_413 = vector.broadcast %xor3A_412 : i32 to vector<16xi32>
    %xor3A_414 = arith.xori %iota3A, %xor3A_413 : vector<16xi32>
    %broadcast_in_dim3A_415 = vector.shape_cast %xor3A_414 : vector<16xi32> to vector<16x1xi32>
    %gather3A_416 = vector.shape_cast %broadcast_in_dim3A_415 : vector<16x1xi32> to vector<16xi32>
    %gather3A_417 = tpu.dynamic_gather %add3A_411[%gather3A_416] in [0] : vector<16xf32>, vector<16xi32> -> vector<16xf32>
    %add3A_418 = arith.addf %add3A_411, %gather3A_417 : vector<16xf32>
    %xor3A_419 = arith.constant 4 : i32
    %xor3A_420 = vector.broadcast %xor3A_419 : i32 to vector<16xi32>
    %xor3A_421 = arith.xori %iota3A, %xor3A_420 : vector<16xi32>
    %broadcast_in_dim3A_422 = vector.shape_cast %xor3A_421 : vector<16xi32> to vector<16x1xi32>
    %gather3A_423 = vector.shape_cast %broadcast_in_dim3A_422 : vector<16x1xi32> to vector<16xi32>
    %gather3A_424 = tpu.dynamic_gather %add3A_418[%gather3A_423] in [0] : vector<16xf32>, vector<16xi32> -> vector<16xf32>
    %add3A_425 = arith.addf %add3A_418, %gather3A_424 : vector<16xf32>
    %broadcast_in_dim3A_426 = vector.shape_cast %mul3A_8 : vector<16xi32> to vector<16x1xi32>
    %gather3A_427 = vector.shape_cast %broadcast_in_dim3A_426 : vector<16x1xi32> to vector<16xi32>
    %gather3A_428 = tpu.dynamic_gather %add3A_425[%gather3A_427] in [0] : vector<16xf32>, vector<16xi32> -> vector<16xf32>
    %shift_right_arithmetic3A_429 = arith.constant 1 : i32
    %shift_right_arithmetic3A_430 = vector.broadcast %shift_right_arithmetic3A_429 : i32 to vector<16xi32>
    %shift_right_arithmetic3A_431 = arith.shrsi %iota3A, %shift_right_arithmetic3A_430 : vector<16xi32>
    %eq3A_432 = arith.constant 4 : i32
    %eq3A_433 = vector.broadcast %eq3A_432 : i32 to vector<16xi32>
    %eq3A_434 = arith.cmpi eq, %shift_right_arithmetic3A_431, %eq3A_433 : vector<16xi32>
    %jit3A_435 = arith.constant 0.000000e+00 : f32
    %broadcast_in_dim3A_436 = vector.broadcast %jit3A_435 : f32 to vector<16xf32>
    %select_n3A_437 = arith.select %eq3A_434, %gather3A_428, %broadcast_in_dim3A_436 : vector<16xi1>, vector<16xf32>
    %add3A_438 = arith.addf %add3A_401, %select_n3A_437 : vector<16xf32>
    %lt3A = arith.constant 10 : i32
    %lt3A_439 = vector.broadcast %lt3A : i32 to vector<16xi32>
    %lt3A_440 = arith.cmpi slt, %iota3A, %lt3A_439 : vector<16xi32>
    %jit3A_441 = arith.constant -1.000000e+30 : f32
    %broadcast_in_dim3A_442 = vector.broadcast %jit3A_441 : f32 to vector<16xf32>
    %select_n3A_443 = arith.select %lt3A_440, %add3A_438, %broadcast_in_dim3A_442 : vector<16xi1>, vector<16xf32>
    %xor3A_444 = arith.constant 1 : i32
    %xor3A_445 = vector.broadcast %xor3A_444 : i32 to vector<16xi32>
    %xor3A_446 = arith.xori %iota3A, %xor3A_445 : vector<16xi32>
    %broadcast_in_dim3A_447 = vector.shape_cast %xor3A_446 : vector<16xi32> to vector<16x1xi32>
    %gather3A_448 = vector.shape_cast %broadcast_in_dim3A_447 : vector<16x1xi32> to vector<16xi32>
    %gather3A_449 = tpu.dynamic_gather %select_n3A_443[%gather3A_448] in [0] : vector<16xf32>, vector<16xi32> -> vector<16xf32>
    %max3A_450 = arith.maximumf %select_n3A_443, %gather3A_449 : vector<16xf32>
    %xor3A_451 = arith.constant 2 : i32
    %xor3A_452 = vector.broadcast %xor3A_451 : i32 to vector<16xi32>
    %xor3A_453 = arith.xori %iota3A, %xor3A_452 : vector<16xi32>
    %broadcast_in_dim3A_454 = vector.shape_cast %xor3A_453 : vector<16xi32> to vector<16x1xi32>
    %gather3A_455 = vector.shape_cast %broadcast_in_dim3A_454 : vector<16x1xi32> to vector<16xi32>
    %gather3A_456 = tpu.dynamic_gather %max3A_450[%gather3A_455] in [0] : vector<16xf32>, vector<16xi32> -> vector<16xf32>
    %max3A_457 = arith.maximumf %max3A_450, %gather3A_456 : vector<16xf32>
    %xor3A_458 = arith.constant 4 : i32
    %xor3A_459 = vector.broadcast %xor3A_458 : i32 to vector<16xi32>
    %xor3A_460 = arith.xori %iota3A, %xor3A_459 : vector<16xi32>
    %broadcast_in_dim3A_461 = vector.shape_cast %xor3A_460 : vector<16xi32> to vector<16x1xi32>
    %gather3A_462 = vector.shape_cast %broadcast_in_dim3A_461 : vector<16x1xi32> to vector<16xi32>
    %gather3A_463 = tpu.dynamic_gather %max3A_457[%gather3A_462] in [0] : vector<16xf32>, vector<16xi32> -> vector<16xf32>
    %max3A_464 = arith.maximumf %max3A_457, %gather3A_463 : vector<16xf32>
    %xor3A_465 = arith.constant 8 : i32
    %xor3A_466 = vector.broadcast %xor3A_465 : i32 to vector<16xi32>
    %xor3A_467 = arith.xori %iota3A, %xor3A_466 : vector<16xi32>
    %broadcast_in_dim3A_468 = vector.shape_cast %xor3A_467 : vector<16xi32> to vector<16x1xi32>
    %gather3A_469 = vector.shape_cast %broadcast_in_dim3A_468 : vector<16x1xi32> to vector<16xi32>
    %gather3A_470 = tpu.dynamic_gather %max3A_464[%gather3A_469] in [0] : vector<16xf32>, vector<16xi32> -> vector<16xf32>
    %max3A_471 = arith.maximumf %max3A_464, %gather3A_470 : vector<16xf32>
    %sub3A_472 = arith.subf %select_n3A_443, %max3A_471 : vector<16xf32>
    %exp3A_473 = math.exp %sub3A_472 : vector<16xf32>
    %xor3A_474 = arith.constant 1 : i32
    %xor3A_475 = vector.broadcast %xor3A_474 : i32 to vector<16xi32>
    %xor3A_476 = arith.xori %iota3A, %xor3A_475 : vector<16xi32>
    %broadcast_in_dim3A_477 = vector.shape_cast %xor3A_476 : vector<16xi32> to vector<16x1xi32>
    %gather3A_478 = vector.shape_cast %broadcast_in_dim3A_477 : vector<16x1xi32> to vector<16xi32>
    %gather3A_479 = tpu.dynamic_gather %exp3A_473[%gather3A_478] in [0] : vector<16xf32>, vector<16xi32> -> vector<16xf32>
    %add3A_480 = arith.addf %exp3A_473, %gather3A_479 : vector<16xf32>
    %xor3A_481 = arith.constant 2 : i32
    %xor3A_482 = vector.broadcast %xor3A_481 : i32 to vector<16xi32>
    %xor3A_483 = arith.xori %iota3A, %xor3A_482 : vector<16xi32>
    %broadcast_in_dim3A_484 = vector.shape_cast %xor3A_483 : vector<16xi32> to vector<16x1xi32>
    %gather3A_485 = vector.shape_cast %broadcast_in_dim3A_484 : vector<16x1xi32> to vector<16xi32>
    %gather3A_486 = tpu.dynamic_gather %add3A_480[%gather3A_485] in [0] : vector<16xf32>, vector<16xi32> -> vector<16xf32>
    %add3A_487 = arith.addf %add3A_480, %gather3A_486 : vector<16xf32>
    %xor3A_488 = arith.constant 4 : i32
    %xor3A_489 = vector.broadcast %xor3A_488 : i32 to vector<16xi32>
    %xor3A_490 = arith.xori %iota3A, %xor3A_489 : vector<16xi32>
    %broadcast_in_dim3A_491 = vector.shape_cast %xor3A_490 : vector<16xi32> to vector<16x1xi32>
    %gather3A_492 = vector.shape_cast %broadcast_in_dim3A_491 : vector<16x1xi32> to vector<16xi32>
    %gather3A_493 = tpu.dynamic_gather %add3A_487[%gather3A_492] in [0] : vector<16xf32>, vector<16xi32> -> vector<16xf32>
    %add3A_494 = arith.addf %add3A_487, %gather3A_493 : vector<16xf32>
    %xor3A_495 = arith.constant 8 : i32
    %xor3A_496 = vector.broadcast %xor3A_495 : i32 to vector<16xi32>
    %xor3A_497 = arith.xori %iota3A, %xor3A_496 : vector<16xi32>
    %broadcast_in_dim3A_498 = vector.shape_cast %xor3A_497 : vector<16xi32> to vector<16x1xi32>
    %gather3A_499 = vector.shape_cast %broadcast_in_dim3A_498 : vector<16x1xi32> to vector<16xi32>
    %gather3A_500 = tpu.dynamic_gather %add3A_494[%gather3A_499] in [0] : vector<16xf32>, vector<16xi32> -> vector<16xf32>
    %add3A_501 = arith.addf %add3A_494, %gather3A_500 : vector<16xf32>
    %bitcast3A = vector.bitcast %add3A_501 : vector<16xf32> to vector<16xi32>
    %shift_right_arithmetic3A_502 = arith.constant 23 : i32
    %shift_right_arithmetic3A_503 = vector.broadcast %shift_right_arithmetic3A_502 : i32 to vector<16xi32>
    %shift_right_arithmetic3A_504 = arith.shrsi %bitcast3A, %shift_right_arithmetic3A_503 : vector<16xi32>
    %and3A_505 = arith.constant 255 : i32
    %and3A_506 = vector.broadcast %and3A_505 : i32 to vector<16xi32>
    %and3A_507 = arith.andi %shift_right_arithmetic3A_504, %and3A_506 : vector<16xi32>
    %sub3A_508 = arith.constant 127 : i32
    %sub3A_509 = vector.broadcast %sub3A_508 : i32 to vector<16xi32>
    %sub3A_510 = arith.subi %and3A_507, %sub3A_509 : vector<16xi32>
    %and3A_511 = arith.constant 8388607 : i32
    %and3A_512 = vector.broadcast %and3A_511 : i32 to vector<16xi32>
    %and3A_513 = arith.andi %bitcast3A, %and3A_512 : vector<16xi32>
    %or3A = arith.constant 1065353216 : i32
    %or3A_514 = vector.broadcast %or3A : i32 to vector<16xi32>
    %or3A_515 = arith.ori %and3A_513, %or3A_514 : vector<16xi32>
    %bitcast3A_516 = vector.bitcast %or3A_515 : vector<16xi32> to vector<16xf32>
    %sub3A_517 = arith.constant 1.000000e+00 : f32
    %sub3A_518 = vector.broadcast %sub3A_517 : f32 to vector<16xf32>
    %sub3A_519 = arith.subf %bitcast3A_516, %sub3A_518 : vector<16xf32>
    %add3A_520 = arith.constant 1.000000e+00 : f32
    %add3A_521 = vector.broadcast %add3A_520 : f32 to vector<16xf32>
    %add3A_522 = arith.addf %bitcast3A_516, %add3A_521 : vector<16xf32>
    %div3A_523 = arith.divf %sub3A_519, %add3A_522 : vector<16xf32>
    %mul3A_524 = arith.mulf %div3A_523, %div3A_523 : vector<16xf32>
    %mul3A_525 = arith.constant 2.000000e+00 : f32
    %mul3A_526 = vector.broadcast %mul3A_525 : f32 to vector<16xf32>
    %mul3A_527 = arith.mulf %mul3A_526, %div3A_523 : vector<16xf32>
    %mul3A_528 = arith.constant 0.142857149 : f32
    %mul3A_529 = vector.broadcast %mul3A_528 : f32 to vector<16xf32>
    %mul3A_530 = arith.mulf %mul3A_524, %mul3A_529 : vector<16xf32>
    %add3A_531 = arith.constant 2.000000e-01 : f32
    %add3A_532 = vector.broadcast %add3A_531 : f32 to vector<16xf32>
    %add3A_533 = arith.addf %add3A_532, %mul3A_530 : vector<16xf32>
    %mul3A_534 = arith.mulf %mul3A_524, %add3A_533 : vector<16xf32>
    %add3A_535 = arith.constant 0.333333343 : f32
    %add3A_536 = vector.broadcast %add3A_535 : f32 to vector<16xf32>
    %add3A_537 = arith.addf %add3A_536, %mul3A_534 : vector<16xf32>
    %mul3A_538 = arith.mulf %mul3A_524, %add3A_537 : vector<16xf32>
    %add3A_539 = arith.constant 1.000000e+00 : f32
    %add3A_540 = vector.broadcast %add3A_539 : f32 to vector<16xf32>
    %add3A_541 = arith.addf %add3A_540, %mul3A_538 : vector<16xf32>
    %mul3A_542 = arith.mulf %mul3A_527, %add3A_541 : vector<16xf32>
    %convert_element_type3A = arith.sitofp %sub3A_510 : vector<16xi32> to vector<16xf32>
    %mul3A_543 = arith.constant 0.693147182 : f32
    %mul3A_544 = vector.broadcast %mul3A_543 : f32 to vector<16xf32>
    %mul3A_545 = arith.mulf %convert_element_type3A, %mul3A_544 : vector<16xf32>
    %add3A_546 = arith.addf %mul3A_545, %mul3A_542 : vector<16xf32>
    %add3A_547 = arith.addf %max3A_471, %add3A_546 : vector<16xf32>
    %broadcast_in_dim3A_548 = arith.constant 0 : i32
    %broadcast_in_dim3A_549 = vector.broadcast %broadcast_in_dim3A_548 : i32 to vector<16xi32>
    %broadcast_in_dim3A_550 = vector.shape_cast %broadcast_in_dim3A_549 : vector<16xi32> to vector<16x1xi32>
    %gather3A_551 = vector.shape_cast %broadcast_in_dim3A_550 : vector<16x1xi32> to vector<16xi32>
    %gather3A_552 = tpu.dynamic_gather %gather3A_240[%gather3A_551] in [0] : vector<16xi32>, vector<16xi32> -> vector<16xi32>
    %broadcast_in_dim3A_553 = vector.shape_cast %gather3A_552 : vector<16xi32> to vector<16x1xi32>
    %gather3A_554 = vector.shape_cast %broadcast_in_dim3A_553 : vector<16x1xi32> to vector<16xi32>
    %gather3A_555 = tpu.dynamic_gather %add3A_438[%gather3A_554] in [0] : vector<16xf32>, vector<16xi32> -> vector<16xf32>
    %eq3A_556 = arith.constant 0 : i32
    %eq3A_557 = vector.broadcast %eq3A_556 : i32 to vector<16xi32>
    %eq3A_558 = arith.cmpi eq, %iota3A, %eq3A_557 : vector<16xi32>
    %sub3A_559 = arith.subf %add3A_547, %gather3A_555 : vector<16xf32>
    %jit3A_560 = arith.constant 0.000000e+00 : f32
    %broadcast_in_dim3A_561 = vector.broadcast %jit3A_560 : f32 to vector<16xf32>
    %select_n3A_562 = arith.select %eq3A_558, %sub3A_559, %broadcast_in_dim3A_561 : vector<16xi1>, vector<16xf32>
    %add3A_563 = arith.addf %broadcast_in_dim3A_253, %select_n3A_562 : vector<16xf32>
    %broadcast_in_dim3A_564 = arith.constant 2944 : i32
    %broadcast_in_dim3A_565 = vector.broadcast %broadcast_in_dim3A_564 : i32 to vector<16xi32>
    %broadcast_in_dim3A_566 = arith.constant 0.000000e+00 : f32
    %broadcast_in_dim3A_567 = vector.broadcast %broadcast_in_dim3A_566 : f32 to vector<16xf32>
    %add3A_568 = arith.addi %broadcast_in_dim3A_565, %get3A_242 : vector<16xi32>
    %gather3A_569 = tpu.vector_load_idx %arg7[%add3A_568] : memref<23552xf32, #tpu.memory_space<vmem>>[vector<16xi32>], vector<16xf32>,
    %mul3A_570 = arith.mulf %div3A, %gather3A_569 : vector<16xf32>
    %xor3A_571 = arith.constant 1 : i32
    %xor3A_572 = vector.broadcast %xor3A_571 : i32 to vector<16xi32>
    %xor3A_573 = arith.xori %iota3A, %xor3A_572 : vector<16xi32>
    %broadcast_in_dim3A_574 = vector.shape_cast %xor3A_573 : vector<16xi32> to vector<16x1xi32>
    %gather3A_575 = vector.shape_cast %broadcast_in_dim3A_574 : vector<16x1xi32> to vector<16xi32>
    %gather3A_576 = tpu.dynamic_gather %mul3A_570[%gather3A_575] in [0] : vector<16xf32>, vector<16xi32> -> vector<16xf32>
    %add3A_577 = arith.addf %mul3A_570, %gather3A_576 : vector<16xf32>
    %xor3A_578 = arith.constant 2 : i32
    %xor3A_579 = vector.broadcast %xor3A_578 : i32 to vector<16xi32>
    %xor3A_580 = arith.xori %iota3A, %xor3A_579 : vector<16xi32>
    %broadcast_in_dim3A_581 = vector.shape_cast %xor3A_580 : vector<16xi32> to vector<16x1xi32>
    %gather3A_582 = vector.shape_cast %broadcast_in_dim3A_581 : vector<16x1xi32> to vector<16xi32>
    %gather3A_583 = tpu.dynamic_gather %add3A_577[%gather3A_582] in [0] : vector<16xf32>, vector<16xi32> -> vector<16xf32>
    %add3A_584 = arith.addf %add3A_577, %gather3A_583 : vector<16xf32>
    %xor3A_585 = arith.constant 4 : i32
    %xor3A_586 = vector.broadcast %xor3A_585 : i32 to vector<16xi32>
    %xor3A_587 = arith.xori %iota3A, %xor3A_586 : vector<16xi32>
    %broadcast_in_dim3A_588 = vector.shape_cast %xor3A_587 : vector<16xi32> to vector<16x1xi32>
    %gather3A_589 = vector.shape_cast %broadcast_in_dim3A_588 : vector<16x1xi32> to vector<16xi32>
    %gather3A_590 = tpu.dynamic_gather %add3A_584[%gather3A_589] in [0] : vector<16xf32>, vector<16xi32> -> vector<16xf32>
    %add3A_591 = arith.addf %add3A_584, %gather3A_590 : vector<16xf32>
    %broadcast_in_dim3A_592 = vector.shape_cast %mul3A_8 : vector<16xi32> to vector<16x1xi32>
    %gather3A_593 = vector.shape_cast %broadcast_in_dim3A_592 : vector<16x1xi32> to vector<16xi32>
    %gather3A_594 = tpu.dynamic_gather %add3A_591[%gather3A_593] in [0] : vector<16xf32>, vector<16xi32> -> vector<16xf32>
    %shift_right_arithmetic3A_595 = arith.constant 1 : i32
    %shift_right_arithmetic3A_596 = vector.broadcast %shift_right_arithmetic3A_595 : i32 to vector<16xi32>
    %shift_right_arithmetic3A_597 = arith.shrsi %iota3A, %shift_right_arithmetic3A_596 : vector<16xi32>
    %eq3A_598 = arith.constant 0 : i32
    %eq3A_599 = vector.broadcast %eq3A_598 : i32 to vector<16xi32>
    %eq3A_600 = arith.cmpi eq, %shift_right_arithmetic3A_597, %eq3A_599 : vector<16xi32>
    %jit3A_601 = arith.constant 0.000000e+00 : f32
    %broadcast_in_dim3A_602 = vector.broadcast %jit3A_601 : f32 to vector<16xf32>
    %select_n3A_603 = arith.select %eq3A_600, %gather3A_594, %broadcast_in_dim3A_602 : vector<16xi1>, vector<16xf32>
    %add3A_604 = arith.addf %broadcast_in_dim3A_567, %select_n3A_603 : vector<16xf32>
    %add3A_605 = arith.addi %broadcast_in_dim3A_565, %get3A_244 : vector<16xi32>
    %gather3A_606 = tpu.vector_load_idx %arg7[%add3A_605] : memref<23552xf32, #tpu.memory_space<vmem>>[vector<16xi32>], vector<16xf32>,
    %mul3A_607 = arith.mulf %div3A_93, %gather3A_606 : vector<16xf32>
    %xor3A_608 = arith.constant 1 : i32
    %xor3A_609 = vector.broadcast %xor3A_608 : i32 to vector<16xi32>
    %xor3A_610 = arith.xori %iota3A, %xor3A_609 : vector<16xi32>
    %broadcast_in_dim3A_611 = vector.shape_cast %xor3A_610 : vector<16xi32> to vector<16x1xi32>
    %gather3A_612 = vector.shape_cast %broadcast_in_dim3A_611 : vector<16x1xi32> to vector<16xi32>
    %gather3A_613 = tpu.dynamic_gather %mul3A_607[%gather3A_612] in [0] : vector<16xf32>, vector<16xi32> -> vector<16xf32>
    %add3A_614 = arith.addf %mul3A_607, %gather3A_613 : vector<16xf32>
    %xor3A_615 = arith.constant 2 : i32
    %xor3A_616 = vector.broadcast %xor3A_615 : i32 to vector<16xi32>
    %xor3A_617 = arith.xori %iota3A, %xor3A_616 : vector<16xi32>
    %broadcast_in_dim3A_618 = vector.shape_cast %xor3A_617 : vector<16xi32> to vector<16x1xi32>
    %gather3A_619 = vector.shape_cast %broadcast_in_dim3A_618 : vector<16x1xi32> to vector<16xi32>
    %gather3A_620 = tpu.dynamic_gather %add3A_614[%gather3A_619] in [0] : vector<16xf32>, vector<16xi32> -> vector<16xf32>
    %add3A_621 = arith.addf %add3A_614, %gather3A_620 : vector<16xf32>
    %xor3A_622 = arith.constant 4 : i32
    %xor3A_623 = vector.broadcast %xor3A_622 : i32 to vector<16xi32>
    %xor3A_624 = arith.xori %iota3A, %xor3A_623 : vector<16xi32>
    %broadcast_in_dim3A_625 = vector.shape_cast %xor3A_624 : vector<16xi32> to vector<16x1xi32>
    %gather3A_626 = vector.shape_cast %broadcast_in_dim3A_625 : vector<16x1xi32> to vector<16xi32>
    %gather3A_627 = tpu.dynamic_gather %add3A_621[%gather3A_626] in [0] : vector<16xf32>, vector<16xi32> -> vector<16xf32>
    %add3A_628 = arith.addf %add3A_621, %gather3A_627 : vector<16xf32>
    %broadcast_in_dim3A_629 = vector.shape_cast %mul3A_8 : vector<16xi32> to vector<16x1xi32>
    %gather3A_630 = vector.shape_cast %broadcast_in_dim3A_629 : vector<16x1xi32> to vector<16xi32>
    %gather3A_631 = tpu.dynamic_gather %add3A_628[%gather3A_630] in [0] : vector<16xf32>, vector<16xi32> -> vector<16xf32>
    %shift_right_arithmetic3A_632 = arith.constant 1 : i32
    %shift_right_arithmetic3A_633 = vector.broadcast %shift_right_arithmetic3A_632 : i32 to vector<16xi32>
    %shift_right_arithmetic3A_634 = arith.shrsi %iota3A, %shift_right_arithmetic3A_633 : vector<16xi32>
    %eq3A_635 = arith.constant 1 : i32
    %eq3A_636 = vector.broadcast %eq3A_635 : i32 to vector<16xi32>
    %eq3A_637 = arith.cmpi eq, %shift_right_arithmetic3A_634, %eq3A_636 : vector<16xi32>
    %jit3A_638 = arith.constant 0.000000e+00 : f32
    %broadcast_in_dim3A_639 = vector.broadcast %jit3A_638 : f32 to vector<16xf32>
    %select_n3A_640 = arith.select %eq3A_637, %gather3A_631, %broadcast_in_dim3A_639 : vector<16xi1>, vector<16xf32>
    %add3A_641 = arith.addf %add3A_604, %select_n3A_640 : vector<16xf32>
    %add3A_642 = arith.addi %broadcast_in_dim3A_565, %get3A_246 : vector<16xi32>
    %gather3A_643 = tpu.vector_load_idx %arg7[%add3A_642] : memref<23552xf32, #tpu.memory_space<vmem>>[vector<16xi32>], vector<16xf32>,
    %mul3A_644 = arith.mulf %div3A_140, %gather3A_643 : vector<16xf32>
    %xor3A_645 = arith.constant 1 : i32
    %xor3A_646 = vector.broadcast %xor3A_645 : i32 to vector<16xi32>
    %xor3A_647 = arith.xori %iota3A, %xor3A_646 : vector<16xi32>
    %broadcast_in_dim3A_648 = vector.shape_cast %xor3A_647 : vector<16xi32> to vector<16x1xi32>
    %gather3A_649 = vector.shape_cast %broadcast_in_dim3A_648 : vector<16x1xi32> to vector<16xi32>
    %gather3A_650 = tpu.dynamic_gather %mul3A_644[%gather3A_649] in [0] : vector<16xf32>, vector<16xi32> -> vector<16xf32>
    %add3A_651 = arith.addf %mul3A_644, %gather3A_650 : vector<16xf32>
    %xor3A_652 = arith.constant 2 : i32
    %xor3A_653 = vector.broadcast %xor3A_652 : i32 to vector<16xi32>
    %xor3A_654 = arith.xori %iota3A, %xor3A_653 : vector<16xi32>
    %broadcast_in_dim3A_655 = vector.shape_cast %xor3A_654 : vector<16xi32> to vector<16x1xi32>
    %gather3A_656 = vector.shape_cast %broadcast_in_dim3A_655 : vector<16x1xi32> to vector<16xi32>
    %gather3A_657 = tpu.dynamic_gather %add3A_651[%gather3A_656] in [0] : vector<16xf32>, vector<16xi32> -> vector<16xf32>
    %add3A_658 = arith.addf %add3A_651, %gather3A_657 : vector<16xf32>
    %xor3A_659 = arith.constant 4 : i32
    %xor3A_660 = vector.broadcast %xor3A_659 : i32 to vector<16xi32>
    %xor3A_661 = arith.xori %iota3A, %xor3A_660 : vector<16xi32>
    %broadcast_in_dim3A_662 = vector.shape_cast %xor3A_661 : vector<16xi32> to vector<16x1xi32>
    %gather3A_663 = vector.shape_cast %broadcast_in_dim3A_662 : vector<16x1xi32> to vector<16xi32>
    %gather3A_664 = tpu.dynamic_gather %add3A_658[%gather3A_663] in [0] : vector<16xf32>, vector<16xi32> -> vector<16xf32>
    %add3A_665 = arith.addf %add3A_658, %gather3A_664 : vector<16xf32>
    %broadcast_in_dim3A_666 = vector.shape_cast %mul3A_8 : vector<16xi32> to vector<16x1xi32>
    %gather3A_667 = vector.shape_cast %broadcast_in_dim3A_666 : vector<16x1xi32> to vector<16xi32>
    %gather3A_668 = tpu.dynamic_gather %add3A_665[%gather3A_667] in [0] : vector<16xf32>, vector<16xi32> -> vector<16xf32>
    %shift_right_arithmetic3A_669 = arith.constant 1 : i32
    %shift_right_arithmetic3A_670 = vector.broadcast %shift_right_arithmetic3A_669 : i32 to vector<16xi32>
    %shift_right_arithmetic3A_671 = arith.shrsi %iota3A, %shift_right_arithmetic3A_670 : vector<16xi32>
    %eq3A_672 = arith.constant 2 : i32
    %eq3A_673 = vector.broadcast %eq3A_672 : i32 to vector<16xi32>
    %eq3A_674 = arith.cmpi eq, %shift_right_arithmetic3A_671, %eq3A_673 : vector<16xi32>
    %jit3A_675 = arith.constant 0.000000e+00 : f32
    %broadcast_in_dim3A_676 = vector.broadcast %jit3A_675 : f32 to vector<16xf32>
    %select_n3A_677 = arith.select %eq3A_674, %gather3A_668, %broadcast_in_dim3A_676 : vector<16xi1>, vector<16xf32>
    %add3A_678 = arith.addf %add3A_641, %select_n3A_677 : vector<16xf32>
    %add3A_679 = arith.addi %broadcast_in_dim3A_565, %get3A_248 : vector<16xi32>
    %gather3A_680 = tpu.vector_load_idx %arg7[%add3A_679] : memref<23552xf32, #tpu.memory_space<vmem>>[vector<16xi32>], vector<16xf32>,
    %mul3A_681 = arith.mulf %div3A_187, %gather3A_680 : vector<16xf32>
    %xor3A_682 = arith.constant 1 : i32
    %xor3A_683 = vector.broadcast %xor3A_682 : i32 to vector<16xi32>
    %xor3A_684 = arith.xori %iota3A, %xor3A_683 : vector<16xi32>
    %broadcast_in_dim3A_685 = vector.shape_cast %xor3A_684 : vector<16xi32> to vector<16x1xi32>
    %gather3A_686 = vector.shape_cast %broadcast_in_dim3A_685 : vector<16x1xi32> to vector<16xi32>
    %gather3A_687 = tpu.dynamic_gather %mul3A_681[%gather3A_686] in [0] : vector<16xf32>, vector<16xi32> -> vector<16xf32>
    %add3A_688 = arith.addf %mul3A_681, %gather3A_687 : vector<16xf32>
    %xor3A_689 = arith.constant 2 : i32
    %xor3A_690 = vector.broadcast %xor3A_689 : i32 to vector<16xi32>
    %xor3A_691 = arith.xori %iota3A, %xor3A_690 : vector<16xi32>
    %broadcast_in_dim3A_692 = vector.shape_cast %xor3A_691 : vector<16xi32> to vector<16x1xi32>
    %gather3A_693 = vector.shape_cast %broadcast_in_dim3A_692 : vector<16x1xi32> to vector<16xi32>
    %gather3A_694 = tpu.dynamic_gather %add3A_688[%gather3A_693] in [0] : vector<16xf32>, vector<16xi32> -> vector<16xf32>
    %add3A_695 = arith.addf %add3A_688, %gather3A_694 : vector<16xf32>
    %xor3A_696 = arith.constant 4 : i32
    %xor3A_697 = vector.broadcast %xor3A_696 : i32 to vector<16xi32>
    %xor3A_698 = arith.xori %iota3A, %xor3A_697 : vector<16xi32>
    %broadcast_in_dim3A_699 = vector.shape_cast %xor3A_698 : vector<16xi32> to vector<16x1xi32>
    %gather3A_700 = vector.shape_cast %broadcast_in_dim3A_699 : vector<16x1xi32> to vector<16xi32>
    %gather3A_701 = tpu.dynamic_gather %add3A_695[%gather3A_700] in [0] : vector<16xf32>, vector<16xi32> -> vector<16xf32>
    %add3A_702 = arith.addf %add3A_695, %gather3A_701 : vector<16xf32>
    %broadcast_in_dim3A_703 = vector.shape_cast %mul3A_8 : vector<16xi32> to vector<16x1xi32>
    %gather3A_704 = vector.shape_cast %broadcast_in_dim3A_703 : vector<16x1xi32> to vector<16xi32>
    %gather3A_705 = tpu.dynamic_gather %add3A_702[%gather3A_704] in [0] : vector<16xf32>, vector<16xi32> -> vector<16xf32>
    %shift_right_arithmetic3A_706 = arith.constant 1 : i32
    %shift_right_arithmetic3A_707 = vector.broadcast %shift_right_arithmetic3A_706 : i32 to vector<16xi32>
    %shift_right_arithmetic3A_708 = arith.shrsi %iota3A, %shift_right_arithmetic3A_707 : vector<16xi32>
    %eq3A_709 = arith.constant 3 : i32
    %eq3A_710 = vector.broadcast %eq3A_709 : i32 to vector<16xi32>
    %eq3A_711 = arith.cmpi eq, %shift_right_arithmetic3A_708, %eq3A_710 : vector<16xi32>
    %jit3A_712 = arith.constant 0.000000e+00 : f32
    %broadcast_in_dim3A_713 = vector.broadcast %jit3A_712 : f32 to vector<16xf32>
    %select_n3A_714 = arith.select %eq3A_711, %gather3A_705, %broadcast_in_dim3A_713 : vector<16xi1>, vector<16xf32>
    %add3A_715 = arith.addf %add3A_678, %select_n3A_714 : vector<16xf32>
    %add3A_716 = arith.addi %broadcast_in_dim3A_565, %get3A_250 : vector<16xi32>
    %gather3A_717 = tpu.vector_load_idx %arg7[%add3A_716] : memref<23552xf32, #tpu.memory_space<vmem>>[vector<16xi32>], vector<16xf32>,
    %mul3A_718 = arith.mulf %div3A_234, %gather3A_717 : vector<16xf32>
    %xor3A_719 = arith.constant 1 : i32
    %xor3A_720 = vector.broadcast %xor3A_719 : i32 to vector<16xi32>
    %xor3A_721 = arith.xori %iota3A, %xor3A_720 : vector<16xi32>
    %broadcast_in_dim3A_722 = vector.shape_cast %xor3A_721 : vector<16xi32> to vector<16x1xi32>
    %gather3A_723 = vector.shape_cast %broadcast_in_dim3A_722 : vector<16x1xi32> to vector<16xi32>
    %gather3A_724 = tpu.dynamic_gather %mul3A_718[%gather3A_723] in [0] : vector<16xf32>, vector<16xi32> -> vector<16xf32>
    %add3A_725 = arith.addf %mul3A_718, %gather3A_724 : vector<16xf32>
    %xor3A_726 = arith.constant 2 : i32
    %xor3A_727 = vector.broadcast %xor3A_726 : i32 to vector<16xi32>
    %xor3A_728 = arith.xori %iota3A, %xor3A_727 : vector<16xi32>
    %broadcast_in_dim3A_729 = vector.shape_cast %xor3A_728 : vector<16xi32> to vector<16x1xi32>
    %gather3A_730 = vector.shape_cast %broadcast_in_dim3A_729 : vector<16x1xi32> to vector<16xi32>
    %gather3A_731 = tpu.dynamic_gather %add3A_725[%gather3A_730] in [0] : vector<16xf32>, vector<16xi32> -> vector<16xf32>
    %add3A_732 = arith.addf %add3A_725, %gather3A_731 : vector<16xf32>
    %xor3A_733 = arith.constant 4 : i32
    %xor3A_734 = vector.broadcast %xor3A_733 : i32 to vector<16xi32>
    %xor3A_735 = arith.xori %iota3A, %xor3A_734 : vector<16xi32>
    %broadcast_in_dim3A_736 = vector.shape_cast %xor3A_735 : vector<16xi32> to vector<16x1xi32>
    %gather3A_737 = vector.shape_cast %broadcast_in_dim3A_736 : vector<16x1xi32> to vector<16xi32>
    %gather3A_738 = tpu.dynamic_gather %add3A_732[%gather3A_737] in [0] : vector<16xf32>, vector<16xi32> -> vector<16xf32>
    %add3A_739 = arith.addf %add3A_732, %gather3A_738 : vector<16xf32>
    %broadcast_in_dim3A_740 = vector.shape_cast %mul3A_8 : vector<16xi32> to vector<16x1xi32>
    %gather3A_741 = vector.shape_cast %broadcast_in_dim3A_740 : vector<16x1xi32> to vector<16xi32>
    %gather3A_742 = tpu.dynamic_gather %add3A_739[%gather3A_741] in [0] : vector<16xf32>, vector<16xi32> -> vector<16xf32>
    %shift_right_arithmetic3A_743 = arith.constant 1 : i32
    %shift_right_arithmetic3A_744 = vector.broadcast %shift_right_arithmetic3A_743 : i32 to vector<16xi32>
    %shift_right_arithmetic3A_745 = arith.shrsi %iota3A, %shift_right_arithmetic3A_744 : vector<16xi32>
    %eq3A_746 = arith.constant 4 : i32
    %eq3A_747 = vector.broadcast %eq3A_746 : i32 to vector<16xi32>
    %eq3A_748 = arith.cmpi eq, %shift_right_arithmetic3A_745, %eq3A_747 : vector<16xi32>
    %jit3A_749 = arith.constant 0.000000e+00 : f32
    %broadcast_in_dim3A_750 = vector.broadcast %jit3A_749 : f32 to vector<16xf32>
    %select_n3A_751 = arith.select %eq3A_748, %gather3A_742, %broadcast_in_dim3A_750 : vector<16xi1>, vector<16xf32>
    %add3A_752 = arith.addf %add3A_715, %select_n3A_751 : vector<16xf32>
    %lt3A_753 = arith.constant 10 : i32
    %lt3A_754 = vector.broadcast %lt3A_753 : i32 to vector<16xi32>
    %lt3A_755 = arith.cmpi slt, %iota3A, %lt3A_754 : vector<16xi32>
    %jit3A_756 = arith.constant -1.000000e+30 : f32
    %broadcast_in_dim3A_757 = vector.broadcast %jit3A_756 : f32 to vector<16xf32>
    %select_n3A_758 = arith.select %lt3A_755, %add3A_752, %broadcast_in_dim3A_757 : vector<16xi1>, vector<16xf32>
    %xor3A_759 = arith.constant 1 : i32
    %xor3A_760 = vector.broadcast %xor3A_759 : i32 to vector<16xi32>
    %xor3A_761 = arith.xori %iota3A, %xor3A_760 : vector<16xi32>
    %broadcast_in_dim3A_762 = vector.shape_cast %xor3A_761 : vector<16xi32> to vector<16x1xi32>
    %gather3A_763 = vector.shape_cast %broadcast_in_dim3A_762 : vector<16x1xi32> to vector<16xi32>
    %gather3A_764 = tpu.dynamic_gather %select_n3A_758[%gather3A_763] in [0] : vector<16xf32>, vector<16xi32> -> vector<16xf32>
    %max3A_765 = arith.maximumf %select_n3A_758, %gather3A_764 : vector<16xf32>
    %xor3A_766 = arith.constant 2 : i32
    %xor3A_767 = vector.broadcast %xor3A_766 : i32 to vector<16xi32>
    %xor3A_768 = arith.xori %iota3A, %xor3A_767 : vector<16xi32>
    %broadcast_in_dim3A_769 = vector.shape_cast %xor3A_768 : vector<16xi32> to vector<16x1xi32>
    %gather3A_770 = vector.shape_cast %broadcast_in_dim3A_769 : vector<16x1xi32> to vector<16xi32>
    %gather3A_771 = tpu.dynamic_gather %max3A_765[%gather3A_770] in [0] : vector<16xf32>, vector<16xi32> -> vector<16xf32>
    %max3A_772 = arith.maximumf %max3A_765, %gather3A_771 : vector<16xf32>
    %xor3A_773 = arith.constant 4 : i32
    %xor3A_774 = vector.broadcast %xor3A_773 : i32 to vector<16xi32>
    %xor3A_775 = arith.xori %iota3A, %xor3A_774 : vector<16xi32>
    %broadcast_in_dim3A_776 = vector.shape_cast %xor3A_775 : vector<16xi32> to vector<16x1xi32>
    %gather3A_777 = vector.shape_cast %broadcast_in_dim3A_776 : vector<16x1xi32> to vector<16xi32>
    %gather3A_778 = tpu.dynamic_gather %max3A_772[%gather3A_777] in [0] : vector<16xf32>, vector<16xi32> -> vector<16xf32>
    %max3A_779 = arith.maximumf %max3A_772, %gather3A_778 : vector<16xf32>
    %xor3A_780 = arith.constant 8 : i32
    %xor3A_781 = vector.broadcast %xor3A_780 : i32 to vector<16xi32>
    %xor3A_782 = arith.xori %iota3A, %xor3A_781 : vector<16xi32>
    %broadcast_in_dim3A_783 = vector.shape_cast %xor3A_782 : vector<16xi32> to vector<16x1xi32>
    %gather3A_784 = vector.shape_cast %broadcast_in_dim3A_783 : vector<16x1xi32> to vector<16xi32>
    %gather3A_785 = tpu.dynamic_gather %max3A_779[%gather3A_784] in [0] : vector<16xf32>, vector<16xi32> -> vector<16xf32>
    %max3A_786 = arith.maximumf %max3A_779, %gather3A_785 : vector<16xf32>
    %sub3A_787 = arith.subf %select_n3A_758, %max3A_786 : vector<16xf32>
    %exp3A_788 = math.exp %sub3A_787 : vector<16xf32>
    %xor3A_789 = arith.constant 1 : i32
    %xor3A_790 = vector.broadcast %xor3A_789 : i32 to vector<16xi32>
    %xor3A_791 = arith.xori %iota3A, %xor3A_790 : vector<16xi32>
    %broadcast_in_dim3A_792 = vector.shape_cast %xor3A_791 : vector<16xi32> to vector<16x1xi32>
    %gather3A_793 = vector.shape_cast %broadcast_in_dim3A_792 : vector<16x1xi32> to vector<16xi32>
    %gather3A_794 = tpu.dynamic_gather %exp3A_788[%gather3A_793] in [0] : vector<16xf32>, vector<16xi32> -> vector<16xf32>
    %add3A_795 = arith.addf %exp3A_788, %gather3A_794 : vector<16xf32>
    %xor3A_796 = arith.constant 2 : i32
    %xor3A_797 = vector.broadcast %xor3A_796 : i32 to vector<16xi32>
    %xor3A_798 = arith.xori %iota3A, %xor3A_797 : vector<16xi32>
    %broadcast_in_dim3A_799 = vector.shape_cast %xor3A_798 : vector<16xi32> to vector<16x1xi32>
    %gather3A_800 = vector.shape_cast %broadcast_in_dim3A_799 : vector<16x1xi32> to vector<16xi32>
    %gather3A_801 = tpu.dynamic_gather %add3A_795[%gather3A_800] in [0] : vector<16xf32>, vector<16xi32> -> vector<16xf32>
    %add3A_802 = arith.addf %add3A_795, %gather3A_801 : vector<16xf32>
    %xor3A_803 = arith.constant 4 : i32
    %xor3A_804 = vector.broadcast %xor3A_803 : i32 to vector<16xi32>
    %xor3A_805 = arith.xori %iota3A, %xor3A_804 : vector<16xi32>
    %broadcast_in_dim3A_806 = vector.shape_cast %xor3A_805 : vector<16xi32> to vector<16x1xi32>
    %gather3A_807 = vector.shape_cast %broadcast_in_dim3A_806 : vector<16x1xi32> to vector<16xi32>
    %gather3A_808 = tpu.dynamic_gather %add3A_802[%gather3A_807] in [0] : vector<16xf32>, vector<16xi32> -> vector<16xf32>
    %add3A_809 = arith.addf %add3A_802, %gather3A_808 : vector<16xf32>
    %xor3A_810 = arith.constant 8 : i32
    %xor3A_811 = vector.broadcast %xor3A_810 : i32 to vector<16xi32>
    %xor3A_812 = arith.xori %iota3A, %xor3A_811 : vector<16xi32>
    %broadcast_in_dim3A_813 = vector.shape_cast %xor3A_812 : vector<16xi32> to vector<16x1xi32>
    %gather3A_814 = vector.shape_cast %broadcast_in_dim3A_813 : vector<16x1xi32> to vector<16xi32>
    %gather3A_815 = tpu.dynamic_gather %add3A_809[%gather3A_814] in [0] : vector<16xf32>, vector<16xi32> -> vector<16xf32>
    %add3A_816 = arith.addf %add3A_809, %gather3A_815 : vector<16xf32>
    %bitcast3A_817 = vector.bitcast %add3A_816 : vector<16xf32> to vector<16xi32>
    %shift_right_arithmetic3A_818 = arith.constant 23 : i32
    %shift_right_arithmetic3A_819 = vector.broadcast %shift_right_arithmetic3A_818 : i32 to vector<16xi32>
    %shift_right_arithmetic3A_820 = arith.shrsi %bitcast3A_817, %shift_right_arithmetic3A_819 : vector<16xi32>
    %and3A_821 = arith.constant 255 : i32
    %and3A_822 = vector.broadcast %and3A_821 : i32 to vector<16xi32>
    %and3A_823 = arith.andi %shift_right_arithmetic3A_820, %and3A_822 : vector<16xi32>
    %sub3A_824 = arith.constant 127 : i32
    %sub3A_825 = vector.broadcast %sub3A_824 : i32 to vector<16xi32>
    %sub3A_826 = arith.subi %and3A_823, %sub3A_825 : vector<16xi32>
    %and3A_827 = arith.constant 8388607 : i32
    %and3A_828 = vector.broadcast %and3A_827 : i32 to vector<16xi32>
    %and3A_829 = arith.andi %bitcast3A_817, %and3A_828 : vector<16xi32>
    %or3A_830 = arith.constant 1065353216 : i32
    %or3A_831 = vector.broadcast %or3A_830 : i32 to vector<16xi32>
    %or3A_832 = arith.ori %and3A_829, %or3A_831 : vector<16xi32>
    %bitcast3A_833 = vector.bitcast %or3A_832 : vector<16xi32> to vector<16xf32>
    %sub3A_834 = arith.constant 1.000000e+00 : f32
    %sub3A_835 = vector.broadcast %sub3A_834 : f32 to vector<16xf32>
    %sub3A_836 = arith.subf %bitcast3A_833, %sub3A_835 : vector<16xf32>
    %add3A_837 = arith.constant 1.000000e+00 : f32
    %add3A_838 = vector.broadcast %add3A_837 : f32 to vector<16xf32>
    %add3A_839 = arith.addf %bitcast3A_833, %add3A_838 : vector<16xf32>
    %div3A_840 = arith.divf %sub3A_836, %add3A_839 : vector<16xf32>
    %mul3A_841 = arith.mulf %div3A_840, %div3A_840 : vector<16xf32>
    %mul3A_842 = arith.constant 2.000000e+00 : f32
    %mul3A_843 = vector.broadcast %mul3A_842 : f32 to vector<16xf32>
    %mul3A_844 = arith.mulf %mul3A_843, %div3A_840 : vector<16xf32>
    %mul3A_845 = arith.constant 0.142857149 : f32
    %mul3A_846 = vector.broadcast %mul3A_845 : f32 to vector<16xf32>
    %mul3A_847 = arith.mulf %mul3A_841, %mul3A_846 : vector<16xf32>
    %add3A_848 = arith.constant 2.000000e-01 : f32
    %add3A_849 = vector.broadcast %add3A_848 : f32 to vector<16xf32>
    %add3A_850 = arith.addf %add3A_849, %mul3A_847 : vector<16xf32>
    %mul3A_851 = arith.mulf %mul3A_841, %add3A_850 : vector<16xf32>
    %add3A_852 = arith.constant 0.333333343 : f32
    %add3A_853 = vector.broadcast %add3A_852 : f32 to vector<16xf32>
    %add3A_854 = arith.addf %add3A_853, %mul3A_851 : vector<16xf32>
    %mul3A_855 = arith.mulf %mul3A_841, %add3A_854 : vector<16xf32>
    %add3A_856 = arith.constant 1.000000e+00 : f32
    %add3A_857 = vector.broadcast %add3A_856 : f32 to vector<16xf32>
    %add3A_858 = arith.addf %add3A_857, %mul3A_855 : vector<16xf32>
    %mul3A_859 = arith.mulf %mul3A_844, %add3A_858 : vector<16xf32>
    %convert_element_type3A_860 = arith.sitofp %sub3A_826 : vector<16xi32> to vector<16xf32>
    %mul3A_861 = arith.constant 0.693147182 : f32
    %mul3A_862 = vector.broadcast %mul3A_861 : f32 to vector<16xf32>
    %mul3A_863 = arith.mulf %convert_element_type3A_860, %mul3A_862 : vector<16xf32>
    %add3A_864 = arith.addf %mul3A_863, %mul3A_859 : vector<16xf32>
    %add3A_865 = arith.addf %max3A_786, %add3A_864 : vector<16xf32>
    %broadcast_in_dim3A_866 = arith.constant 1 : i32
    %broadcast_in_dim3A_867 = vector.broadcast %broadcast_in_dim3A_866 : i32 to vector<16xi32>
    %broadcast_in_dim3A_868 = vector.shape_cast %broadcast_in_dim3A_867 : vector<16xi32> to vector<16x1xi32>
    %gather3A_869 = vector.shape_cast %broadcast_in_dim3A_868 : vector<16x1xi32> to vector<16xi32>
    %gather3A_870 = tpu.dynamic_gather %gather3A_240[%gather3A_869] in [0] : vector<16xi32>, vector<16xi32> -> vector<16xi32>
    %broadcast_in_dim3A_871 = vector.shape_cast %gather3A_870 : vector<16xi32> to vector<16x1xi32>
    %gather3A_872 = vector.shape_cast %broadcast_in_dim3A_871 : vector<16x1xi32> to vector<16xi32>
    %gather3A_873 = tpu.dynamic_gather %add3A_752[%gather3A_872] in [0] : vector<16xf32>, vector<16xi32> -> vector<16xf32>
    %eq3A_874 = arith.constant 0 : i32
    %eq3A_875 = vector.broadcast %eq3A_874 : i32 to vector<16xi32>
    %eq3A_876 = arith.cmpi eq, %iota3A, %eq3A_875 : vector<16xi32>
    %sub3A_877 = arith.subf %add3A_865, %gather3A_873 : vector<16xf32>
    %jit3A_878 = arith.constant 0.000000e+00 : f32
    %broadcast_in_dim3A_879 = vector.broadcast %jit3A_878 : f32 to vector<16xf32>
    %select_n3A_880 = arith.select %eq3A_876, %sub3A_877, %broadcast_in_dim3A_879 : vector<16xi1>, vector<16xf32>
    %add3A_881 = arith.addf %add3A_563, %select_n3A_880 : vector<16xf32>
    %broadcast_in_dim3A_882 = arith.constant 5888 : i32
    %broadcast_in_dim3A_883 = vector.broadcast %broadcast_in_dim3A_882 : i32 to vector<16xi32>
    %broadcast_in_dim3A_884 = arith.constant 0.000000e+00 : f32
    %broadcast_in_dim3A_885 = vector.broadcast %broadcast_in_dim3A_884 : f32 to vector<16xf32>
    %add3A_886 = arith.addi %broadcast_in_dim3A_883, %get3A_242 : vector<16xi32>
    %gather3A_887 = tpu.vector_load_idx %arg7[%add3A_886] : memref<23552xf32, #tpu.memory_space<vmem>>[vector<16xi32>], vector<16xf32>,
    %mul3A_888 = arith.mulf %div3A, %gather3A_887 : vector<16xf32>
    %xor3A_889 = arith.constant 1 : i32
    %xor3A_890 = vector.broadcast %xor3A_889 : i32 to vector<16xi32>
    %xor3A_891 = arith.xori %iota3A, %xor3A_890 : vector<16xi32>
    %broadcast_in_dim3A_892 = vector.shape_cast %xor3A_891 : vector<16xi32> to vector<16x1xi32>
    %gather3A_893 = vector.shape_cast %broadcast_in_dim3A_892 : vector<16x1xi32> to vector<16xi32>
    %gather3A_894 = tpu.dynamic_gather %mul3A_888[%gather3A_893] in [0] : vector<16xf32>, vector<16xi32> -> vector<16xf32>
    %add3A_895 = arith.addf %mul3A_888, %gather3A_894 : vector<16xf32>
    %xor3A_896 = arith.constant 2 : i32
    %xor3A_897 = vector.broadcast %xor3A_896 : i32 to vector<16xi32>
    %xor3A_898 = arith.xori %iota3A, %xor3A_897 : vector<16xi32>
    %broadcast_in_dim3A_899 = vector.shape_cast %xor3A_898 : vector<16xi32> to vector<16x1xi32>
    %gather3A_900 = vector.shape_cast %broadcast_in_dim3A_899 : vector<16x1xi32> to vector<16xi32>
    %gather3A_901 = tpu.dynamic_gather %add3A_895[%gather3A_900] in [0] : vector<16xf32>, vector<16xi32> -> vector<16xf32>
    %add3A_902 = arith.addf %add3A_895, %gather3A_901 : vector<16xf32>
    %xor3A_903 = arith.constant 4 : i32
    %xor3A_904 = vector.broadcast %xor3A_903 : i32 to vector<16xi32>
    %xor3A_905 = arith.xori %iota3A, %xor3A_904 : vector<16xi32>
    %broadcast_in_dim3A_906 = vector.shape_cast %xor3A_905 : vector<16xi32> to vector<16x1xi32>
    %gather3A_907 = vector.shape_cast %broadcast_in_dim3A_906 : vector<16x1xi32> to vector<16xi32>
    %gather3A_908 = tpu.dynamic_gather %add3A_902[%gather3A_907] in [0] : vector<16xf32>, vector<16xi32> -> vector<16xf32>
    %add3A_909 = arith.addf %add3A_902, %gather3A_908 : vector<16xf32>
    %broadcast_in_dim3A_910 = vector.shape_cast %mul3A_8 : vector<16xi32> to vector<16x1xi32>
    %gather3A_911 = vector.shape_cast %broadcast_in_dim3A_910 : vector<16x1xi32> to vector<16xi32>
    %gather3A_912 = tpu.dynamic_gather %add3A_909[%gather3A_911] in [0] : vector<16xf32>, vector<16xi32> -> vector<16xf32>
    %shift_right_arithmetic3A_913 = arith.constant 1 : i32
    %shift_right_arithmetic3A_914 = vector.broadcast %shift_right_arithmetic3A_913 : i32 to vector<16xi32>
    %shift_right_arithmetic3A_915 = arith.shrsi %iota3A, %shift_right_arithmetic3A_914 : vector<16xi32>
    %eq3A_916 = arith.constant 0 : i32
    %eq3A_917 = vector.broadcast %eq3A_916 : i32 to vector<16xi32>
    %eq3A_918 = arith.cmpi eq, %shift_right_arithmetic3A_915, %eq3A_917 : vector<16xi32>
    %jit3A_919 = arith.constant 0.000000e+00 : f32
    %broadcast_in_dim3A_920 = vector.broadcast %jit3A_919 : f32 to vector<16xf32>
    %select_n3A_921 = arith.select %eq3A_918, %gather3A_912, %broadcast_in_dim3A_920 : vector<16xi1>, vector<16xf32>
    %add3A_922 = arith.addf %broadcast_in_dim3A_885, %select_n3A_921 : vector<16xf32>
    %add3A_923 = arith.addi %broadcast_in_dim3A_883, %get3A_244 : vector<16xi32>
    %gather3A_924 = tpu.vector_load_idx %arg7[%add3A_923] : memref<23552xf32, #tpu.memory_space<vmem>>[vector<16xi32>], vector<16xf32>,
    %mul3A_925 = arith.mulf %div3A_93, %gather3A_924 : vector<16xf32>
    %xor3A_926 = arith.constant 1 : i32
    %xor3A_927 = vector.broadcast %xor3A_926 : i32 to vector<16xi32>
    %xor3A_928 = arith.xori %iota3A, %xor3A_927 : vector<16xi32>
    %broadcast_in_dim3A_929 = vector.shape_cast %xor3A_928 : vector<16xi32> to vector<16x1xi32>
    %gather3A_930 = vector.shape_cast %broadcast_in_dim3A_929 : vector<16x1xi32> to vector<16xi32>
    %gather3A_931 = tpu.dynamic_gather %mul3A_925[%gather3A_930] in [0] : vector<16xf32>, vector<16xi32> -> vector<16xf32>
    %add3A_932 = arith.addf %mul3A_925, %gather3A_931 : vector<16xf32>
    %xor3A_933 = arith.constant 2 : i32
    %xor3A_934 = vector.broadcast %xor3A_933 : i32 to vector<16xi32>
    %xor3A_935 = arith.xori %iota3A, %xor3A_934 : vector<16xi32>
    %broadcast_in_dim3A_936 = vector.shape_cast %xor3A_935 : vector<16xi32> to vector<16x1xi32>
    %gather3A_937 = vector.shape_cast %broadcast_in_dim3A_936 : vector<16x1xi32> to vector<16xi32>
    %gather3A_938 = tpu.dynamic_gather %add3A_932[%gather3A_937] in [0] : vector<16xf32>, vector<16xi32> -> vector<16xf32>
    %add3A_939 = arith.addf %add3A_932, %gather3A_938 : vector<16xf32>
    %xor3A_940 = arith.constant 4 : i32
    %xor3A_941 = vector.broadcast %xor3A_940 : i32 to vector<16xi32>
    %xor3A_942 = arith.xori %iota3A, %xor3A_941 : vector<16xi32>
    %broadcast_in_dim3A_943 = vector.shape_cast %xor3A_942 : vector<16xi32> to vector<16x1xi32>
    %gather3A_944 = vector.shape_cast %broadcast_in_dim3A_943 : vector<16x1xi32> to vector<16xi32>
    %gather3A_945 = tpu.dynamic_gather %add3A_939[%gather3A_944] in [0] : vector<16xf32>, vector<16xi32> -> vector<16xf32>
    %add3A_946 = arith.addf %add3A_939, %gather3A_945 : vector<16xf32>
    %broadcast_in_dim3A_947 = vector.shape_cast %mul3A_8 : vector<16xi32> to vector<16x1xi32>
    %gather3A_948 = vector.shape_cast %broadcast_in_dim3A_947 : vector<16x1xi32> to vector<16xi32>
    %gather3A_949 = tpu.dynamic_gather %add3A_946[%gather3A_948] in [0] : vector<16xf32>, vector<16xi32> -> vector<16xf32>
    %shift_right_arithmetic3A_950 = arith.constant 1 : i32
    %shift_right_arithmetic3A_951 = vector.broadcast %shift_right_arithmetic3A_950 : i32 to vector<16xi32>
    %shift_right_arithmetic3A_952 = arith.shrsi %iota3A, %shift_right_arithmetic3A_951 : vector<16xi32>
    %eq3A_953 = arith.constant 1 : i32
    %eq3A_954 = vector.broadcast %eq3A_953 : i32 to vector<16xi32>
    %eq3A_955 = arith.cmpi eq, %shift_right_arithmetic3A_952, %eq3A_954 : vector<16xi32>
    %jit3A_956 = arith.constant 0.000000e+00 : f32
    %broadcast_in_dim3A_957 = vector.broadcast %jit3A_956 : f32 to vector<16xf32>
    %select_n3A_958 = arith.select %eq3A_955, %gather3A_949, %broadcast_in_dim3A_957 : vector<16xi1>, vector<16xf32>
    %add3A_959 = arith.addf %add3A_922, %select_n3A_958 : vector<16xf32>
    %add3A_960 = arith.addi %broadcast_in_dim3A_883, %get3A_246 : vector<16xi32>
    %gather3A_961 = tpu.vector_load_idx %arg7[%add3A_960] : memref<23552xf32, #tpu.memory_space<vmem>>[vector<16xi32>], vector<16xf32>,
    %mul3A_962 = arith.mulf %div3A_140, %gather3A_961 : vector<16xf32>
    %xor3A_963 = arith.constant 1 : i32
    %xor3A_964 = vector.broadcast %xor3A_963 : i32 to vector<16xi32>
    %xor3A_965 = arith.xori %iota3A, %xor3A_964 : vector<16xi32>
    %broadcast_in_dim3A_966 = vector.shape_cast %xor3A_965 : vector<16xi32> to vector<16x1xi32>
    %gather3A_967 = vector.shape_cast %broadcast_in_dim3A_966 : vector<16x1xi32> to vector<16xi32>
    %gather3A_968 = tpu.dynamic_gather %mul3A_962[%gather3A_967] in [0] : vector<16xf32>, vector<16xi32> -> vector<16xf32>
    %add3A_969 = arith.addf %mul3A_962, %gather3A_968 : vector<16xf32>
    %xor3A_970 = arith.constant 2 : i32
    %xor3A_971 = vector.broadcast %xor3A_970 : i32 to vector<16xi32>
    %xor3A_972 = arith.xori %iota3A, %xor3A_971 : vector<16xi32>
    %broadcast_in_dim3A_973 = vector.shape_cast %xor3A_972 : vector<16xi32> to vector<16x1xi32>
    %gather3A_974 = vector.shape_cast %broadcast_in_dim3A_973 : vector<16x1xi32> to vector<16xi32>
    %gather3A_975 = tpu.dynamic_gather %add3A_969[%gather3A_974] in [0] : vector<16xf32>, vector<16xi32> -> vector<16xf32>
    %add3A_976 = arith.addf %add3A_969, %gather3A_975 : vector<16xf32>
    %xor3A_977 = arith.constant 4 : i32
    %xor3A_978 = vector.broadcast %xor3A_977 : i32 to vector<16xi32>
    %xor3A_979 = arith.xori %iota3A, %xor3A_978 : vector<16xi32>
    %broadcast_in_dim3A_980 = vector.shape_cast %xor3A_979 : vector<16xi32> to vector<16x1xi32>
    %gather3A_981 = vector.shape_cast %broadcast_in_dim3A_980 : vector<16x1xi32> to vector<16xi32>
    %gather3A_982 = tpu.dynamic_gather %add3A_976[%gather3A_981] in [0] : vector<16xf32>, vector<16xi32> -> vector<16xf32>
    %add3A_983 = arith.addf %add3A_976, %gather3A_982 : vector<16xf32>
    %broadcast_in_dim3A_984 = vector.shape_cast %mul3A_8 : vector<16xi32> to vector<16x1xi32>
    %gather3A_985 = vector.shape_cast %broadcast_in_dim3A_984 : vector<16x1xi32> to vector<16xi32>
    %gather3A_986 = tpu.dynamic_gather %add3A_983[%gather3A_985] in [0] : vector<16xf32>, vector<16xi32> -> vector<16xf32>
    %shift_right_arithmetic3A_987 = arith.constant 1 : i32
    %shift_right_arithmetic3A_988 = vector.broadcast %shift_right_arithmetic3A_987 : i32 to vector<16xi32>
    %shift_right_arithmetic3A_989 = arith.shrsi %iota3A, %shift_right_arithmetic3A_988 : vector<16xi32>
    %eq3A_990 = arith.constant 2 : i32
    %eq3A_991 = vector.broadcast %eq3A_990 : i32 to vector<16xi32>
    %eq3A_992 = arith.cmpi eq, %shift_right_arithmetic3A_989, %eq3A_991 : vector<16xi32>
    %jit3A_993 = arith.constant 0.000000e+00 : f32
    %broadcast_in_dim3A_994 = vector.broadcast %jit3A_993 : f32 to vector<16xf32>
    %select_n3A_995 = arith.select %eq3A_992, %gather3A_986, %broadcast_in_dim3A_994 : vector<16xi1>, vector<16xf32>
    %add3A_996 = arith.addf %add3A_959, %select_n3A_995 : vector<16xf32>
    %add3A_997 = arith.addi %broadcast_in_dim3A_883, %get3A_248 : vector<16xi32>
    %gather3A_998 = tpu.vector_load_idx %arg7[%add3A_997] : memref<23552xf32, #tpu.memory_space<vmem>>[vector<16xi32>], vector<16xf32>,
    %mul3A_999 = arith.mulf %div3A_187, %gather3A_998 : vector<16xf32>
    %xor3A_1000 = arith.constant 1 : i32
    %xor3A_1001 = vector.broadcast %xor3A_1000 : i32 to vector<16xi32>
    %xor3A_1002 = arith.xori %iota3A, %xor3A_1001 : vector<16xi32>
    %broadcast_in_dim3A_1003 = vector.shape_cast %xor3A_1002 : vector<16xi32> to vector<16x1xi32>
    %gather3A_1004 = vector.shape_cast %broadcast_in_dim3A_1003 : vector<16x1xi32> to vector<16xi32>
    %gather3A_1005 = tpu.dynamic_gather %mul3A_999[%gather3A_1004] in [0] : vector<16xf32>, vector<16xi32> -> vector<16xf32>
    %add3A_1006 = arith.addf %mul3A_999, %gather3A_1005 : vector<16xf32>
    %xor3A_1007 = arith.constant 2 : i32
    %xor3A_1008 = vector.broadcast %xor3A_1007 : i32 to vector<16xi32>
    %xor3A_1009 = arith.xori %iota3A, %xor3A_1008 : vector<16xi32>
    %broadcast_in_dim3A_1010 = vector.shape_cast %xor3A_1009 : vector<16xi32> to vector<16x1xi32>
    %gather3A_1011 = vector.shape_cast %broadcast_in_dim3A_1010 : vector<16x1xi32> to vector<16xi32>
    %gather3A_1012 = tpu.dynamic_gather %add3A_1006[%gather3A_1011] in [0] : vector<16xf32>, vector<16xi32> -> vector<16xf32>
    %add3A_1013 = arith.addf %add3A_1006, %gather3A_1012 : vector<16xf32>
    %xor3A_1014 = arith.constant 4 : i32
    %xor3A_1015 = vector.broadcast %xor3A_1014 : i32 to vector<16xi32>
    %xor3A_1016 = arith.xori %iota3A, %xor3A_1015 : vector<16xi32>
    %broadcast_in_dim3A_1017 = vector.shape_cast %xor3A_1016 : vector<16xi32> to vector<16x1xi32>
    %gather3A_1018 = vector.shape_cast %broadcast_in_dim3A_1017 : vector<16x1xi32> to vector<16xi32>
    %gather3A_1019 = tpu.dynamic_gather %add3A_1013[%gather3A_1018] in [0] : vector<16xf32>, vector<16xi32> -> vector<16xf32>
    %add3A_1020 = arith.addf %add3A_1013, %gather3A_1019 : vector<16xf32>
    %broadcast_in_dim3A_1021 = vector.shape_cast %mul3A_8 : vector<16xi32> to vector<16x1xi32>
    %gather3A_1022 = vector.shape_cast %broadcast_in_dim3A_1021 : vector<16x1xi32> to vector<16xi32>
    %gather3A_1023 = tpu.dynamic_gather %add3A_1020[%gather3A_1022] in [0] : vector<16xf32>, vector<16xi32> -> vector<16xf32>
    %shift_right_arithmetic3A_1024 = arith.constant 1 : i32
    %shift_right_arithmetic3A_1025 = vector.broadcast %shift_right_arithmetic3A_1024 : i32 to vector<16xi32>
    %shift_right_arithmetic3A_1026 = arith.shrsi %iota3A, %shift_right_arithmetic3A_1025 : vector<16xi32>
    %eq3A_1027 = arith.constant 3 : i32
    %eq3A_1028 = vector.broadcast %eq3A_1027 : i32 to vector<16xi32>
    %eq3A_1029 = arith.cmpi eq, %shift_right_arithmetic3A_1026, %eq3A_1028 : vector<16xi32>
    %jit3A_1030 = arith.constant 0.000000e+00 : f32
    %broadcast_in_dim3A_1031 = vector.broadcast %jit3A_1030 : f32 to vector<16xf32>
    %select_n3A_1032 = arith.select %eq3A_1029, %gather3A_1023, %broadcast_in_dim3A_1031 : vector<16xi1>, vector<16xf32>
    %add3A_1033 = arith.addf %add3A_996, %select_n3A_1032 : vector<16xf32>
    %add3A_1034 = arith.addi %broadcast_in_dim3A_883, %get3A_250 : vector<16xi32>
    %gather3A_1035 = tpu.vector_load_idx %arg7[%add3A_1034] : memref<23552xf32, #tpu.memory_space<vmem>>[vector<16xi32>], vector<16xf32>,
    %mul3A_1036 = arith.mulf %div3A_234, %gather3A_1035 : vector<16xf32>
    %xor3A_1037 = arith.constant 1 : i32
    %xor3A_1038 = vector.broadcast %xor3A_1037 : i32 to vector<16xi32>
    %xor3A_1039 = arith.xori %iota3A, %xor3A_1038 : vector<16xi32>
    %broadcast_in_dim3A_1040 = vector.shape_cast %xor3A_1039 : vector<16xi32> to vector<16x1xi32>
    %gather3A_1041 = vector.shape_cast %broadcast_in_dim3A_1040 : vector<16x1xi32> to vector<16xi32>
    %gather3A_1042 = tpu.dynamic_gather %mul3A_1036[%gather3A_1041] in [0] : vector<16xf32>, vector<16xi32> -> vector<16xf32>
    %add3A_1043 = arith.addf %mul3A_1036, %gather3A_1042 : vector<16xf32>
    %xor3A_1044 = arith.constant 2 : i32
    %xor3A_1045 = vector.broadcast %xor3A_1044 : i32 to vector<16xi32>
    %xor3A_1046 = arith.xori %iota3A, %xor3A_1045 : vector<16xi32>
    %broadcast_in_dim3A_1047 = vector.shape_cast %xor3A_1046 : vector<16xi32> to vector<16x1xi32>
    %gather3A_1048 = vector.shape_cast %broadcast_in_dim3A_1047 : vector<16x1xi32> to vector<16xi32>
    %gather3A_1049 = tpu.dynamic_gather %add3A_1043[%gather3A_1048] in [0] : vector<16xf32>, vector<16xi32> -> vector<16xf32>
    %add3A_1050 = arith.addf %add3A_1043, %gather3A_1049 : vector<16xf32>
    %xor3A_1051 = arith.constant 4 : i32
    %xor3A_1052 = vector.broadcast %xor3A_1051 : i32 to vector<16xi32>
    %xor3A_1053 = arith.xori %iota3A, %xor3A_1052 : vector<16xi32>
    %broadcast_in_dim3A_1054 = vector.shape_cast %xor3A_1053 : vector<16xi32> to vector<16x1xi32>
    %gather3A_1055 = vector.shape_cast %broadcast_in_dim3A_1054 : vector<16x1xi32> to vector<16xi32>
    %gather3A_1056 = tpu.dynamic_gather %add3A_1050[%gather3A_1055] in [0] : vector<16xf32>, vector<16xi32> -> vector<16xf32>
    %add3A_1057 = arith.addf %add3A_1050, %gather3A_1056 : vector<16xf32>
    %broadcast_in_dim3A_1058 = vector.shape_cast %mul3A_8 : vector<16xi32> to vector<16x1xi32>
    %gather3A_1059 = vector.shape_cast %broadcast_in_dim3A_1058 : vector<16x1xi32> to vector<16xi32>
    %gather3A_1060 = tpu.dynamic_gather %add3A_1057[%gather3A_1059] in [0] : vector<16xf32>, vector<16xi32> -> vector<16xf32>
    %shift_right_arithmetic3A_1061 = arith.constant 1 : i32
    %shift_right_arithmetic3A_1062 = vector.broadcast %shift_right_arithmetic3A_1061 : i32 to vector<16xi32>
    %shift_right_arithmetic3A_1063 = arith.shrsi %iota3A, %shift_right_arithmetic3A_1062 : vector<16xi32>
    %eq3A_1064 = arith.constant 4 : i32
    %eq3A_1065 = vector.broadcast %eq3A_1064 : i32 to vector<16xi32>
    %eq3A_1066 = arith.cmpi eq, %shift_right_arithmetic3A_1063, %eq3A_1065 : vector<16xi32>
    %jit3A_1067 = arith.constant 0.000000e+00 : f32
    %broadcast_in_dim3A_1068 = vector.broadcast %jit3A_1067 : f32 to vector<16xf32>
    %select_n3A_1069 = arith.select %eq3A_1066, %gather3A_1060, %broadcast_in_dim3A_1068 : vector<16xi1>, vector<16xf32>
    %add3A_1070 = arith.addf %add3A_1033, %select_n3A_1069 : vector<16xf32>
    %lt3A_1071 = arith.constant 10 : i32
    %lt3A_1072 = vector.broadcast %lt3A_1071 : i32 to vector<16xi32>
    %lt3A_1073 = arith.cmpi slt, %iota3A, %lt3A_1072 : vector<16xi32>
    %jit3A_1074 = arith.constant -1.000000e+30 : f32
    %broadcast_in_dim3A_1075 = vector.broadcast %jit3A_1074 : f32 to vector<16xf32>
    %select_n3A_1076 = arith.select %lt3A_1073, %add3A_1070, %broadcast_in_dim3A_1075 : vector<16xi1>, vector<16xf32>
    %xor3A_1077 = arith.constant 1 : i32
    %xor3A_1078 = vector.broadcast %xor3A_1077 : i32 to vector<16xi32>
    %xor3A_1079 = arith.xori %iota3A, %xor3A_1078 : vector<16xi32>
    %broadcast_in_dim3A_1080 = vector.shape_cast %xor3A_1079 : vector<16xi32> to vector<16x1xi32>
    %gather3A_1081 = vector.shape_cast %broadcast_in_dim3A_1080 : vector<16x1xi32> to vector<16xi32>
    %gather3A_1082 = tpu.dynamic_gather %select_n3A_1076[%gather3A_1081] in [0] : vector<16xf32>, vector<16xi32> -> vector<16xf32>
    %max3A_1083 = arith.maximumf %select_n3A_1076, %gather3A_1082 : vector<16xf32>
    %xor3A_1084 = arith.constant 2 : i32
    %xor3A_1085 = vector.broadcast %xor3A_1084 : i32 to vector<16xi32>
    %xor3A_1086 = arith.xori %iota3A, %xor3A_1085 : vector<16xi32>
    %broadcast_in_dim3A_1087 = vector.shape_cast %xor3A_1086 : vector<16xi32> to vector<16x1xi32>
    %gather3A_1088 = vector.shape_cast %broadcast_in_dim3A_1087 : vector<16x1xi32> to vector<16xi32>
    %gather3A_1089 = tpu.dynamic_gather %max3A_1083[%gather3A_1088] in [0] : vector<16xf32>, vector<16xi32> -> vector<16xf32>
    %max3A_1090 = arith.maximumf %max3A_1083, %gather3A_1089 : vector<16xf32>
    %xor3A_1091 = arith.constant 4 : i32
    %xor3A_1092 = vector.broadcast %xor3A_1091 : i32 to vector<16xi32>
    %xor3A_1093 = arith.xori %iota3A, %xor3A_1092 : vector<16xi32>
    %broadcast_in_dim3A_1094 = vector.shape_cast %xor3A_1093 : vector<16xi32> to vector<16x1xi32>
    %gather3A_1095 = vector.shape_cast %broadcast_in_dim3A_1094 : vector<16x1xi32> to vector<16xi32>
    %gather3A_1096 = tpu.dynamic_gather %max3A_1090[%gather3A_1095] in [0] : vector<16xf32>, vector<16xi32> -> vector<16xf32>
    %max3A_1097 = arith.maximumf %max3A_1090, %gather3A_1096 : vector<16xf32>
    %xor3A_1098 = arith.constant 8 : i32
    %xor3A_1099 = vector.broadcast %xor3A_1098 : i32 to vector<16xi32>
    %xor3A_1100 = arith.xori %iota3A, %xor3A_1099 : vector<16xi32>
    %broadcast_in_dim3A_1101 = vector.shape_cast %xor3A_1100 : vector<16xi32> to vector<16x1xi32>
    %gather3A_1102 = vector.shape_cast %broadcast_in_dim3A_1101 : vector<16x1xi32> to vector<16xi32>
    %gather3A_1103 = tpu.dynamic_gather %max3A_1097[%gather3A_1102] in [0] : vector<16xf32>, vector<16xi32> -> vector<16xf32>
    %max3A_1104 = arith.maximumf %max3A_1097, %gather3A_1103 : vector<16xf32>
    %sub3A_1105 = arith.subf %select_n3A_1076, %max3A_1104 : vector<16xf32>
    %exp3A_1106 = math.exp %sub3A_1105 : vector<16xf32>
    %xor3A_1107 = arith.constant 1 : i32
    %xor3A_1108 = vector.broadcast %xor3A_1107 : i32 to vector<16xi32>
    %xor3A_1109 = arith.xori %iota3A, %xor3A_1108 : vector<16xi32>
    %broadcast_in_dim3A_1110 = vector.shape_cast %xor3A_1109 : vector<16xi32> to vector<16x1xi32>
    %gather3A_1111 = vector.shape_cast %broadcast_in_dim3A_1110 : vector<16x1xi32> to vector<16xi32>
    %gather3A_1112 = tpu.dynamic_gather %exp3A_1106[%gather3A_1111] in [0] : vector<16xf32>, vector<16xi32> -> vector<16xf32>
    %add3A_1113 = arith.addf %exp3A_1106, %gather3A_1112 : vector<16xf32>
    %xor3A_1114 = arith.constant 2 : i32
    %xor3A_1115 = vector.broadcast %xor3A_1114 : i32 to vector<16xi32>
    %xor3A_1116 = arith.xori %iota3A, %xor3A_1115 : vector<16xi32>
    %broadcast_in_dim3A_1117 = vector.shape_cast %xor3A_1116 : vector<16xi32> to vector<16x1xi32>
    %gather3A_1118 = vector.shape_cast %broadcast_in_dim3A_1117 : vector<16x1xi32> to vector<16xi32>
    %gather3A_1119 = tpu.dynamic_gather %add3A_1113[%gather3A_1118] in [0] : vector<16xf32>, vector<16xi32> -> vector<16xf32>
    %add3A_1120 = arith.addf %add3A_1113, %gather3A_1119 : vector<16xf32>
    %xor3A_1121 = arith.constant 4 : i32
    %xor3A_1122 = vector.broadcast %xor3A_1121 : i32 to vector<16xi32>
    %xor3A_1123 = arith.xori %iota3A, %xor3A_1122 : vector<16xi32>
    %broadcast_in_dim3A_1124 = vector.shape_cast %xor3A_1123 : vector<16xi32> to vector<16x1xi32>
    %gather3A_1125 = vector.shape_cast %broadcast_in_dim3A_1124 : vector<16x1xi32> to vector<16xi32>
    %gather3A_1126 = tpu.dynamic_gather %add3A_1120[%gather3A_1125] in [0] : vector<16xf32>, vector<16xi32> -> vector<16xf32>
    %add3A_1127 = arith.addf %add3A_1120, %gather3A_1126 : vector<16xf32>
    %xor3A_1128 = arith.constant 8 : i32
    %xor3A_1129 = vector.broadcast %xor3A_1128 : i32 to vector<16xi32>
    %xor3A_1130 = arith.xori %iota3A, %xor3A_1129 : vector<16xi32>
    %broadcast_in_dim3A_1131 = vector.shape_cast %xor3A_1130 : vector<16xi32> to vector<16x1xi32>
    %gather3A_1132 = vector.shape_cast %broadcast_in_dim3A_1131 : vector<16x1xi32> to vector<16xi32>
    %gather3A_1133 = tpu.dynamic_gather %add3A_1127[%gather3A_1132] in [0] : vector<16xf32>, vector<16xi32> -> vector<16xf32>
    %add3A_1134 = arith.addf %add3A_1127, %gather3A_1133 : vector<16xf32>
    %bitcast3A_1135 = vector.bitcast %add3A_1134 : vector<16xf32> to vector<16xi32>
    %shift_right_arithmetic3A_1136 = arith.constant 23 : i32
    %shift_right_arithmetic3A_1137 = vector.broadcast %shift_right_arithmetic3A_1136 : i32 to vector<16xi32>
    %shift_right_arithmetic3A_1138 = arith.shrsi %bitcast3A_1135, %shift_right_arithmetic3A_1137 : vector<16xi32>
    %and3A_1139 = arith.constant 255 : i32
    %and3A_1140 = vector.broadcast %and3A_1139 : i32 to vector<16xi32>
    %and3A_1141 = arith.andi %shift_right_arithmetic3A_1138, %and3A_1140 : vector<16xi32>
    %sub3A_1142 = arith.constant 127 : i32
    %sub3A_1143 = vector.broadcast %sub3A_1142 : i32 to vector<16xi32>
    %sub3A_1144 = arith.subi %and3A_1141, %sub3A_1143 : vector<16xi32>
    %and3A_1145 = arith.constant 8388607 : i32
    %and3A_1146 = vector.broadcast %and3A_1145 : i32 to vector<16xi32>
    %and3A_1147 = arith.andi %bitcast3A_1135, %and3A_1146 : vector<16xi32>
    %or3A_1148 = arith.constant 1065353216 : i32
    %or3A_1149 = vector.broadcast %or3A_1148 : i32 to vector<16xi32>
    %or3A_1150 = arith.ori %and3A_1147, %or3A_1149 : vector<16xi32>
    %bitcast3A_1151 = vector.bitcast %or3A_1150 : vector<16xi32> to vector<16xf32>
    %sub3A_1152 = arith.constant 1.000000e+00 : f32
    %sub3A_1153 = vector.broadcast %sub3A_1152 : f32 to vector<16xf32>
    %sub3A_1154 = arith.subf %bitcast3A_1151, %sub3A_1153 : vector<16xf32>
    %add3A_1155 = arith.constant 1.000000e+00 : f32
    %add3A_1156 = vector.broadcast %add3A_1155 : f32 to vector<16xf32>
    %add3A_1157 = arith.addf %bitcast3A_1151, %add3A_1156 : vector<16xf32>
    %div3A_1158 = arith.divf %sub3A_1154, %add3A_1157 : vector<16xf32>
    %mul3A_1159 = arith.mulf %div3A_1158, %div3A_1158 : vector<16xf32>
    %mul3A_1160 = arith.constant 2.000000e+00 : f32
    %mul3A_1161 = vector.broadcast %mul3A_1160 : f32 to vector<16xf32>
    %mul3A_1162 = arith.mulf %mul3A_1161, %div3A_1158 : vector<16xf32>
    %mul3A_1163 = arith.constant 0.142857149 : f32
    %mul3A_1164 = vector.broadcast %mul3A_1163 : f32 to vector<16xf32>
    %mul3A_1165 = arith.mulf %mul3A_1159, %mul3A_1164 : vector<16xf32>
    %add3A_1166 = arith.constant 2.000000e-01 : f32
    %add3A_1167 = vector.broadcast %add3A_1166 : f32 to vector<16xf32>
    %add3A_1168 = arith.addf %add3A_1167, %mul3A_1165 : vector<16xf32>
    %mul3A_1169 = arith.mulf %mul3A_1159, %add3A_1168 : vector<16xf32>
    %add3A_1170 = arith.constant 0.333333343 : f32
    %add3A_1171 = vector.broadcast %add3A_1170 : f32 to vector<16xf32>
    %add3A_1172 = arith.addf %add3A_1171, %mul3A_1169 : vector<16xf32>
    %mul3A_1173 = arith.mulf %mul3A_1159, %add3A_1172 : vector<16xf32>
    %add3A_1174 = arith.constant 1.000000e+00 : f32
    %add3A_1175 = vector.broadcast %add3A_1174 : f32 to vector<16xf32>
    %add3A_1176 = arith.addf %add3A_1175, %mul3A_1173 : vector<16xf32>
    %mul3A_1177 = arith.mulf %mul3A_1162, %add3A_1176 : vector<16xf32>
    %convert_element_type3A_1178 = arith.sitofp %sub3A_1144 : vector<16xi32> to vector<16xf32>
    %mul3A_1179 = arith.constant 0.693147182 : f32
    %mul3A_1180 = vector.broadcast %mul3A_1179 : f32 to vector<16xf32>
    %mul3A_1181 = arith.mulf %convert_element_type3A_1178, %mul3A_1180 : vector<16xf32>
    %add3A_1182 = arith.addf %mul3A_1181, %mul3A_1177 : vector<16xf32>
    %add3A_1183 = arith.addf %max3A_1104, %add3A_1182 : vector<16xf32>
    %broadcast_in_dim3A_1184 = arith.constant 2 : i32
    %broadcast_in_dim3A_1185 = vector.broadcast %broadcast_in_dim3A_1184 : i32 to vector<16xi32>
    %broadcast_in_dim3A_1186 = vector.shape_cast %broadcast_in_dim3A_1185 : vector<16xi32> to vector<16x1xi32>
    %gather3A_1187 = vector.shape_cast %broadcast_in_dim3A_1186 : vector<16x1xi32> to vector<16xi32>
    %gather3A_1188 = tpu.dynamic_gather %gather3A_240[%gather3A_1187] in [0] : vector<16xi32>, vector<16xi32> -> vector<16xi32>
    %broadcast_in_dim3A_1189 = vector.shape_cast %gather3A_1188 : vector<16xi32> to vector<16x1xi32>
    %gather3A_1190 = vector.shape_cast %broadcast_in_dim3A_1189 : vector<16x1xi32> to vector<16xi32>
    %gather3A_1191 = tpu.dynamic_gather %add3A_1070[%gather3A_1190] in [0] : vector<16xf32>, vector<16xi32> -> vector<16xf32>
    %eq3A_1192 = arith.constant 0 : i32
    %eq3A_1193 = vector.broadcast %eq3A_1192 : i32 to vector<16xi32>
    %eq3A_1194 = arith.cmpi eq, %iota3A, %eq3A_1193 : vector<16xi32>
    %sub3A_1195 = arith.subf %add3A_1183, %gather3A_1191 : vector<16xf32>
    %jit3A_1196 = arith.constant 0.000000e+00 : f32
    %broadcast_in_dim3A_1197 = vector.broadcast %jit3A_1196 : f32 to vector<16xf32>
    %select_n3A_1198 = arith.select %eq3A_1194, %sub3A_1195, %broadcast_in_dim3A_1197 : vector<16xi1>, vector<16xf32>
    %add3A_1199 = arith.addf %add3A_881, %select_n3A_1198 : vector<16xf32>
    %broadcast_in_dim3A_1200 = arith.constant 8832 : i32
    %broadcast_in_dim3A_1201 = vector.broadcast %broadcast_in_dim3A_1200 : i32 to vector<16xi32>
    %broadcast_in_dim3A_1202 = arith.constant 0.000000e+00 : f32
    %broadcast_in_dim3A_1203 = vector.broadcast %broadcast_in_dim3A_1202 : f32 to vector<16xf32>
    %add3A_1204 = arith.addi %broadcast_in_dim3A_1201, %get3A_242 : vector<16xi32>
    %gather3A_1205 = tpu.vector_load_idx %arg7[%add3A_1204] : memref<23552xf32, #tpu.memory_space<vmem>>[vector<16xi32>], vector<16xf32>,
    %mul3A_1206 = arith.mulf %div3A, %gather3A_1205 : vector<16xf32>
    %xor3A_1207 = arith.constant 1 : i32
    %xor3A_1208 = vector.broadcast %xor3A_1207 : i32 to vector<16xi32>
    %xor3A_1209 = arith.xori %iota3A, %xor3A_1208 : vector<16xi32>
    %broadcast_in_dim3A_1210 = vector.shape_cast %xor3A_1209 : vector<16xi32> to vector<16x1xi32>
    %gather3A_1211 = vector.shape_cast %broadcast_in_dim3A_1210 : vector<16x1xi32> to vector<16xi32>
    %gather3A_1212 = tpu.dynamic_gather %mul3A_1206[%gather3A_1211] in [0] : vector<16xf32>, vector<16xi32> -> vector<16xf32>
    %add3A_1213 = arith.addf %mul3A_1206, %gather3A_1212 : vector<16xf32>
    %xor3A_1214 = arith.constant 2 : i32
    %xor3A_1215 = vector.broadcast %xor3A_1214 : i32 to vector<16xi32>
    %xor3A_1216 = arith.xori %iota3A, %xor3A_1215 : vector<16xi32>
    %broadcast_in_dim3A_1217 = vector.shape_cast %xor3A_1216 : vector<16xi32> to vector<16x1xi32>
    %gather3A_1218 = vector.shape_cast %broadcast_in_dim3A_1217 : vector<16x1xi32> to vector<16xi32>
    %gather3A_1219 = tpu.dynamic_gather %add3A_1213[%gather3A_1218] in [0] : vector<16xf32>, vector<16xi32> -> vector<16xf32>
    %add3A_1220 = arith.addf %add3A_1213, %gather3A_1219 : vector<16xf32>
    %xor3A_1221 = arith.constant 4 : i32
    %xor3A_1222 = vector.broadcast %xor3A_1221 : i32 to vector<16xi32>
    %xor3A_1223 = arith.xori %iota3A, %xor3A_1222 : vector<16xi32>
    %broadcast_in_dim3A_1224 = vector.shape_cast %xor3A_1223 : vector<16xi32> to vector<16x1xi32>
    %gather3A_1225 = vector.shape_cast %broadcast_in_dim3A_1224 : vector<16x1xi32> to vector<16xi32>
    %gather3A_1226 = tpu.dynamic_gather %add3A_1220[%gather3A_1225] in [0] : vector<16xf32>, vector<16xi32> -> vector<16xf32>
    %add3A_1227 = arith.addf %add3A_1220, %gather3A_1226 : vector<16xf32>
    %broadcast_in_dim3A_1228 = vector.shape_cast %mul3A_8 : vector<16xi32> to vector<16x1xi32>
    %gather3A_1229 = vector.shape_cast %broadcast_in_dim3A_1228 : vector<16x1xi32> to vector<16xi32>
    %gather3A_1230 = tpu.dynamic_gather %add3A_1227[%gather3A_1229] in [0] : vector<16xf32>, vector<16xi32> -> vector<16xf32>
    %shift_right_arithmetic3A_1231 = arith.constant 1 : i32
    %shift_right_arithmetic3A_1232 = vector.broadcast %shift_right_arithmetic3A_1231 : i32 to vector<16xi32>
    %shift_right_arithmetic3A_1233 = arith.shrsi %iota3A, %shift_right_arithmetic3A_1232 : vector<16xi32>
    %eq3A_1234 = arith.constant 0 : i32
    %eq3A_1235 = vector.broadcast %eq3A_1234 : i32 to vector<16xi32>
    %eq3A_1236 = arith.cmpi eq, %shift_right_arithmetic3A_1233, %eq3A_1235 : vector<16xi32>
    %jit3A_1237 = arith.constant 0.000000e+00 : f32
    %broadcast_in_dim3A_1238 = vector.broadcast %jit3A_1237 : f32 to vector<16xf32>
    %select_n3A_1239 = arith.select %eq3A_1236, %gather3A_1230, %broadcast_in_dim3A_1238 : vector<16xi1>, vector<16xf32>
    %add3A_1240 = arith.addf %broadcast_in_dim3A_1203, %select_n3A_1239 : vector<16xf32>
    %add3A_1241 = arith.addi %broadcast_in_dim3A_1201, %get3A_244 : vector<16xi32>
    %gather3A_1242 = tpu.vector_load_idx %arg7[%add3A_1241] : memref<23552xf32, #tpu.memory_space<vmem>>[vector<16xi32>], vector<16xf32>,
    %mul3A_1243 = arith.mulf %div3A_93, %gather3A_1242 : vector<16xf32>
    %xor3A_1244 = arith.constant 1 : i32
    %xor3A_1245 = vector.broadcast %xor3A_1244 : i32 to vector<16xi32>
    %xor3A_1246 = arith.xori %iota3A, %xor3A_1245 : vector<16xi32>
    %broadcast_in_dim3A_1247 = vector.shape_cast %xor3A_1246 : vector<16xi32> to vector<16x1xi32>
    %gather3A_1248 = vector.shape_cast %broadcast_in_dim3A_1247 : vector<16x1xi32> to vector<16xi32>
    %gather3A_1249 = tpu.dynamic_gather %mul3A_1243[%gather3A_1248] in [0] : vector<16xf32>, vector<16xi32> -> vector<16xf32>
    %add3A_1250 = arith.addf %mul3A_1243, %gather3A_1249 : vector<16xf32>
    %xor3A_1251 = arith.constant 2 : i32
    %xor3A_1252 = vector.broadcast %xor3A_1251 : i32 to vector<16xi32>
    %xor3A_1253 = arith.xori %iota3A, %xor3A_1252 : vector<16xi32>
    %broadcast_in_dim3A_1254 = vector.shape_cast %xor3A_1253 : vector<16xi32> to vector<16x1xi32>
    %gather3A_1255 = vector.shape_cast %broadcast_in_dim3A_1254 : vector<16x1xi32> to vector<16xi32>
    %gather3A_1256 = tpu.dynamic_gather %add3A_1250[%gather3A_1255] in [0] : vector<16xf32>, vector<16xi32> -> vector<16xf32>
    %add3A_1257 = arith.addf %add3A_1250, %gather3A_1256 : vector<16xf32>
    %xor3A_1258 = arith.constant 4 : i32
    %xor3A_1259 = vector.broadcast %xor3A_1258 : i32 to vector<16xi32>
    %xor3A_1260 = arith.xori %iota3A, %xor3A_1259 : vector<16xi32>
    %broadcast_in_dim3A_1261 = vector.shape_cast %xor3A_1260 : vector<16xi32> to vector<16x1xi32>
    %gather3A_1262 = vector.shape_cast %broadcast_in_dim3A_1261 : vector<16x1xi32> to vector<16xi32>
    %gather3A_1263 = tpu.dynamic_gather %add3A_1257[%gather3A_1262] in [0] : vector<16xf32>, vector<16xi32> -> vector<16xf32>
    %add3A_1264 = arith.addf %add3A_1257, %gather3A_1263 : vector<16xf32>
    %broadcast_in_dim3A_1265 = vector.shape_cast %mul3A_8 : vector<16xi32> to vector<16x1xi32>
    %gather3A_1266 = vector.shape_cast %broadcast_in_dim3A_1265 : vector<16x1xi32> to vector<16xi32>
    %gather3A_1267 = tpu.dynamic_gather %add3A_1264[%gather3A_1266] in [0] : vector<16xf32>, vector<16xi32> -> vector<16xf32>
    %shift_right_arithmetic3A_1268 = arith.constant 1 : i32
    %shift_right_arithmetic3A_1269 = vector.broadcast %shift_right_arithmetic3A_1268 : i32 to vector<16xi32>
    %shift_right_arithmetic3A_1270 = arith.shrsi %iota3A, %shift_right_arithmetic3A_1269 : vector<16xi32>
    %eq3A_1271 = arith.constant 1 : i32
    %eq3A_1272 = vector.broadcast %eq3A_1271 : i32 to vector<16xi32>
    %eq3A_1273 = arith.cmpi eq, %shift_right_arithmetic3A_1270, %eq3A_1272 : vector<16xi32>
    %jit3A_1274 = arith.constant 0.000000e+00 : f32
    %broadcast_in_dim3A_1275 = vector.broadcast %jit3A_1274 : f32 to vector<16xf32>
    %select_n3A_1276 = arith.select %eq3A_1273, %gather3A_1267, %broadcast_in_dim3A_1275 : vector<16xi1>, vector<16xf32>
    %add3A_1277 = arith.addf %add3A_1240, %select_n3A_1276 : vector<16xf32>
    %add3A_1278 = arith.addi %broadcast_in_dim3A_1201, %get3A_246 : vector<16xi32>
    %gather3A_1279 = tpu.vector_load_idx %arg7[%add3A_1278] : memref<23552xf32, #tpu.memory_space<vmem>>[vector<16xi32>], vector<16xf32>,
    %mul3A_1280 = arith.mulf %div3A_140, %gather3A_1279 : vector<16xf32>
    %xor3A_1281 = arith.constant 1 : i32
    %xor3A_1282 = vector.broadcast %xor3A_1281 : i32 to vector<16xi32>
    %xor3A_1283 = arith.xori %iota3A, %xor3A_1282 : vector<16xi32>
    %broadcast_in_dim3A_1284 = vector.shape_cast %xor3A_1283 : vector<16xi32> to vector<16x1xi32>
    %gather3A_1285 = vector.shape_cast %broadcast_in_dim3A_1284 : vector<16x1xi32> to vector<16xi32>
    %gather3A_1286 = tpu.dynamic_gather %mul3A_1280[%gather3A_1285] in [0] : vector<16xf32>, vector<16xi32> -> vector<16xf32>
    %add3A_1287 = arith.addf %mul3A_1280, %gather3A_1286 : vector<16xf32>
    %xor3A_1288 = arith.constant 2 : i32
    %xor3A_1289 = vector.broadcast %xor3A_1288 : i32 to vector<16xi32>
    %xor3A_1290 = arith.xori %iota3A, %xor3A_1289 : vector<16xi32>
    %broadcast_in_dim3A_1291 = vector.shape_cast %xor3A_1290 : vector<16xi32> to vector<16x1xi32>
    %gather3A_1292 = vector.shape_cast %broadcast_in_dim3A_1291 : vector<16x1xi32> to vector<16xi32>
    %gather3A_1293 = tpu.dynamic_gather %add3A_1287[%gather3A_1292] in [0] : vector<16xf32>, vector<16xi32> -> vector<16xf32>
    %add3A_1294 = arith.addf %add3A_1287, %gather3A_1293 : vector<16xf32>
    %xor3A_1295 = arith.constant 4 : i32
    %xor3A_1296 = vector.broadcast %xor3A_1295 : i32 to vector<16xi32>
    %xor3A_1297 = arith.xori %iota3A, %xor3A_1296 : vector<16xi32>
    %broadcast_in_dim3A_1298 = vector.shape_cast %xor3A_1297 : vector<16xi32> to vector<16x1xi32>
    %gather3A_1299 = vector.shape_cast %broadcast_in_dim3A_1298 : vector<16x1xi32> to vector<16xi32>
    %gather3A_1300 = tpu.dynamic_gather %add3A_1294[%gather3A_1299] in [0] : vector<16xf32>, vector<16xi32> -> vector<16xf32>
    %add3A_1301 = arith.addf %add3A_1294, %gather3A_1300 : vector<16xf32>
    %broadcast_in_dim3A_1302 = vector.shape_cast %mul3A_8 : vector<16xi32> to vector<16x1xi32>
    %gather3A_1303 = vector.shape_cast %broadcast_in_dim3A_1302 : vector<16x1xi32> to vector<16xi32>
    %gather3A_1304 = tpu.dynamic_gather %add3A_1301[%gather3A_1303] in [0] : vector<16xf32>, vector<16xi32> -> vector<16xf32>
    %shift_right_arithmetic3A_1305 = arith.constant 1 : i32
    %shift_right_arithmetic3A_1306 = vector.broadcast %shift_right_arithmetic3A_1305 : i32 to vector<16xi32>
    %shift_right_arithmetic3A_1307 = arith.shrsi %iota3A, %shift_right_arithmetic3A_1306 : vector<16xi32>
    %eq3A_1308 = arith.constant 2 : i32
    %eq3A_1309 = vector.broadcast %eq3A_1308 : i32 to vector<16xi32>
    %eq3A_1310 = arith.cmpi eq, %shift_right_arithmetic3A_1307, %eq3A_1309 : vector<16xi32>
    %jit3A_1311 = arith.constant 0.000000e+00 : f32
    %broadcast_in_dim3A_1312 = vector.broadcast %jit3A_1311 : f32 to vector<16xf32>
    %select_n3A_1313 = arith.select %eq3A_1310, %gather3A_1304, %broadcast_in_dim3A_1312 : vector<16xi1>, vector<16xf32>
    %add3A_1314 = arith.addf %add3A_1277, %select_n3A_1313 : vector<16xf32>
    %add3A_1315 = arith.addi %broadcast_in_dim3A_1201, %get3A_248 : vector<16xi32>
    %gather3A_1316 = tpu.vector_load_idx %arg7[%add3A_1315] : memref<23552xf32, #tpu.memory_space<vmem>>[vector<16xi32>], vector<16xf32>,
    %mul3A_1317 = arith.mulf %div3A_187, %gather3A_1316 : vector<16xf32>
    %xor3A_1318 = arith.constant 1 : i32
    %xor3A_1319 = vector.broadcast %xor3A_1318 : i32 to vector<16xi32>
    %xor3A_1320 = arith.xori %iota3A, %xor3A_1319 : vector<16xi32>
    %broadcast_in_dim3A_1321 = vector.shape_cast %xor3A_1320 : vector<16xi32> to vector<16x1xi32>
    %gather3A_1322 = vector.shape_cast %broadcast_in_dim3A_1321 : vector<16x1xi32> to vector<16xi32>
    %gather3A_1323 = tpu.dynamic_gather %mul3A_1317[%gather3A_1322] in [0] : vector<16xf32>, vector<16xi32> -> vector<16xf32>
    %add3A_1324 = arith.addf %mul3A_1317, %gather3A_1323 : vector<16xf32>
    %xor3A_1325 = arith.constant 2 : i32
    %xor3A_1326 = vector.broadcast %xor3A_1325 : i32 to vector<16xi32>
    %xor3A_1327 = arith.xori %iota3A, %xor3A_1326 : vector<16xi32>
    %broadcast_in_dim3A_1328 = vector.shape_cast %xor3A_1327 : vector<16xi32> to vector<16x1xi32>
    %gather3A_1329 = vector.shape_cast %broadcast_in_dim3A_1328 : vector<16x1xi32> to vector<16xi32>
    %gather3A_1330 = tpu.dynamic_gather %add3A_1324[%gather3A_1329] in [0] : vector<16xf32>, vector<16xi32> -> vector<16xf32>
    %add3A_1331 = arith.addf %add3A_1324, %gather3A_1330 : vector<16xf32>
    %xor3A_1332 = arith.constant 4 : i32
    %xor3A_1333 = vector.broadcast %xor3A_1332 : i32 to vector<16xi32>
    %xor3A_1334 = arith.xori %iota3A, %xor3A_1333 : vector<16xi32>
    %broadcast_in_dim3A_1335 = vector.shape_cast %xor3A_1334 : vector<16xi32> to vector<16x1xi32>
    %gather3A_1336 = vector.shape_cast %broadcast_in_dim3A_1335 : vector<16x1xi32> to vector<16xi32>
    %gather3A_1337 = tpu.dynamic_gather %add3A_1331[%gather3A_1336] in [0] : vector<16xf32>, vector<16xi32> -> vector<16xf32>
    %add3A_1338 = arith.addf %add3A_1331, %gather3A_1337 : vector<16xf32>
    %broadcast_in_dim3A_1339 = vector.shape_cast %mul3A_8 : vector<16xi32> to vector<16x1xi32>
    %gather3A_1340 = vector.shape_cast %broadcast_in_dim3A_1339 : vector<16x1xi32> to vector<16xi32>
    %gather3A_1341 = tpu.dynamic_gather %add3A_1338[%gather3A_1340] in [0] : vector<16xf32>, vector<16xi32> -> vector<16xf32>
    %shift_right_arithmetic3A_1342 = arith.constant 1 : i32
    %shift_right_arithmetic3A_1343 = vector.broadcast %shift_right_arithmetic3A_1342 : i32 to vector<16xi32>
    %shift_right_arithmetic3A_1344 = arith.shrsi %iota3A, %shift_right_arithmetic3A_1343 : vector<16xi32>
    %eq3A_1345 = arith.constant 3 : i32
    %eq3A_1346 = vector.broadcast %eq3A_1345 : i32 to vector<16xi32>
    %eq3A_1347 = arith.cmpi eq, %shift_right_arithmetic3A_1344, %eq3A_1346 : vector<16xi32>
    %jit3A_1348 = arith.constant 0.000000e+00 : f32
    %broadcast_in_dim3A_1349 = vector.broadcast %jit3A_1348 : f32 to vector<16xf32>
    %select_n3A_1350 = arith.select %eq3A_1347, %gather3A_1341, %broadcast_in_dim3A_1349 : vector<16xi1>, vector<16xf32>
    %add3A_1351 = arith.addf %add3A_1314, %select_n3A_1350 : vector<16xf32>
    %add3A_1352 = arith.addi %broadcast_in_dim3A_1201, %get3A_250 : vector<16xi32>
    %gather3A_1353 = tpu.vector_load_idx %arg7[%add3A_1352] : memref<23552xf32, #tpu.memory_space<vmem>>[vector<16xi32>], vector<16xf32>,
    %mul3A_1354 = arith.mulf %div3A_234, %gather3A_1353 : vector<16xf32>
    %xor3A_1355 = arith.constant 1 : i32
    %xor3A_1356 = vector.broadcast %xor3A_1355 : i32 to vector<16xi32>
    %xor3A_1357 = arith.xori %iota3A, %xor3A_1356 : vector<16xi32>
    %broadcast_in_dim3A_1358 = vector.shape_cast %xor3A_1357 : vector<16xi32> to vector<16x1xi32>
    %gather3A_1359 = vector.shape_cast %broadcast_in_dim3A_1358 : vector<16x1xi32> to vector<16xi32>
    %gather3A_1360 = tpu.dynamic_gather %mul3A_1354[%gather3A_1359] in [0] : vector<16xf32>, vector<16xi32> -> vector<16xf32>
    %add3A_1361 = arith.addf %mul3A_1354, %gather3A_1360 : vector<16xf32>
    %xor3A_1362 = arith.constant 2 : i32
    %xor3A_1363 = vector.broadcast %xor3A_1362 : i32 to vector<16xi32>
    %xor3A_1364 = arith.xori %iota3A, %xor3A_1363 : vector<16xi32>
    %broadcast_in_dim3A_1365 = vector.shape_cast %xor3A_1364 : vector<16xi32> to vector<16x1xi32>
    %gather3A_1366 = vector.shape_cast %broadcast_in_dim3A_1365 : vector<16x1xi32> to vector<16xi32>
    %gather3A_1367 = tpu.dynamic_gather %add3A_1361[%gather3A_1366] in [0] : vector<16xf32>, vector<16xi32> -> vector<16xf32>
    %add3A_1368 = arith.addf %add3A_1361, %gather3A_1367 : vector<16xf32>
    %xor3A_1369 = arith.constant 4 : i32
    %xor3A_1370 = vector.broadcast %xor3A_1369 : i32 to vector<16xi32>
    %xor3A_1371 = arith.xori %iota3A, %xor3A_1370 : vector<16xi32>
    %broadcast_in_dim3A_1372 = vector.shape_cast %xor3A_1371 : vector<16xi32> to vector<16x1xi32>
    %gather3A_1373 = vector.shape_cast %broadcast_in_dim3A_1372 : vector<16x1xi32> to vector<16xi32>
    %gather3A_1374 = tpu.dynamic_gather %add3A_1368[%gather3A_1373] in [0] : vector<16xf32>, vector<16xi32> -> vector<16xf32>
    %add3A_1375 = arith.addf %add3A_1368, %gather3A_1374 : vector<16xf32>
    %broadcast_in_dim3A_1376 = vector.shape_cast %mul3A_8 : vector<16xi32> to vector<16x1xi32>
    %gather3A_1377 = vector.shape_cast %broadcast_in_dim3A_1376 : vector<16x1xi32> to vector<16xi32>
    %gather3A_1378 = tpu.dynamic_gather %add3A_1375[%gather3A_1377] in [0] : vector<16xf32>, vector<16xi32> -> vector<16xf32>
    %shift_right_arithmetic3A_1379 = arith.constant 1 : i32
    %shift_right_arithmetic3A_1380 = vector.broadcast %shift_right_arithmetic3A_1379 : i32 to vector<16xi32>
    %shift_right_arithmetic3A_1381 = arith.shrsi %iota3A, %shift_right_arithmetic3A_1380 : vector<16xi32>
    %eq3A_1382 = arith.constant 4 : i32
    %eq3A_1383 = vector.broadcast %eq3A_1382 : i32 to vector<16xi32>
    %eq3A_1384 = arith.cmpi eq, %shift_right_arithmetic3A_1381, %eq3A_1383 : vector<16xi32>
    %jit3A_1385 = arith.constant 0.000000e+00 : f32
    %broadcast_in_dim3A_1386 = vector.broadcast %jit3A_1385 : f32 to vector<16xf32>
    %select_n3A_1387 = arith.select %eq3A_1384, %gather3A_1378, %broadcast_in_dim3A_1386 : vector<16xi1>, vector<16xf32>
    %add3A_1388 = arith.addf %add3A_1351, %select_n3A_1387 : vector<16xf32>
    %lt3A_1389 = arith.constant 10 : i32
    %lt3A_1390 = vector.broadcast %lt3A_1389 : i32 to vector<16xi32>
    %lt3A_1391 = arith.cmpi slt, %iota3A, %lt3A_1390 : vector<16xi32>
    %jit3A_1392 = arith.constant -1.000000e+30 : f32
    %broadcast_in_dim3A_1393 = vector.broadcast %jit3A_1392 : f32 to vector<16xf32>
    %select_n3A_1394 = arith.select %lt3A_1391, %add3A_1388, %broadcast_in_dim3A_1393 : vector<16xi1>, vector<16xf32>
    %xor3A_1395 = arith.constant 1 : i32
    %xor3A_1396 = vector.broadcast %xor3A_1395 : i32 to vector<16xi32>
    %xor3A_1397 = arith.xori %iota3A, %xor3A_1396 : vector<16xi32>
    %broadcast_in_dim3A_1398 = vector.shape_cast %xor3A_1397 : vector<16xi32> to vector<16x1xi32>
    %gather3A_1399 = vector.shape_cast %broadcast_in_dim3A_1398 : vector<16x1xi32> to vector<16xi32>
    %gather3A_1400 = tpu.dynamic_gather %select_n3A_1394[%gather3A_1399] in [0] : vector<16xf32>, vector<16xi32> -> vector<16xf32>
    %max3A_1401 = arith.maximumf %select_n3A_1394, %gather3A_1400 : vector<16xf32>
    %xor3A_1402 = arith.constant 2 : i32
    %xor3A_1403 = vector.broadcast %xor3A_1402 : i32 to vector<16xi32>
    %xor3A_1404 = arith.xori %iota3A, %xor3A_1403 : vector<16xi32>
    %broadcast_in_dim3A_1405 = vector.shape_cast %xor3A_1404 : vector<16xi32> to vector<16x1xi32>
    %gather3A_1406 = vector.shape_cast %broadcast_in_dim3A_1405 : vector<16x1xi32> to vector<16xi32>
    %gather3A_1407 = tpu.dynamic_gather %max3A_1401[%gather3A_1406] in [0] : vector<16xf32>, vector<16xi32> -> vector<16xf32>
    %max3A_1408 = arith.maximumf %max3A_1401, %gather3A_1407 : vector<16xf32>
    %xor3A_1409 = arith.constant 4 : i32
    %xor3A_1410 = vector.broadcast %xor3A_1409 : i32 to vector<16xi32>
    %xor3A_1411 = arith.xori %iota3A, %xor3A_1410 : vector<16xi32>
    %broadcast_in_dim3A_1412 = vector.shape_cast %xor3A_1411 : vector<16xi32> to vector<16x1xi32>
    %gather3A_1413 = vector.shape_cast %broadcast_in_dim3A_1412 : vector<16x1xi32> to vector<16xi32>
    %gather3A_1414 = tpu.dynamic_gather %max3A_1408[%gather3A_1413] in [0] : vector<16xf32>, vector<16xi32> -> vector<16xf32>
    %max3A_1415 = arith.maximumf %max3A_1408, %gather3A_1414 : vector<16xf32>
    %xor3A_1416 = arith.constant 8 : i32
    %xor3A_1417 = vector.broadcast %xor3A_1416 : i32 to vector<16xi32>
    %xor3A_1418 = arith.xori %iota3A, %xor3A_1417 : vector<16xi32>
    %broadcast_in_dim3A_1419 = vector.shape_cast %xor3A_1418 : vector<16xi32> to vector<16x1xi32>
    %gather3A_1420 = vector.shape_cast %broadcast_in_dim3A_1419 : vector<16x1xi32> to vector<16xi32>
    %gather3A_1421 = tpu.dynamic_gather %max3A_1415[%gather3A_1420] in [0] : vector<16xf32>, vector<16xi32> -> vector<16xf32>
    %max3A_1422 = arith.maximumf %max3A_1415, %gather3A_1421 : vector<16xf32>
    %sub3A_1423 = arith.subf %select_n3A_1394, %max3A_1422 : vector<16xf32>
    %exp3A_1424 = math.exp %sub3A_1423 : vector<16xf32>
    %xor3A_1425 = arith.constant 1 : i32
    %xor3A_1426 = vector.broadcast %xor3A_1425 : i32 to vector<16xi32>
    %xor3A_1427 = arith.xori %iota3A, %xor3A_1426 : vector<16xi32>
    %broadcast_in_dim3A_1428 = vector.shape_cast %xor3A_1427 : vector<16xi32> to vector<16x1xi32>
    %gather3A_1429 = vector.shape_cast %broadcast_in_dim3A_1428 : vector<16x1xi32> to vector<16xi32>
    %gather3A_1430 = tpu.dynamic_gather %exp3A_1424[%gather3A_1429] in [0] : vector<16xf32>, vector<16xi32> -> vector<16xf32>
    %add3A_1431 = arith.addf %exp3A_1424, %gather3A_1430 : vector<16xf32>
    %xor3A_1432 = arith.constant 2 : i32
    %xor3A_1433 = vector.broadcast %xor3A_1432 : i32 to vector<16xi32>
    %xor3A_1434 = arith.xori %iota3A, %xor3A_1433 : vector<16xi32>
    %broadcast_in_dim3A_1435 = vector.shape_cast %xor3A_1434 : vector<16xi32> to vector<16x1xi32>
    %gather3A_1436 = vector.shape_cast %broadcast_in_dim3A_1435 : vector<16x1xi32> to vector<16xi32>
    %gather3A_1437 = tpu.dynamic_gather %add3A_1431[%gather3A_1436] in [0] : vector<16xf32>, vector<16xi32> -> vector<16xf32>
    %add3A_1438 = arith.addf %add3A_1431, %gather3A_1437 : vector<16xf32>
    %xor3A_1439 = arith.constant 4 : i32
    %xor3A_1440 = vector.broadcast %xor3A_1439 : i32 to vector<16xi32>
    %xor3A_1441 = arith.xori %iota3A, %xor3A_1440 : vector<16xi32>
    %broadcast_in_dim3A_1442 = vector.shape_cast %xor3A_1441 : vector<16xi32> to vector<16x1xi32>
    %gather3A_1443 = vector.shape_cast %broadcast_in_dim3A_1442 : vector<16x1xi32> to vector<16xi32>
    %gather3A_1444 = tpu.dynamic_gather %add3A_1438[%gather3A_1443] in [0] : vector<16xf32>, vector<16xi32> -> vector<16xf32>
    %add3A_1445 = arith.addf %add3A_1438, %gather3A_1444 : vector<16xf32>
    %xor3A_1446 = arith.constant 8 : i32
    %xor3A_1447 = vector.broadcast %xor3A_1446 : i32 to vector<16xi32>
    %xor3A_1448 = arith.xori %iota3A, %xor3A_1447 : vector<16xi32>
    %broadcast_in_dim3A_1449 = vector.shape_cast %xor3A_1448 : vector<16xi32> to vector<16x1xi32>
    %gather3A_1450 = vector.shape_cast %broadcast_in_dim3A_1449 : vector<16x1xi32> to vector<16xi32>
    %gather3A_1451 = tpu.dynamic_gather %add3A_1445[%gather3A_1450] in [0] : vector<16xf32>, vector<16xi32> -> vector<16xf32>
    %add3A_1452 = arith.addf %add3A_1445, %gather3A_1451 : vector<16xf32>
    %bitcast3A_1453 = vector.bitcast %add3A_1452 : vector<16xf32> to vector<16xi32>
    %shift_right_arithmetic3A_1454 = arith.constant 23 : i32
    %shift_right_arithmetic3A_1455 = vector.broadcast %shift_right_arithmetic3A_1454 : i32 to vector<16xi32>
    %shift_right_arithmetic3A_1456 = arith.shrsi %bitcast3A_1453, %shift_right_arithmetic3A_1455 : vector<16xi32>
    %and3A_1457 = arith.constant 255 : i32
    %and3A_1458 = vector.broadcast %and3A_1457 : i32 to vector<16xi32>
    %and3A_1459 = arith.andi %shift_right_arithmetic3A_1456, %and3A_1458 : vector<16xi32>
    %sub3A_1460 = arith.constant 127 : i32
    %sub3A_1461 = vector.broadcast %sub3A_1460 : i32 to vector<16xi32>
    %sub3A_1462 = arith.subi %and3A_1459, %sub3A_1461 : vector<16xi32>
    %and3A_1463 = arith.constant 8388607 : i32
    %and3A_1464 = vector.broadcast %and3A_1463 : i32 to vector<16xi32>
    %and3A_1465 = arith.andi %bitcast3A_1453, %and3A_1464 : vector<16xi32>
    %or3A_1466 = arith.constant 1065353216 : i32
    %or3A_1467 = vector.broadcast %or3A_1466 : i32 to vector<16xi32>
    %or3A_1468 = arith.ori %and3A_1465, %or3A_1467 : vector<16xi32>
    %bitcast3A_1469 = vector.bitcast %or3A_1468 : vector<16xi32> to vector<16xf32>
    %sub3A_1470 = arith.constant 1.000000e+00 : f32
    %sub3A_1471 = vector.broadcast %sub3A_1470 : f32 to vector<16xf32>
    %sub3A_1472 = arith.subf %bitcast3A_1469, %sub3A_1471 : vector<16xf32>
    %add3A_1473 = arith.constant 1.000000e+00 : f32
    %add3A_1474 = vector.broadcast %add3A_1473 : f32 to vector<16xf32>
    %add3A_1475 = arith.addf %bitcast3A_1469, %add3A_1474 : vector<16xf32>
    %div3A_1476 = arith.divf %sub3A_1472, %add3A_1475 : vector<16xf32>
    %mul3A_1477 = arith.mulf %div3A_1476, %div3A_1476 : vector<16xf32>
    %mul3A_1478 = arith.constant 2.000000e+00 : f32
    %mul3A_1479 = vector.broadcast %mul3A_1478 : f32 to vector<16xf32>
    %mul3A_1480 = arith.mulf %mul3A_1479, %div3A_1476 : vector<16xf32>
    %mul3A_1481 = arith.constant 0.142857149 : f32
    %mul3A_1482 = vector.broadcast %mul3A_1481 : f32 to vector<16xf32>
    %mul3A_1483 = arith.mulf %mul3A_1477, %mul3A_1482 : vector<16xf32>
    %add3A_1484 = arith.constant 2.000000e-01 : f32
    %add3A_1485 = vector.broadcast %add3A_1484 : f32 to vector<16xf32>
    %add3A_1486 = arith.addf %add3A_1485, %mul3A_1483 : vector<16xf32>
    %mul3A_1487 = arith.mulf %mul3A_1477, %add3A_1486 : vector<16xf32>
    %add3A_1488 = arith.constant 0.333333343 : f32
    %add3A_1489 = vector.broadcast %add3A_1488 : f32 to vector<16xf32>
    %add3A_1490 = arith.addf %add3A_1489, %mul3A_1487 : vector<16xf32>
    %mul3A_1491 = arith.mulf %mul3A_1477, %add3A_1490 : vector<16xf32>
    %add3A_1492 = arith.constant 1.000000e+00 : f32
    %add3A_1493 = vector.broadcast %add3A_1492 : f32 to vector<16xf32>
    %add3A_1494 = arith.addf %add3A_1493, %mul3A_1491 : vector<16xf32>
    %mul3A_1495 = arith.mulf %mul3A_1480, %add3A_1494 : vector<16xf32>
    %convert_element_type3A_1496 = arith.sitofp %sub3A_1462 : vector<16xi32> to vector<16xf32>
    %mul3A_1497 = arith.constant 0.693147182 : f32
    %mul3A_1498 = vector.broadcast %mul3A_1497 : f32 to vector<16xf32>
    %mul3A_1499 = arith.mulf %convert_element_type3A_1496, %mul3A_1498 : vector<16xf32>
    %add3A_1500 = arith.addf %mul3A_1499, %mul3A_1495 : vector<16xf32>
    %add3A_1501 = arith.addf %max3A_1422, %add3A_1500 : vector<16xf32>
    %broadcast_in_dim3A_1502 = arith.constant 3 : i32
    %broadcast_in_dim3A_1503 = vector.broadcast %broadcast_in_dim3A_1502 : i32 to vector<16xi32>
    %broadcast_in_dim3A_1504 = vector.shape_cast %broadcast_in_dim3A_1503 : vector<16xi32> to vector<16x1xi32>
    %gather3A_1505 = vector.shape_cast %broadcast_in_dim3A_1504 : vector<16x1xi32> to vector<16xi32>
    %gather3A_1506 = tpu.dynamic_gather %gather3A_240[%gather3A_1505] in [0] : vector<16xi32>, vector<16xi32> -> vector<16xi32>
    %broadcast_in_dim3A_1507 = vector.shape_cast %gather3A_1506 : vector<16xi32> to vector<16x1xi32>
    %gather3A_1508 = vector.shape_cast %broadcast_in_dim3A_1507 : vector<16x1xi32> to vector<16xi32>
    %gather3A_1509 = tpu.dynamic_gather %add3A_1388[%gather3A_1508] in [0] : vector<16xf32>, vector<16xi32> -> vector<16xf32>
    %eq3A_1510 = arith.constant 0 : i32
    %eq3A_1511 = vector.broadcast %eq3A_1510 : i32 to vector<16xi32>
    %eq3A_1512 = arith.cmpi eq, %iota3A, %eq3A_1511 : vector<16xi32>
    %sub3A_1513 = arith.subf %add3A_1501, %gather3A_1509 : vector<16xf32>
    %jit3A_1514 = arith.constant 0.000000e+00 : f32
    %broadcast_in_dim3A_1515 = vector.broadcast %jit3A_1514 : f32 to vector<16xf32>
    %select_n3A_1516 = arith.select %eq3A_1512, %sub3A_1513, %broadcast_in_dim3A_1515 : vector<16xi1>, vector<16xf32>
    %add3A_1517 = arith.addf %add3A_1199, %select_n3A_1516 : vector<16xf32>
    %broadcast_in_dim3A_1518 = arith.constant 11776 : i32
    %broadcast_in_dim3A_1519 = vector.broadcast %broadcast_in_dim3A_1518 : i32 to vector<16xi32>
    %broadcast_in_dim3A_1520 = arith.constant 0.000000e+00 : f32
    %broadcast_in_dim3A_1521 = vector.broadcast %broadcast_in_dim3A_1520 : f32 to vector<16xf32>
    %add3A_1522 = arith.addi %broadcast_in_dim3A_1519, %get3A_242 : vector<16xi32>
    %gather3A_1523 = tpu.vector_load_idx %arg7[%add3A_1522] : memref<23552xf32, #tpu.memory_space<vmem>>[vector<16xi32>], vector<16xf32>,
    %mul3A_1524 = arith.mulf %div3A, %gather3A_1523 : vector<16xf32>
    %xor3A_1525 = arith.constant 1 : i32
    %xor3A_1526 = vector.broadcast %xor3A_1525 : i32 to vector<16xi32>
    %xor3A_1527 = arith.xori %iota3A, %xor3A_1526 : vector<16xi32>
    %broadcast_in_dim3A_1528 = vector.shape_cast %xor3A_1527 : vector<16xi32> to vector<16x1xi32>
    %gather3A_1529 = vector.shape_cast %broadcast_in_dim3A_1528 : vector<16x1xi32> to vector<16xi32>
    %gather3A_1530 = tpu.dynamic_gather %mul3A_1524[%gather3A_1529] in [0] : vector<16xf32>, vector<16xi32> -> vector<16xf32>
    %add3A_1531 = arith.addf %mul3A_1524, %gather3A_1530 : vector<16xf32>
    %xor3A_1532 = arith.constant 2 : i32
    %xor3A_1533 = vector.broadcast %xor3A_1532 : i32 to vector<16xi32>
    %xor3A_1534 = arith.xori %iota3A, %xor3A_1533 : vector<16xi32>
    %broadcast_in_dim3A_1535 = vector.shape_cast %xor3A_1534 : vector<16xi32> to vector<16x1xi32>
    %gather3A_1536 = vector.shape_cast %broadcast_in_dim3A_1535 : vector<16x1xi32> to vector<16xi32>
    %gather3A_1537 = tpu.dynamic_gather %add3A_1531[%gather3A_1536] in [0] : vector<16xf32>, vector<16xi32> -> vector<16xf32>
    %add3A_1538 = arith.addf %add3A_1531, %gather3A_1537 : vector<16xf32>
    %xor3A_1539 = arith.constant 4 : i32
    %xor3A_1540 = vector.broadcast %xor3A_1539 : i32 to vector<16xi32>
    %xor3A_1541 = arith.xori %iota3A, %xor3A_1540 : vector<16xi32>
    %broadcast_in_dim3A_1542 = vector.shape_cast %xor3A_1541 : vector<16xi32> to vector<16x1xi32>
    %gather3A_1543 = vector.shape_cast %broadcast_in_dim3A_1542 : vector<16x1xi32> to vector<16xi32>
    %gather3A_1544 = tpu.dynamic_gather %add3A_1538[%gather3A_1543] in [0] : vector<16xf32>, vector<16xi32> -> vector<16xf32>
    %add3A_1545 = arith.addf %add3A_1538, %gather3A_1544 : vector<16xf32>
    %broadcast_in_dim3A_1546 = vector.shape_cast %mul3A_8 : vector<16xi32> to vector<16x1xi32>
    %gather3A_1547 = vector.shape_cast %broadcast_in_dim3A_1546 : vector<16x1xi32> to vector<16xi32>
    %gather3A_1548 = tpu.dynamic_gather %add3A_1545[%gather3A_1547] in [0] : vector<16xf32>, vector<16xi32> -> vector<16xf32>
    %shift_right_arithmetic3A_1549 = arith.constant 1 : i32
    %shift_right_arithmetic3A_1550 = vector.broadcast %shift_right_arithmetic3A_1549 : i32 to vector<16xi32>
    %shift_right_arithmetic3A_1551 = arith.shrsi %iota3A, %shift_right_arithmetic3A_1550 : vector<16xi32>
    %eq3A_1552 = arith.constant 0 : i32
    %eq3A_1553 = vector.broadcast %eq3A_1552 : i32 to vector<16xi32>
    %eq3A_1554 = arith.cmpi eq, %shift_right_arithmetic3A_1551, %eq3A_1553 : vector<16xi32>
    %jit3A_1555 = arith.constant 0.000000e+00 : f32
    %broadcast_in_dim3A_1556 = vector.broadcast %jit3A_1555 : f32 to vector<16xf32>
    %select_n3A_1557 = arith.select %eq3A_1554, %gather3A_1548, %broadcast_in_dim3A_1556 : vector<16xi1>, vector<16xf32>
    %add3A_1558 = arith.addf %broadcast_in_dim3A_1521, %select_n3A_1557 : vector<16xf32>
    %add3A_1559 = arith.addi %broadcast_in_dim3A_1519, %get3A_244 : vector<16xi32>
    %gather3A_1560 = tpu.vector_load_idx %arg7[%add3A_1559] : memref<23552xf32, #tpu.memory_space<vmem>>[vector<16xi32>], vector<16xf32>,
    %mul3A_1561 = arith.mulf %div3A_93, %gather3A_1560 : vector<16xf32>
    %xor3A_1562 = arith.constant 1 : i32
    %xor3A_1563 = vector.broadcast %xor3A_1562 : i32 to vector<16xi32>
    %xor3A_1564 = arith.xori %iota3A, %xor3A_1563 : vector<16xi32>
    %broadcast_in_dim3A_1565 = vector.shape_cast %xor3A_1564 : vector<16xi32> to vector<16x1xi32>
    %gather3A_1566 = vector.shape_cast %broadcast_in_dim3A_1565 : vector<16x1xi32> to vector<16xi32>
    %gather3A_1567 = tpu.dynamic_gather %mul3A_1561[%gather3A_1566] in [0] : vector<16xf32>, vector<16xi32> -> vector<16xf32>
    %add3A_1568 = arith.addf %mul3A_1561, %gather3A_1567 : vector<16xf32>
    %xor3A_1569 = arith.constant 2 : i32
    %xor3A_1570 = vector.broadcast %xor3A_1569 : i32 to vector<16xi32>
    %xor3A_1571 = arith.xori %iota3A, %xor3A_1570 : vector<16xi32>
    %broadcast_in_dim3A_1572 = vector.shape_cast %xor3A_1571 : vector<16xi32> to vector<16x1xi32>
    %gather3A_1573 = vector.shape_cast %broadcast_in_dim3A_1572 : vector<16x1xi32> to vector<16xi32>
    %gather3A_1574 = tpu.dynamic_gather %add3A_1568[%gather3A_1573] in [0] : vector<16xf32>, vector<16xi32> -> vector<16xf32>
    %add3A_1575 = arith.addf %add3A_1568, %gather3A_1574 : vector<16xf32>
    %xor3A_1576 = arith.constant 4 : i32
    %xor3A_1577 = vector.broadcast %xor3A_1576 : i32 to vector<16xi32>
    %xor3A_1578 = arith.xori %iota3A, %xor3A_1577 : vector<16xi32>
    %broadcast_in_dim3A_1579 = vector.shape_cast %xor3A_1578 : vector<16xi32> to vector<16x1xi32>
    %gather3A_1580 = vector.shape_cast %broadcast_in_dim3A_1579 : vector<16x1xi32> to vector<16xi32>
    %gather3A_1581 = tpu.dynamic_gather %add3A_1575[%gather3A_1580] in [0] : vector<16xf32>, vector<16xi32> -> vector<16xf32>
    %add3A_1582 = arith.addf %add3A_1575, %gather3A_1581 : vector<16xf32>
    %broadcast_in_dim3A_1583 = vector.shape_cast %mul3A_8 : vector<16xi32> to vector<16x1xi32>
    %gather3A_1584 = vector.shape_cast %broadcast_in_dim3A_1583 : vector<16x1xi32> to vector<16xi32>
    %gather3A_1585 = tpu.dynamic_gather %add3A_1582[%gather3A_1584] in [0] : vector<16xf32>, vector<16xi32> -> vector<16xf32>
    %shift_right_arithmetic3A_1586 = arith.constant 1 : i32
    %shift_right_arithmetic3A_1587 = vector.broadcast %shift_right_arithmetic3A_1586 : i32 to vector<16xi32>
    %shift_right_arithmetic3A_1588 = arith.shrsi %iota3A, %shift_right_arithmetic3A_1587 : vector<16xi32>
    %eq3A_1589 = arith.constant 1 : i32
    %eq3A_1590 = vector.broadcast %eq3A_1589 : i32 to vector<16xi32>
    %eq3A_1591 = arith.cmpi eq, %shift_right_arithmetic3A_1588, %eq3A_1590 : vector<16xi32>
    %jit3A_1592 = arith.constant 0.000000e+00 : f32
    %broadcast_in_dim3A_1593 = vector.broadcast %jit3A_1592 : f32 to vector<16xf32>
    %select_n3A_1594 = arith.select %eq3A_1591, %gather3A_1585, %broadcast_in_dim3A_1593 : vector<16xi1>, vector<16xf32>
    %add3A_1595 = arith.addf %add3A_1558, %select_n3A_1594 : vector<16xf32>
    %add3A_1596 = arith.addi %broadcast_in_dim3A_1519, %get3A_246 : vector<16xi32>
    %gather3A_1597 = tpu.vector_load_idx %arg7[%add3A_1596] : memref<23552xf32, #tpu.memory_space<vmem>>[vector<16xi32>], vector<16xf32>,
    %mul3A_1598 = arith.mulf %div3A_140, %gather3A_1597 : vector<16xf32>
    %xor3A_1599 = arith.constant 1 : i32
    %xor3A_1600 = vector.broadcast %xor3A_1599 : i32 to vector<16xi32>
    %xor3A_1601 = arith.xori %iota3A, %xor3A_1600 : vector<16xi32>
    %broadcast_in_dim3A_1602 = vector.shape_cast %xor3A_1601 : vector<16xi32> to vector<16x1xi32>
    %gather3A_1603 = vector.shape_cast %broadcast_in_dim3A_1602 : vector<16x1xi32> to vector<16xi32>
    %gather3A_1604 = tpu.dynamic_gather %mul3A_1598[%gather3A_1603] in [0] : vector<16xf32>, vector<16xi32> -> vector<16xf32>
    %add3A_1605 = arith.addf %mul3A_1598, %gather3A_1604 : vector<16xf32>
    %xor3A_1606 = arith.constant 2 : i32
    %xor3A_1607 = vector.broadcast %xor3A_1606 : i32 to vector<16xi32>
    %xor3A_1608 = arith.xori %iota3A, %xor3A_1607 : vector<16xi32>
    %broadcast_in_dim3A_1609 = vector.shape_cast %xor3A_1608 : vector<16xi32> to vector<16x1xi32>
    %gather3A_1610 = vector.shape_cast %broadcast_in_dim3A_1609 : vector<16x1xi32> to vector<16xi32>
    %gather3A_1611 = tpu.dynamic_gather %add3A_1605[%gather3A_1610] in [0] : vector<16xf32>, vector<16xi32> -> vector<16xf32>
    %add3A_1612 = arith.addf %add3A_1605, %gather3A_1611 : vector<16xf32>
    %xor3A_1613 = arith.constant 4 : i32
    %xor3A_1614 = vector.broadcast %xor3A_1613 : i32 to vector<16xi32>
    %xor3A_1615 = arith.xori %iota3A, %xor3A_1614 : vector<16xi32>
    %broadcast_in_dim3A_1616 = vector.shape_cast %xor3A_1615 : vector<16xi32> to vector<16x1xi32>
    %gather3A_1617 = vector.shape_cast %broadcast_in_dim3A_1616 : vector<16x1xi32> to vector<16xi32>
    %gather3A_1618 = tpu.dynamic_gather %add3A_1612[%gather3A_1617] in [0] : vector<16xf32>, vector<16xi32> -> vector<16xf32>
    %add3A_1619 = arith.addf %add3A_1612, %gather3A_1618 : vector<16xf32>
    %broadcast_in_dim3A_1620 = vector.shape_cast %mul3A_8 : vector<16xi32> to vector<16x1xi32>
    %gather3A_1621 = vector.shape_cast %broadcast_in_dim3A_1620 : vector<16x1xi32> to vector<16xi32>
    %gather3A_1622 = tpu.dynamic_gather %add3A_1619[%gather3A_1621] in [0] : vector<16xf32>, vector<16xi32> -> vector<16xf32>
    %shift_right_arithmetic3A_1623 = arith.constant 1 : i32
    %shift_right_arithmetic3A_1624 = vector.broadcast %shift_right_arithmetic3A_1623 : i32 to vector<16xi32>
    %shift_right_arithmetic3A_1625 = arith.shrsi %iota3A, %shift_right_arithmetic3A_1624 : vector<16xi32>
    %eq3A_1626 = arith.constant 2 : i32
    %eq3A_1627 = vector.broadcast %eq3A_1626 : i32 to vector<16xi32>
    %eq3A_1628 = arith.cmpi eq, %shift_right_arithmetic3A_1625, %eq3A_1627 : vector<16xi32>
    %jit3A_1629 = arith.constant 0.000000e+00 : f32
    %broadcast_in_dim3A_1630 = vector.broadcast %jit3A_1629 : f32 to vector<16xf32>
    %select_n3A_1631 = arith.select %eq3A_1628, %gather3A_1622, %broadcast_in_dim3A_1630 : vector<16xi1>, vector<16xf32>
    %add3A_1632 = arith.addf %add3A_1595, %select_n3A_1631 : vector<16xf32>
    %add3A_1633 = arith.addi %broadcast_in_dim3A_1519, %get3A_248 : vector<16xi32>
    %gather3A_1634 = tpu.vector_load_idx %arg7[%add3A_1633] : memref<23552xf32, #tpu.memory_space<vmem>>[vector<16xi32>], vector<16xf32>,
    %mul3A_1635 = arith.mulf %div3A_187, %gather3A_1634 : vector<16xf32>
    %xor3A_1636 = arith.constant 1 : i32
    %xor3A_1637 = vector.broadcast %xor3A_1636 : i32 to vector<16xi32>
    %xor3A_1638 = arith.xori %iota3A, %xor3A_1637 : vector<16xi32>
    %broadcast_in_dim3A_1639 = vector.shape_cast %xor3A_1638 : vector<16xi32> to vector<16x1xi32>
    %gather3A_1640 = vector.shape_cast %broadcast_in_dim3A_1639 : vector<16x1xi32> to vector<16xi32>
    %gather3A_1641 = tpu.dynamic_gather %mul3A_1635[%gather3A_1640] in [0] : vector<16xf32>, vector<16xi32> -> vector<16xf32>
    %add3A_1642 = arith.addf %mul3A_1635, %gather3A_1641 : vector<16xf32>
    %xor3A_1643 = arith.constant 2 : i32
    %xor3A_1644 = vector.broadcast %xor3A_1643 : i32 to vector<16xi32>
    %xor3A_1645 = arith.xori %iota3A, %xor3A_1644 : vector<16xi32>
    %broadcast_in_dim3A_1646 = vector.shape_cast %xor3A_1645 : vector<16xi32> to vector<16x1xi32>
    %gather3A_1647 = vector.shape_cast %broadcast_in_dim3A_1646 : vector<16x1xi32> to vector<16xi32>
    %gather3A_1648 = tpu.dynamic_gather %add3A_1642[%gather3A_1647] in [0] : vector<16xf32>, vector<16xi32> -> vector<16xf32>
    %add3A_1649 = arith.addf %add3A_1642, %gather3A_1648 : vector<16xf32>
    %xor3A_1650 = arith.constant 4 : i32
    %xor3A_1651 = vector.broadcast %xor3A_1650 : i32 to vector<16xi32>
    %xor3A_1652 = arith.xori %iota3A, %xor3A_1651 : vector<16xi32>
    %broadcast_in_dim3A_1653 = vector.shape_cast %xor3A_1652 : vector<16xi32> to vector<16x1xi32>
    %gather3A_1654 = vector.shape_cast %broadcast_in_dim3A_1653 : vector<16x1xi32> to vector<16xi32>
    %gather3A_1655 = tpu.dynamic_gather %add3A_1649[%gather3A_1654] in [0] : vector<16xf32>, vector<16xi32> -> vector<16xf32>
    %add3A_1656 = arith.addf %add3A_1649, %gather3A_1655 : vector<16xf32>
    %broadcast_in_dim3A_1657 = vector.shape_cast %mul3A_8 : vector<16xi32> to vector<16x1xi32>
    %gather3A_1658 = vector.shape_cast %broadcast_in_dim3A_1657 : vector<16x1xi32> to vector<16xi32>
    %gather3A_1659 = tpu.dynamic_gather %add3A_1656[%gather3A_1658] in [0] : vector<16xf32>, vector<16xi32> -> vector<16xf32>
    %shift_right_arithmetic3A_1660 = arith.constant 1 : i32
    %shift_right_arithmetic3A_1661 = vector.broadcast %shift_right_arithmetic3A_1660 : i32 to vector<16xi32>
    %shift_right_arithmetic3A_1662 = arith.shrsi %iota3A, %shift_right_arithmetic3A_1661 : vector<16xi32>
    %eq3A_1663 = arith.constant 3 : i32
    %eq3A_1664 = vector.broadcast %eq3A_1663 : i32 to vector<16xi32>
    %eq3A_1665 = arith.cmpi eq, %shift_right_arithmetic3A_1662, %eq3A_1664 : vector<16xi32>
    %jit3A_1666 = arith.constant 0.000000e+00 : f32
    %broadcast_in_dim3A_1667 = vector.broadcast %jit3A_1666 : f32 to vector<16xf32>
    %select_n3A_1668 = arith.select %eq3A_1665, %gather3A_1659, %broadcast_in_dim3A_1667 : vector<16xi1>, vector<16xf32>
    %add3A_1669 = arith.addf %add3A_1632, %select_n3A_1668 : vector<16xf32>
    %add3A_1670 = arith.addi %broadcast_in_dim3A_1519, %get3A_250 : vector<16xi32>
    %gather3A_1671 = tpu.vector_load_idx %arg7[%add3A_1670] : memref<23552xf32, #tpu.memory_space<vmem>>[vector<16xi32>], vector<16xf32>,
    %mul3A_1672 = arith.mulf %div3A_234, %gather3A_1671 : vector<16xf32>
    %xor3A_1673 = arith.constant 1 : i32
    %xor3A_1674 = vector.broadcast %xor3A_1673 : i32 to vector<16xi32>
    %xor3A_1675 = arith.xori %iota3A, %xor3A_1674 : vector<16xi32>
    %broadcast_in_dim3A_1676 = vector.shape_cast %xor3A_1675 : vector<16xi32> to vector<16x1xi32>
    %gather3A_1677 = vector.shape_cast %broadcast_in_dim3A_1676 : vector<16x1xi32> to vector<16xi32>
    %gather3A_1678 = tpu.dynamic_gather %mul3A_1672[%gather3A_1677] in [0] : vector<16xf32>, vector<16xi32> -> vector<16xf32>
    %add3A_1679 = arith.addf %mul3A_1672, %gather3A_1678 : vector<16xf32>
    %xor3A_1680 = arith.constant 2 : i32
    %xor3A_1681 = vector.broadcast %xor3A_1680 : i32 to vector<16xi32>
    %xor3A_1682 = arith.xori %iota3A, %xor3A_1681 : vector<16xi32>
    %broadcast_in_dim3A_1683 = vector.shape_cast %xor3A_1682 : vector<16xi32> to vector<16x1xi32>
    %gather3A_1684 = vector.shape_cast %broadcast_in_dim3A_1683 : vector<16x1xi32> to vector<16xi32>
    %gather3A_1685 = tpu.dynamic_gather %add3A_1679[%gather3A_1684] in [0] : vector<16xf32>, vector<16xi32> -> vector<16xf32>
    %add3A_1686 = arith.addf %add3A_1679, %gather3A_1685 : vector<16xf32>
    %xor3A_1687 = arith.constant 4 : i32
    %xor3A_1688 = vector.broadcast %xor3A_1687 : i32 to vector<16xi32>
    %xor3A_1689 = arith.xori %iota3A, %xor3A_1688 : vector<16xi32>
    %broadcast_in_dim3A_1690 = vector.shape_cast %xor3A_1689 : vector<16xi32> to vector<16x1xi32>
    %gather3A_1691 = vector.shape_cast %broadcast_in_dim3A_1690 : vector<16x1xi32> to vector<16xi32>
    %gather3A_1692 = tpu.dynamic_gather %add3A_1686[%gather3A_1691] in [0] : vector<16xf32>, vector<16xi32> -> vector<16xf32>
    %add3A_1693 = arith.addf %add3A_1686, %gather3A_1692 : vector<16xf32>
    %broadcast_in_dim3A_1694 = vector.shape_cast %mul3A_8 : vector<16xi32> to vector<16x1xi32>
    %gather3A_1695 = vector.shape_cast %broadcast_in_dim3A_1694 : vector<16x1xi32> to vector<16xi32>
    %gather3A_1696 = tpu.dynamic_gather %add3A_1693[%gather3A_1695] in [0] : vector<16xf32>, vector<16xi32> -> vector<16xf32>
    %shift_right_arithmetic3A_1697 = arith.constant 1 : i32
    %shift_right_arithmetic3A_1698 = vector.broadcast %shift_right_arithmetic3A_1697 : i32 to vector<16xi32>
    %shift_right_arithmetic3A_1699 = arith.shrsi %iota3A, %shift_right_arithmetic3A_1698 : vector<16xi32>
    %eq3A_1700 = arith.constant 4 : i32
    %eq3A_1701 = vector.broadcast %eq3A_1700 : i32 to vector<16xi32>
    %eq3A_1702 = arith.cmpi eq, %shift_right_arithmetic3A_1699, %eq3A_1701 : vector<16xi32>
    %jit3A_1703 = arith.constant 0.000000e+00 : f32
    %broadcast_in_dim3A_1704 = vector.broadcast %jit3A_1703 : f32 to vector<16xf32>
    %select_n3A_1705 = arith.select %eq3A_1702, %gather3A_1696, %broadcast_in_dim3A_1704 : vector<16xi1>, vector<16xf32>
    %add3A_1706 = arith.addf %add3A_1669, %select_n3A_1705 : vector<16xf32>
    %lt3A_1707 = arith.constant 10 : i32
    %lt3A_1708 = vector.broadcast %lt3A_1707 : i32 to vector<16xi32>
    %lt3A_1709 = arith.cmpi slt, %iota3A, %lt3A_1708 : vector<16xi32>
    %jit3A_1710 = arith.constant -1.000000e+30 : f32
    %broadcast_in_dim3A_1711 = vector.broadcast %jit3A_1710 : f32 to vector<16xf32>
    %select_n3A_1712 = arith.select %lt3A_1709, %add3A_1706, %broadcast_in_dim3A_1711 : vector<16xi1>, vector<16xf32>
    %xor3A_1713 = arith.constant 1 : i32
    %xor3A_1714 = vector.broadcast %xor3A_1713 : i32 to vector<16xi32>
    %xor3A_1715 = arith.xori %iota3A, %xor3A_1714 : vector<16xi32>
    %broadcast_in_dim3A_1716 = vector.shape_cast %xor3A_1715 : vector<16xi32> to vector<16x1xi32>
    %gather3A_1717 = vector.shape_cast %broadcast_in_dim3A_1716 : vector<16x1xi32> to vector<16xi32>
    %gather3A_1718 = tpu.dynamic_gather %select_n3A_1712[%gather3A_1717] in [0] : vector<16xf32>, vector<16xi32> -> vector<16xf32>
    %max3A_1719 = arith.maximumf %select_n3A_1712, %gather3A_1718 : vector<16xf32>
    %xor3A_1720 = arith.constant 2 : i32
    %xor3A_1721 = vector.broadcast %xor3A_1720 : i32 to vector<16xi32>
    %xor3A_1722 = arith.xori %iota3A, %xor3A_1721 : vector<16xi32>
    %broadcast_in_dim3A_1723 = vector.shape_cast %xor3A_1722 : vector<16xi32> to vector<16x1xi32>
    %gather3A_1724 = vector.shape_cast %broadcast_in_dim3A_1723 : vector<16x1xi32> to vector<16xi32>
    %gather3A_1725 = tpu.dynamic_gather %max3A_1719[%gather3A_1724] in [0] : vector<16xf32>, vector<16xi32> -> vector<16xf32>
    %max3A_1726 = arith.maximumf %max3A_1719, %gather3A_1725 : vector<16xf32>
    %xor3A_1727 = arith.constant 4 : i32
    %xor3A_1728 = vector.broadcast %xor3A_1727 : i32 to vector<16xi32>
    %xor3A_1729 = arith.xori %iota3A, %xor3A_1728 : vector<16xi32>
    %broadcast_in_dim3A_1730 = vector.shape_cast %xor3A_1729 : vector<16xi32> to vector<16x1xi32>
    %gather3A_1731 = vector.shape_cast %broadcast_in_dim3A_1730 : vector<16x1xi32> to vector<16xi32>
    %gather3A_1732 = tpu.dynamic_gather %max3A_1726[%gather3A_1731] in [0] : vector<16xf32>, vector<16xi32> -> vector<16xf32>
    %max3A_1733 = arith.maximumf %max3A_1726, %gather3A_1732 : vector<16xf32>
    %xor3A_1734 = arith.constant 8 : i32
    %xor3A_1735 = vector.broadcast %xor3A_1734 : i32 to vector<16xi32>
    %xor3A_1736 = arith.xori %iota3A, %xor3A_1735 : vector<16xi32>
    %broadcast_in_dim3A_1737 = vector.shape_cast %xor3A_1736 : vector<16xi32> to vector<16x1xi32>
    %gather3A_1738 = vector.shape_cast %broadcast_in_dim3A_1737 : vector<16x1xi32> to vector<16xi32>
    %gather3A_1739 = tpu.dynamic_gather %max3A_1733[%gather3A_1738] in [0] : vector<16xf32>, vector<16xi32> -> vector<16xf32>
    %max3A_1740 = arith.maximumf %max3A_1733, %gather3A_1739 : vector<16xf32>
    %sub3A_1741 = arith.subf %select_n3A_1712, %max3A_1740 : vector<16xf32>
    %exp3A_1742 = math.exp %sub3A_1741 : vector<16xf32>
    %xor3A_1743 = arith.constant 1 : i32
    %xor3A_1744 = vector.broadcast %xor3A_1743 : i32 to vector<16xi32>
    %xor3A_1745 = arith.xori %iota3A, %xor3A_1744 : vector<16xi32>
    %broadcast_in_dim3A_1746 = vector.shape_cast %xor3A_1745 : vector<16xi32> to vector<16x1xi32>
    %gather3A_1747 = vector.shape_cast %broadcast_in_dim3A_1746 : vector<16x1xi32> to vector<16xi32>
    %gather3A_1748 = tpu.dynamic_gather %exp3A_1742[%gather3A_1747] in [0] : vector<16xf32>, vector<16xi32> -> vector<16xf32>
    %add3A_1749 = arith.addf %exp3A_1742, %gather3A_1748 : vector<16xf32>
    %xor3A_1750 = arith.constant 2 : i32
    %xor3A_1751 = vector.broadcast %xor3A_1750 : i32 to vector<16xi32>
    %xor3A_1752 = arith.xori %iota3A, %xor3A_1751 : vector<16xi32>
    %broadcast_in_dim3A_1753 = vector.shape_cast %xor3A_1752 : vector<16xi32> to vector<16x1xi32>
    %gather3A_1754 = vector.shape_cast %broadcast_in_dim3A_1753 : vector<16x1xi32> to vector<16xi32>
    %gather3A_1755 = tpu.dynamic_gather %add3A_1749[%gather3A_1754] in [0] : vector<16xf32>, vector<16xi32> -> vector<16xf32>
    %add3A_1756 = arith.addf %add3A_1749, %gather3A_1755 : vector<16xf32>
    %xor3A_1757 = arith.constant 4 : i32
    %xor3A_1758 = vector.broadcast %xor3A_1757 : i32 to vector<16xi32>
    %xor3A_1759 = arith.xori %iota3A, %xor3A_1758 : vector<16xi32>
    %broadcast_in_dim3A_1760 = vector.shape_cast %xor3A_1759 : vector<16xi32> to vector<16x1xi32>
    %gather3A_1761 = vector.shape_cast %broadcast_in_dim3A_1760 : vector<16x1xi32> to vector<16xi32>
    %gather3A_1762 = tpu.dynamic_gather %add3A_1756[%gather3A_1761] in [0] : vector<16xf32>, vector<16xi32> -> vector<16xf32>
    %add3A_1763 = arith.addf %add3A_1756, %gather3A_1762 : vector<16xf32>
    %xor3A_1764 = arith.constant 8 : i32
    %xor3A_1765 = vector.broadcast %xor3A_1764 : i32 to vector<16xi32>
    %xor3A_1766 = arith.xori %iota3A, %xor3A_1765 : vector<16xi32>
    %broadcast_in_dim3A_1767 = vector.shape_cast %xor3A_1766 : vector<16xi32> to vector<16x1xi32>
    %gather3A_1768 = vector.shape_cast %broadcast_in_dim3A_1767 : vector<16x1xi32> to vector<16xi32>
    %gather3A_1769 = tpu.dynamic_gather %add3A_1763[%gather3A_1768] in [0] : vector<16xf32>, vector<16xi32> -> vector<16xf32>
    %add3A_1770 = arith.addf %add3A_1763, %gather3A_1769 : vector<16xf32>
    %bitcast3A_1771 = vector.bitcast %add3A_1770 : vector<16xf32> to vector<16xi32>
    %shift_right_arithmetic3A_1772 = arith.constant 23 : i32
    %shift_right_arithmetic3A_1773 = vector.broadcast %shift_right_arithmetic3A_1772 : i32 to vector<16xi32>
    %shift_right_arithmetic3A_1774 = arith.shrsi %bitcast3A_1771, %shift_right_arithmetic3A_1773 : vector<16xi32>
    %and3A_1775 = arith.constant 255 : i32
    %and3A_1776 = vector.broadcast %and3A_1775 : i32 to vector<16xi32>
    %and3A_1777 = arith.andi %shift_right_arithmetic3A_1774, %and3A_1776 : vector<16xi32>
    %sub3A_1778 = arith.constant 127 : i32
    %sub3A_1779 = vector.broadcast %sub3A_1778 : i32 to vector<16xi32>
    %sub3A_1780 = arith.subi %and3A_1777, %sub3A_1779 : vector<16xi32>
    %and3A_1781 = arith.constant 8388607 : i32
    %and3A_1782 = vector.broadcast %and3A_1781 : i32 to vector<16xi32>
    %and3A_1783 = arith.andi %bitcast3A_1771, %and3A_1782 : vector<16xi32>
    %or3A_1784 = arith.constant 1065353216 : i32
    %or3A_1785 = vector.broadcast %or3A_1784 : i32 to vector<16xi32>
    %or3A_1786 = arith.ori %and3A_1783, %or3A_1785 : vector<16xi32>
    %bitcast3A_1787 = vector.bitcast %or3A_1786 : vector<16xi32> to vector<16xf32>
    %sub3A_1788 = arith.constant 1.000000e+00 : f32
    %sub3A_1789 = vector.broadcast %sub3A_1788 : f32 to vector<16xf32>
    %sub3A_1790 = arith.subf %bitcast3A_1787, %sub3A_1789 : vector<16xf32>
    %add3A_1791 = arith.constant 1.000000e+00 : f32
    %add3A_1792 = vector.broadcast %add3A_1791 : f32 to vector<16xf32>
    %add3A_1793 = arith.addf %bitcast3A_1787, %add3A_1792 : vector<16xf32>
    %div3A_1794 = arith.divf %sub3A_1790, %add3A_1793 : vector<16xf32>
    %mul3A_1795 = arith.mulf %div3A_1794, %div3A_1794 : vector<16xf32>
    %mul3A_1796 = arith.constant 2.000000e+00 : f32
    %mul3A_1797 = vector.broadcast %mul3A_1796 : f32 to vector<16xf32>
    %mul3A_1798 = arith.mulf %mul3A_1797, %div3A_1794 : vector<16xf32>
    %mul3A_1799 = arith.constant 0.142857149 : f32
    %mul3A_1800 = vector.broadcast %mul3A_1799 : f32 to vector<16xf32>
    %mul3A_1801 = arith.mulf %mul3A_1795, %mul3A_1800 : vector<16xf32>
    %add3A_1802 = arith.constant 2.000000e-01 : f32
    %add3A_1803 = vector.broadcast %add3A_1802 : f32 to vector<16xf32>
    %add3A_1804 = arith.addf %add3A_1803, %mul3A_1801 : vector<16xf32>
    %mul3A_1805 = arith.mulf %mul3A_1795, %add3A_1804 : vector<16xf32>
    %add3A_1806 = arith.constant 0.333333343 : f32
    %add3A_1807 = vector.broadcast %add3A_1806 : f32 to vector<16xf32>
    %add3A_1808 = arith.addf %add3A_1807, %mul3A_1805 : vector<16xf32>
    %mul3A_1809 = arith.mulf %mul3A_1795, %add3A_1808 : vector<16xf32>
    %add3A_1810 = arith.constant 1.000000e+00 : f32
    %add3A_1811 = vector.broadcast %add3A_1810 : f32 to vector<16xf32>
    %add3A_1812 = arith.addf %add3A_1811, %mul3A_1809 : vector<16xf32>
    %mul3A_1813 = arith.mulf %mul3A_1798, %add3A_1812 : vector<16xf32>
    %convert_element_type3A_1814 = arith.sitofp %sub3A_1780 : vector<16xi32> to vector<16xf32>
    %mul3A_1815 = arith.constant 0.693147182 : f32
    %mul3A_1816 = vector.broadcast %mul3A_1815 : f32 to vector<16xf32>
    %mul3A_1817 = arith.mulf %convert_element_type3A_1814, %mul3A_1816 : vector<16xf32>
    %add3A_1818 = arith.addf %mul3A_1817, %mul3A_1813 : vector<16xf32>
    %add3A_1819 = arith.addf %max3A_1740, %add3A_1818 : vector<16xf32>
    %broadcast_in_dim3A_1820 = arith.constant 4 : i32
    %broadcast_in_dim3A_1821 = vector.broadcast %broadcast_in_dim3A_1820 : i32 to vector<16xi32>
    %broadcast_in_dim3A_1822 = vector.shape_cast %broadcast_in_dim3A_1821 : vector<16xi32> to vector<16x1xi32>
    %gather3A_1823 = vector.shape_cast %broadcast_in_dim3A_1822 : vector<16x1xi32> to vector<16xi32>
    %gather3A_1824 = tpu.dynamic_gather %gather3A_240[%gather3A_1823] in [0] : vector<16xi32>, vector<16xi32> -> vector<16xi32>
    %broadcast_in_dim3A_1825 = vector.shape_cast %gather3A_1824 : vector<16xi32> to vector<16x1xi32>
    %gather3A_1826 = vector.shape_cast %broadcast_in_dim3A_1825 : vector<16x1xi32> to vector<16xi32>
    %gather3A_1827 = tpu.dynamic_gather %add3A_1706[%gather3A_1826] in [0] : vector<16xf32>, vector<16xi32> -> vector<16xf32>
    %eq3A_1828 = arith.constant 0 : i32
    %eq3A_1829 = vector.broadcast %eq3A_1828 : i32 to vector<16xi32>
    %eq3A_1830 = arith.cmpi eq, %iota3A, %eq3A_1829 : vector<16xi32>
    %sub3A_1831 = arith.subf %add3A_1819, %gather3A_1827 : vector<16xf32>
    %jit3A_1832 = arith.constant 0.000000e+00 : f32
    %broadcast_in_dim3A_1833 = vector.broadcast %jit3A_1832 : f32 to vector<16xf32>
    %select_n3A_1834 = arith.select %eq3A_1830, %sub3A_1831, %broadcast_in_dim3A_1833 : vector<16xi1>, vector<16xf32>
    %add3A_1835 = arith.addf %add3A_1517, %select_n3A_1834 : vector<16xf32>
    %broadcast_in_dim3A_1836 = arith.constant 14720 : i32
    %broadcast_in_dim3A_1837 = vector.broadcast %broadcast_in_dim3A_1836 : i32 to vector<16xi32>
    %broadcast_in_dim3A_1838 = arith.constant 0.000000e+00 : f32
    %broadcast_in_dim3A_1839 = vector.broadcast %broadcast_in_dim3A_1838 : f32 to vector<16xf32>
    %add3A_1840 = arith.addi %broadcast_in_dim3A_1837, %get3A_242 : vector<16xi32>
    %gather3A_1841 = tpu.vector_load_idx %arg7[%add3A_1840] : memref<23552xf32, #tpu.memory_space<vmem>>[vector<16xi32>], vector<16xf32>,
    %mul3A_1842 = arith.mulf %div3A, %gather3A_1841 : vector<16xf32>
    %xor3A_1843 = arith.constant 1 : i32
    %xor3A_1844 = vector.broadcast %xor3A_1843 : i32 to vector<16xi32>
    %xor3A_1845 = arith.xori %iota3A, %xor3A_1844 : vector<16xi32>
    %broadcast_in_dim3A_1846 = vector.shape_cast %xor3A_1845 : vector<16xi32> to vector<16x1xi32>
    %gather3A_1847 = vector.shape_cast %broadcast_in_dim3A_1846 : vector<16x1xi32> to vector<16xi32>
    %gather3A_1848 = tpu.dynamic_gather %mul3A_1842[%gather3A_1847] in [0] : vector<16xf32>, vector<16xi32> -> vector<16xf32>
    %add3A_1849 = arith.addf %mul3A_1842, %gather3A_1848 : vector<16xf32>
    %xor3A_1850 = arith.constant 2 : i32
    %xor3A_1851 = vector.broadcast %xor3A_1850 : i32 to vector<16xi32>
    %xor3A_1852 = arith.xori %iota3A, %xor3A_1851 : vector<16xi32>
    %broadcast_in_dim3A_1853 = vector.shape_cast %xor3A_1852 : vector<16xi32> to vector<16x1xi32>
    %gather3A_1854 = vector.shape_cast %broadcast_in_dim3A_1853 : vector<16x1xi32> to vector<16xi32>
    %gather3A_1855 = tpu.dynamic_gather %add3A_1849[%gather3A_1854] in [0] : vector<16xf32>, vector<16xi32> -> vector<16xf32>
    %add3A_1856 = arith.addf %add3A_1849, %gather3A_1855 : vector<16xf32>
    %xor3A_1857 = arith.constant 4 : i32
    %xor3A_1858 = vector.broadcast %xor3A_1857 : i32 to vector<16xi32>
    %xor3A_1859 = arith.xori %iota3A, %xor3A_1858 : vector<16xi32>
    %broadcast_in_dim3A_1860 = vector.shape_cast %xor3A_1859 : vector<16xi32> to vector<16x1xi32>
    %gather3A_1861 = vector.shape_cast %broadcast_in_dim3A_1860 : vector<16x1xi32> to vector<16xi32>
    %gather3A_1862 = tpu.dynamic_gather %add3A_1856[%gather3A_1861] in [0] : vector<16xf32>, vector<16xi32> -> vector<16xf32>
    %add3A_1863 = arith.addf %add3A_1856, %gather3A_1862 : vector<16xf32>
    %broadcast_in_dim3A_1864 = vector.shape_cast %mul3A_8 : vector<16xi32> to vector<16x1xi32>
    %gather3A_1865 = vector.shape_cast %broadcast_in_dim3A_1864 : vector<16x1xi32> to vector<16xi32>
    %gather3A_1866 = tpu.dynamic_gather %add3A_1863[%gather3A_1865] in [0] : vector<16xf32>, vector<16xi32> -> vector<16xf32>
    %shift_right_arithmetic3A_1867 = arith.constant 1 : i32
    %shift_right_arithmetic3A_1868 = vector.broadcast %shift_right_arithmetic3A_1867 : i32 to vector<16xi32>
    %shift_right_arithmetic3A_1869 = arith.shrsi %iota3A, %shift_right_arithmetic3A_1868 : vector<16xi32>
    %eq3A_1870 = arith.constant 0 : i32
    %eq3A_1871 = vector.broadcast %eq3A_1870 : i32 to vector<16xi32>
    %eq3A_1872 = arith.cmpi eq, %shift_right_arithmetic3A_1869, %eq3A_1871 : vector<16xi32>
    %jit3A_1873 = arith.constant 0.000000e+00 : f32
    %broadcast_in_dim3A_1874 = vector.broadcast %jit3A_1873 : f32 to vector<16xf32>
    %select_n3A_1875 = arith.select %eq3A_1872, %gather3A_1866, %broadcast_in_dim3A_1874 : vector<16xi1>, vector<16xf32>
    %add3A_1876 = arith.addf %broadcast_in_dim3A_1839, %select_n3A_1875 : vector<16xf32>
    %add3A_1877 = arith.addi %broadcast_in_dim3A_1837, %get3A_244 : vector<16xi32>
    %gather3A_1878 = tpu.vector_load_idx %arg7[%add3A_1877] : memref<23552xf32, #tpu.memory_space<vmem>>[vector<16xi32>], vector<16xf32>,
    %mul3A_1879 = arith.mulf %div3A_93, %gather3A_1878 : vector<16xf32>
    %xor3A_1880 = arith.constant 1 : i32
    %xor3A_1881 = vector.broadcast %xor3A_1880 : i32 to vector<16xi32>
    %xor3A_1882 = arith.xori %iota3A, %xor3A_1881 : vector<16xi32>
    %broadcast_in_dim3A_1883 = vector.shape_cast %xor3A_1882 : vector<16xi32> to vector<16x1xi32>
    %gather3A_1884 = vector.shape_cast %broadcast_in_dim3A_1883 : vector<16x1xi32> to vector<16xi32>
    %gather3A_1885 = tpu.dynamic_gather %mul3A_1879[%gather3A_1884] in [0] : vector<16xf32>, vector<16xi32> -> vector<16xf32>
    %add3A_1886 = arith.addf %mul3A_1879, %gather3A_1885 : vector<16xf32>
    %xor3A_1887 = arith.constant 2 : i32
    %xor3A_1888 = vector.broadcast %xor3A_1887 : i32 to vector<16xi32>
    %xor3A_1889 = arith.xori %iota3A, %xor3A_1888 : vector<16xi32>
    %broadcast_in_dim3A_1890 = vector.shape_cast %xor3A_1889 : vector<16xi32> to vector<16x1xi32>
    %gather3A_1891 = vector.shape_cast %broadcast_in_dim3A_1890 : vector<16x1xi32> to vector<16xi32>
    %gather3A_1892 = tpu.dynamic_gather %add3A_1886[%gather3A_1891] in [0] : vector<16xf32>, vector<16xi32> -> vector<16xf32>
    %add3A_1893 = arith.addf %add3A_1886, %gather3A_1892 : vector<16xf32>
    %xor3A_1894 = arith.constant 4 : i32
    %xor3A_1895 = vector.broadcast %xor3A_1894 : i32 to vector<16xi32>
    %xor3A_1896 = arith.xori %iota3A, %xor3A_1895 : vector<16xi32>
    %broadcast_in_dim3A_1897 = vector.shape_cast %xor3A_1896 : vector<16xi32> to vector<16x1xi32>
    %gather3A_1898 = vector.shape_cast %broadcast_in_dim3A_1897 : vector<16x1xi32> to vector<16xi32>
    %gather3A_1899 = tpu.dynamic_gather %add3A_1893[%gather3A_1898] in [0] : vector<16xf32>, vector<16xi32> -> vector<16xf32>
    %add3A_1900 = arith.addf %add3A_1893, %gather3A_1899 : vector<16xf32>
    %broadcast_in_dim3A_1901 = vector.shape_cast %mul3A_8 : vector<16xi32> to vector<16x1xi32>
    %gather3A_1902 = vector.shape_cast %broadcast_in_dim3A_1901 : vector<16x1xi32> to vector<16xi32>
    %gather3A_1903 = tpu.dynamic_gather %add3A_1900[%gather3A_1902] in [0] : vector<16xf32>, vector<16xi32> -> vector<16xf32>
    %shift_right_arithmetic3A_1904 = arith.constant 1 : i32
    %shift_right_arithmetic3A_1905 = vector.broadcast %shift_right_arithmetic3A_1904 : i32 to vector<16xi32>
    %shift_right_arithmetic3A_1906 = arith.shrsi %iota3A, %shift_right_arithmetic3A_1905 : vector<16xi32>
    %eq3A_1907 = arith.constant 1 : i32
    %eq3A_1908 = vector.broadcast %eq3A_1907 : i32 to vector<16xi32>
    %eq3A_1909 = arith.cmpi eq, %shift_right_arithmetic3A_1906, %eq3A_1908 : vector<16xi32>
    %jit3A_1910 = arith.constant 0.000000e+00 : f32
    %broadcast_in_dim3A_1911 = vector.broadcast %jit3A_1910 : f32 to vector<16xf32>
    %select_n3A_1912 = arith.select %eq3A_1909, %gather3A_1903, %broadcast_in_dim3A_1911 : vector<16xi1>, vector<16xf32>
    %add3A_1913 = arith.addf %add3A_1876, %select_n3A_1912 : vector<16xf32>
    %add3A_1914 = arith.addi %broadcast_in_dim3A_1837, %get3A_246 : vector<16xi32>
    %gather3A_1915 = tpu.vector_load_idx %arg7[%add3A_1914] : memref<23552xf32, #tpu.memory_space<vmem>>[vector<16xi32>], vector<16xf32>,
    %mul3A_1916 = arith.mulf %div3A_140, %gather3A_1915 : vector<16xf32>
    %xor3A_1917 = arith.constant 1 : i32
    %xor3A_1918 = vector.broadcast %xor3A_1917 : i32 to vector<16xi32>
    %xor3A_1919 = arith.xori %iota3A, %xor3A_1918 : vector<16xi32>
    %broadcast_in_dim3A_1920 = vector.shape_cast %xor3A_1919 : vector<16xi32> to vector<16x1xi32>
    %gather3A_1921 = vector.shape_cast %broadcast_in_dim3A_1920 : vector<16x1xi32> to vector<16xi32>
    %gather3A_1922 = tpu.dynamic_gather %mul3A_1916[%gather3A_1921] in [0] : vector<16xf32>, vector<16xi32> -> vector<16xf32>
    %add3A_1923 = arith.addf %mul3A_1916, %gather3A_1922 : vector<16xf32>
    %xor3A_1924 = arith.constant 2 : i32
    %xor3A_1925 = vector.broadcast %xor3A_1924 : i32 to vector<16xi32>
    %xor3A_1926 = arith.xori %iota3A, %xor3A_1925 : vector<16xi32>
    %broadcast_in_dim3A_1927 = vector.shape_cast %xor3A_1926 : vector<16xi32> to vector<16x1xi32>
    %gather3A_1928 = vector.shape_cast %broadcast_in_dim3A_1927 : vector<16x1xi32> to vector<16xi32>
    %gather3A_1929 = tpu.dynamic_gather %add3A_1923[%gather3A_1928] in [0] : vector<16xf32>, vector<16xi32> -> vector<16xf32>
    %add3A_1930 = arith.addf %add3A_1923, %gather3A_1929 : vector<16xf32>
    %xor3A_1931 = arith.constant 4 : i32
    %xor3A_1932 = vector.broadcast %xor3A_1931 : i32 to vector<16xi32>
    %xor3A_1933 = arith.xori %iota3A, %xor3A_1932 : vector<16xi32>
    %broadcast_in_dim3A_1934 = vector.shape_cast %xor3A_1933 : vector<16xi32> to vector<16x1xi32>
    %gather3A_1935 = vector.shape_cast %broadcast_in_dim3A_1934 : vector<16x1xi32> to vector<16xi32>
    %gather3A_1936 = tpu.dynamic_gather %add3A_1930[%gather3A_1935] in [0] : vector<16xf32>, vector<16xi32> -> vector<16xf32>
    %add3A_1937 = arith.addf %add3A_1930, %gather3A_1936 : vector<16xf32>
    %broadcast_in_dim3A_1938 = vector.shape_cast %mul3A_8 : vector<16xi32> to vector<16x1xi32>
    %gather3A_1939 = vector.shape_cast %broadcast_in_dim3A_1938 : vector<16x1xi32> to vector<16xi32>
    %gather3A_1940 = tpu.dynamic_gather %add3A_1937[%gather3A_1939] in [0] : vector<16xf32>, vector<16xi32> -> vector<16xf32>
    %shift_right_arithmetic3A_1941 = arith.constant 1 : i32
    %shift_right_arithmetic3A_1942 = vector.broadcast %shift_right_arithmetic3A_1941 : i32 to vector<16xi32>
    %shift_right_arithmetic3A_1943 = arith.shrsi %iota3A, %shift_right_arithmetic3A_1942 : vector<16xi32>
    %eq3A_1944 = arith.constant 2 : i32
    %eq3A_1945 = vector.broadcast %eq3A_1944 : i32 to vector<16xi32>
    %eq3A_1946 = arith.cmpi eq, %shift_right_arithmetic3A_1943, %eq3A_1945 : vector<16xi32>
    %jit3A_1947 = arith.constant 0.000000e+00 : f32
    %broadcast_in_dim3A_1948 = vector.broadcast %jit3A_1947 : f32 to vector<16xf32>
    %select_n3A_1949 = arith.select %eq3A_1946, %gather3A_1940, %broadcast_in_dim3A_1948 : vector<16xi1>, vector<16xf32>
    %add3A_1950 = arith.addf %add3A_1913, %select_n3A_1949 : vector<16xf32>
    %add3A_1951 = arith.addi %broadcast_in_dim3A_1837, %get3A_248 : vector<16xi32>
    %gather3A_1952 = tpu.vector_load_idx %arg7[%add3A_1951] : memref<23552xf32, #tpu.memory_space<vmem>>[vector<16xi32>], vector<16xf32>,
    %mul3A_1953 = arith.mulf %div3A_187, %gather3A_1952 : vector<16xf32>
    %xor3A_1954 = arith.constant 1 : i32
    %xor3A_1955 = vector.broadcast %xor3A_1954 : i32 to vector<16xi32>
    %xor3A_1956 = arith.xori %iota3A, %xor3A_1955 : vector<16xi32>
    %broadcast_in_dim3A_1957 = vector.shape_cast %xor3A_1956 : vector<16xi32> to vector<16x1xi32>
    %gather3A_1958 = vector.shape_cast %broadcast_in_dim3A_1957 : vector<16x1xi32> to vector<16xi32>
    %gather3A_1959 = tpu.dynamic_gather %mul3A_1953[%gather3A_1958] in [0] : vector<16xf32>, vector<16xi32> -> vector<16xf32>
    %add3A_1960 = arith.addf %mul3A_1953, %gather3A_1959 : vector<16xf32>
    %xor3A_1961 = arith.constant 2 : i32
    %xor3A_1962 = vector.broadcast %xor3A_1961 : i32 to vector<16xi32>
    %xor3A_1963 = arith.xori %iota3A, %xor3A_1962 : vector<16xi32>
    %broadcast_in_dim3A_1964 = vector.shape_cast %xor3A_1963 : vector<16xi32> to vector<16x1xi32>
    %gather3A_1965 = vector.shape_cast %broadcast_in_dim3A_1964 : vector<16x1xi32> to vector<16xi32>
    %gather3A_1966 = tpu.dynamic_gather %add3A_1960[%gather3A_1965] in [0] : vector<16xf32>, vector<16xi32> -> vector<16xf32>
    %add3A_1967 = arith.addf %add3A_1960, %gather3A_1966 : vector<16xf32>
    %xor3A_1968 = arith.constant 4 : i32
    %xor3A_1969 = vector.broadcast %xor3A_1968 : i32 to vector<16xi32>
    %xor3A_1970 = arith.xori %iota3A, %xor3A_1969 : vector<16xi32>
    %broadcast_in_dim3A_1971 = vector.shape_cast %xor3A_1970 : vector<16xi32> to vector<16x1xi32>
    %gather3A_1972 = vector.shape_cast %broadcast_in_dim3A_1971 : vector<16x1xi32> to vector<16xi32>
    %gather3A_1973 = tpu.dynamic_gather %add3A_1967[%gather3A_1972] in [0] : vector<16xf32>, vector<16xi32> -> vector<16xf32>
    %add3A_1974 = arith.addf %add3A_1967, %gather3A_1973 : vector<16xf32>
    %broadcast_in_dim3A_1975 = vector.shape_cast %mul3A_8 : vector<16xi32> to vector<16x1xi32>
    %gather3A_1976 = vector.shape_cast %broadcast_in_dim3A_1975 : vector<16x1xi32> to vector<16xi32>
    %gather3A_1977 = tpu.dynamic_gather %add3A_1974[%gather3A_1976] in [0] : vector<16xf32>, vector<16xi32> -> vector<16xf32>
    %shift_right_arithmetic3A_1978 = arith.constant 1 : i32
    %shift_right_arithmetic3A_1979 = vector.broadcast %shift_right_arithmetic3A_1978 : i32 to vector<16xi32>
    %shift_right_arithmetic3A_1980 = arith.shrsi %iota3A, %shift_right_arithmetic3A_1979 : vector<16xi32>
    %eq3A_1981 = arith.constant 3 : i32
    %eq3A_1982 = vector.broadcast %eq3A_1981 : i32 to vector<16xi32>
    %eq3A_1983 = arith.cmpi eq, %shift_right_arithmetic3A_1980, %eq3A_1982 : vector<16xi32>
    %jit3A_1984 = arith.constant 0.000000e+00 : f32
    %broadcast_in_dim3A_1985 = vector.broadcast %jit3A_1984 : f32 to vector<16xf32>
    %select_n3A_1986 = arith.select %eq3A_1983, %gather3A_1977, %broadcast_in_dim3A_1985 : vector<16xi1>, vector<16xf32>
    %add3A_1987 = arith.addf %add3A_1950, %select_n3A_1986 : vector<16xf32>
    %add3A_1988 = arith.addi %broadcast_in_dim3A_1837, %get3A_250 : vector<16xi32>
    %gather3A_1989 = tpu.vector_load_idx %arg7[%add3A_1988] : memref<23552xf32, #tpu.memory_space<vmem>>[vector<16xi32>], vector<16xf32>,
    %mul3A_1990 = arith.mulf %div3A_234, %gather3A_1989 : vector<16xf32>
    %xor3A_1991 = arith.constant 1 : i32
    %xor3A_1992 = vector.broadcast %xor3A_1991 : i32 to vector<16xi32>
    %xor3A_1993 = arith.xori %iota3A, %xor3A_1992 : vector<16xi32>
    %broadcast_in_dim3A_1994 = vector.shape_cast %xor3A_1993 : vector<16xi32> to vector<16x1xi32>
    %gather3A_1995 = vector.shape_cast %broadcast_in_dim3A_1994 : vector<16x1xi32> to vector<16xi32>
    %gather3A_1996 = tpu.dynamic_gather %mul3A_1990[%gather3A_1995] in [0] : vector<16xf32>, vector<16xi32> -> vector<16xf32>
    %add3A_1997 = arith.addf %mul3A_1990, %gather3A_1996 : vector<16xf32>
    %xor3A_1998 = arith.constant 2 : i32
    %xor3A_1999 = vector.broadcast %xor3A_1998 : i32 to vector<16xi32>
    %xor3A_2000 = arith.xori %iota3A, %xor3A_1999 : vector<16xi32>
    %broadcast_in_dim3A_2001 = vector.shape_cast %xor3A_2000 : vector<16xi32> to vector<16x1xi32>
    %gather3A_2002 = vector.shape_cast %broadcast_in_dim3A_2001 : vector<16x1xi32> to vector<16xi32>
    %gather3A_2003 = tpu.dynamic_gather %add3A_1997[%gather3A_2002] in [0] : vector<16xf32>, vector<16xi32> -> vector<16xf32>
    %add3A_2004 = arith.addf %add3A_1997, %gather3A_2003 : vector<16xf32>
    %xor3A_2005 = arith.constant 4 : i32
    %xor3A_2006 = vector.broadcast %xor3A_2005 : i32 to vector<16xi32>
    %xor3A_2007 = arith.xori %iota3A, %xor3A_2006 : vector<16xi32>
    %broadcast_in_dim3A_2008 = vector.shape_cast %xor3A_2007 : vector<16xi32> to vector<16x1xi32>
    %gather3A_2009 = vector.shape_cast %broadcast_in_dim3A_2008 : vector<16x1xi32> to vector<16xi32>
    %gather3A_2010 = tpu.dynamic_gather %add3A_2004[%gather3A_2009] in [0] : vector<16xf32>, vector<16xi32> -> vector<16xf32>
    %add3A_2011 = arith.addf %add3A_2004, %gather3A_2010 : vector<16xf32>
    %broadcast_in_dim3A_2012 = vector.shape_cast %mul3A_8 : vector<16xi32> to vector<16x1xi32>
    %gather3A_2013 = vector.shape_cast %broadcast_in_dim3A_2012 : vector<16x1xi32> to vector<16xi32>
    %gather3A_2014 = tpu.dynamic_gather %add3A_2011[%gather3A_2013] in [0] : vector<16xf32>, vector<16xi32> -> vector<16xf32>
    %shift_right_arithmetic3A_2015 = arith.constant 1 : i32
    %shift_right_arithmetic3A_2016 = vector.broadcast %shift_right_arithmetic3A_2015 : i32 to vector<16xi32>
    %shift_right_arithmetic3A_2017 = arith.shrsi %iota3A, %shift_right_arithmetic3A_2016 : vector<16xi32>
    %eq3A_2018 = arith.constant 4 : i32
    %eq3A_2019 = vector.broadcast %eq3A_2018 : i32 to vector<16xi32>
    %eq3A_2020 = arith.cmpi eq, %shift_right_arithmetic3A_2017, %eq3A_2019 : vector<16xi32>
    %jit3A_2021 = arith.constant 0.000000e+00 : f32
    %broadcast_in_dim3A_2022 = vector.broadcast %jit3A_2021 : f32 to vector<16xf32>
    %select_n3A_2023 = arith.select %eq3A_2020, %gather3A_2014, %broadcast_in_dim3A_2022 : vector<16xi1>, vector<16xf32>
    %add3A_2024 = arith.addf %add3A_1987, %select_n3A_2023 : vector<16xf32>
    %lt3A_2025 = arith.constant 10 : i32
    %lt3A_2026 = vector.broadcast %lt3A_2025 : i32 to vector<16xi32>
    %lt3A_2027 = arith.cmpi slt, %iota3A, %lt3A_2026 : vector<16xi32>
    %jit3A_2028 = arith.constant -1.000000e+30 : f32
    %broadcast_in_dim3A_2029 = vector.broadcast %jit3A_2028 : f32 to vector<16xf32>
    %select_n3A_2030 = arith.select %lt3A_2027, %add3A_2024, %broadcast_in_dim3A_2029 : vector<16xi1>, vector<16xf32>
    %xor3A_2031 = arith.constant 1 : i32
    %xor3A_2032 = vector.broadcast %xor3A_2031 : i32 to vector<16xi32>
    %xor3A_2033 = arith.xori %iota3A, %xor3A_2032 : vector<16xi32>
    %broadcast_in_dim3A_2034 = vector.shape_cast %xor3A_2033 : vector<16xi32> to vector<16x1xi32>
    %gather3A_2035 = vector.shape_cast %broadcast_in_dim3A_2034 : vector<16x1xi32> to vector<16xi32>
    %gather3A_2036 = tpu.dynamic_gather %select_n3A_2030[%gather3A_2035] in [0] : vector<16xf32>, vector<16xi32> -> vector<16xf32>
    %max3A_2037 = arith.maximumf %select_n3A_2030, %gather3A_2036 : vector<16xf32>
    %xor3A_2038 = arith.constant 2 : i32
    %xor3A_2039 = vector.broadcast %xor3A_2038 : i32 to vector<16xi32>
    %xor3A_2040 = arith.xori %iota3A, %xor3A_2039 : vector<16xi32>
    %broadcast_in_dim3A_2041 = vector.shape_cast %xor3A_2040 : vector<16xi32> to vector<16x1xi32>
    %gather3A_2042 = vector.shape_cast %broadcast_in_dim3A_2041 : vector<16x1xi32> to vector<16xi32>
    %gather3A_2043 = tpu.dynamic_gather %max3A_2037[%gather3A_2042] in [0] : vector<16xf32>, vector<16xi32> -> vector<16xf32>
    %max3A_2044 = arith.maximumf %max3A_2037, %gather3A_2043 : vector<16xf32>
    %xor3A_2045 = arith.constant 4 : i32
    %xor3A_2046 = vector.broadcast %xor3A_2045 : i32 to vector<16xi32>
    %xor3A_2047 = arith.xori %iota3A, %xor3A_2046 : vector<16xi32>
    %broadcast_in_dim3A_2048 = vector.shape_cast %xor3A_2047 : vector<16xi32> to vector<16x1xi32>
    %gather3A_2049 = vector.shape_cast %broadcast_in_dim3A_2048 : vector<16x1xi32> to vector<16xi32>
    %gather3A_2050 = tpu.dynamic_gather %max3A_2044[%gather3A_2049] in [0] : vector<16xf32>, vector<16xi32> -> vector<16xf32>
    %max3A_2051 = arith.maximumf %max3A_2044, %gather3A_2050 : vector<16xf32>
    %xor3A_2052 = arith.constant 8 : i32
    %xor3A_2053 = vector.broadcast %xor3A_2052 : i32 to vector<16xi32>
    %xor3A_2054 = arith.xori %iota3A, %xor3A_2053 : vector<16xi32>
    %broadcast_in_dim3A_2055 = vector.shape_cast %xor3A_2054 : vector<16xi32> to vector<16x1xi32>
    %gather3A_2056 = vector.shape_cast %broadcast_in_dim3A_2055 : vector<16x1xi32> to vector<16xi32>
    %gather3A_2057 = tpu.dynamic_gather %max3A_2051[%gather3A_2056] in [0] : vector<16xf32>, vector<16xi32> -> vector<16xf32>
    %max3A_2058 = arith.maximumf %max3A_2051, %gather3A_2057 : vector<16xf32>
    %sub3A_2059 = arith.subf %select_n3A_2030, %max3A_2058 : vector<16xf32>
    %exp3A_2060 = math.exp %sub3A_2059 : vector<16xf32>
    %xor3A_2061 = arith.constant 1 : i32
    %xor3A_2062 = vector.broadcast %xor3A_2061 : i32 to vector<16xi32>
    %xor3A_2063 = arith.xori %iota3A, %xor3A_2062 : vector<16xi32>
    %broadcast_in_dim3A_2064 = vector.shape_cast %xor3A_2063 : vector<16xi32> to vector<16x1xi32>
    %gather3A_2065 = vector.shape_cast %broadcast_in_dim3A_2064 : vector<16x1xi32> to vector<16xi32>
    %gather3A_2066 = tpu.dynamic_gather %exp3A_2060[%gather3A_2065] in [0] : vector<16xf32>, vector<16xi32> -> vector<16xf32>
    %add3A_2067 = arith.addf %exp3A_2060, %gather3A_2066 : vector<16xf32>
    %xor3A_2068 = arith.constant 2 : i32
    %xor3A_2069 = vector.broadcast %xor3A_2068 : i32 to vector<16xi32>
    %xor3A_2070 = arith.xori %iota3A, %xor3A_2069 : vector<16xi32>
    %broadcast_in_dim3A_2071 = vector.shape_cast %xor3A_2070 : vector<16xi32> to vector<16x1xi32>
    %gather3A_2072 = vector.shape_cast %broadcast_in_dim3A_2071 : vector<16x1xi32> to vector<16xi32>
    %gather3A_2073 = tpu.dynamic_gather %add3A_2067[%gather3A_2072] in [0] : vector<16xf32>, vector<16xi32> -> vector<16xf32>
    %add3A_2074 = arith.addf %add3A_2067, %gather3A_2073 : vector<16xf32>
    %xor3A_2075 = arith.constant 4 : i32
    %xor3A_2076 = vector.broadcast %xor3A_2075 : i32 to vector<16xi32>
    %xor3A_2077 = arith.xori %iota3A, %xor3A_2076 : vector<16xi32>
    %broadcast_in_dim3A_2078 = vector.shape_cast %xor3A_2077 : vector<16xi32> to vector<16x1xi32>
    %gather3A_2079 = vector.shape_cast %broadcast_in_dim3A_2078 : vector<16x1xi32> to vector<16xi32>
    %gather3A_2080 = tpu.dynamic_gather %add3A_2074[%gather3A_2079] in [0] : vector<16xf32>, vector<16xi32> -> vector<16xf32>
    %add3A_2081 = arith.addf %add3A_2074, %gather3A_2080 : vector<16xf32>
    %xor3A_2082 = arith.constant 8 : i32
    %xor3A_2083 = vector.broadcast %xor3A_2082 : i32 to vector<16xi32>
    %xor3A_2084 = arith.xori %iota3A, %xor3A_2083 : vector<16xi32>
    %broadcast_in_dim3A_2085 = vector.shape_cast %xor3A_2084 : vector<16xi32> to vector<16x1xi32>
    %gather3A_2086 = vector.shape_cast %broadcast_in_dim3A_2085 : vector<16x1xi32> to vector<16xi32>
    %gather3A_2087 = tpu.dynamic_gather %add3A_2081[%gather3A_2086] in [0] : vector<16xf32>, vector<16xi32> -> vector<16xf32>
    %add3A_2088 = arith.addf %add3A_2081, %gather3A_2087 : vector<16xf32>
    %bitcast3A_2089 = vector.bitcast %add3A_2088 : vector<16xf32> to vector<16xi32>
    %shift_right_arithmetic3A_2090 = arith.constant 23 : i32
    %shift_right_arithmetic3A_2091 = vector.broadcast %shift_right_arithmetic3A_2090 : i32 to vector<16xi32>
    %shift_right_arithmetic3A_2092 = arith.shrsi %bitcast3A_2089, %shift_right_arithmetic3A_2091 : vector<16xi32>
    %and3A_2093 = arith.constant 255 : i32
    %and3A_2094 = vector.broadcast %and3A_2093 : i32 to vector<16xi32>
    %and3A_2095 = arith.andi %shift_right_arithmetic3A_2092, %and3A_2094 : vector<16xi32>
    %sub3A_2096 = arith.constant 127 : i32
    %sub3A_2097 = vector.broadcast %sub3A_2096 : i32 to vector<16xi32>
    %sub3A_2098 = arith.subi %and3A_2095, %sub3A_2097 : vector<16xi32>
    %and3A_2099 = arith.constant 8388607 : i32
    %and3A_2100 = vector.broadcast %and3A_2099 : i32 to vector<16xi32>
    %and3A_2101 = arith.andi %bitcast3A_2089, %and3A_2100 : vector<16xi32>
    %or3A_2102 = arith.constant 1065353216 : i32
    %or3A_2103 = vector.broadcast %or3A_2102 : i32 to vector<16xi32>
    %or3A_2104 = arith.ori %and3A_2101, %or3A_2103 : vector<16xi32>
    %bitcast3A_2105 = vector.bitcast %or3A_2104 : vector<16xi32> to vector<16xf32>
    %sub3A_2106 = arith.constant 1.000000e+00 : f32
    %sub3A_2107 = vector.broadcast %sub3A_2106 : f32 to vector<16xf32>
    %sub3A_2108 = arith.subf %bitcast3A_2105, %sub3A_2107 : vector<16xf32>
    %add3A_2109 = arith.constant 1.000000e+00 : f32
    %add3A_2110 = vector.broadcast %add3A_2109 : f32 to vector<16xf32>
    %add3A_2111 = arith.addf %bitcast3A_2105, %add3A_2110 : vector<16xf32>
    %div3A_2112 = arith.divf %sub3A_2108, %add3A_2111 : vector<16xf32>
    %mul3A_2113 = arith.mulf %div3A_2112, %div3A_2112 : vector<16xf32>
    %mul3A_2114 = arith.constant 2.000000e+00 : f32
    %mul3A_2115 = vector.broadcast %mul3A_2114 : f32 to vector<16xf32>
    %mul3A_2116 = arith.mulf %mul3A_2115, %div3A_2112 : vector<16xf32>
    %mul3A_2117 = arith.constant 0.142857149 : f32
    %mul3A_2118 = vector.broadcast %mul3A_2117 : f32 to vector<16xf32>
    %mul3A_2119 = arith.mulf %mul3A_2113, %mul3A_2118 : vector<16xf32>
    %add3A_2120 = arith.constant 2.000000e-01 : f32
    %add3A_2121 = vector.broadcast %add3A_2120 : f32 to vector<16xf32>
    %add3A_2122 = arith.addf %add3A_2121, %mul3A_2119 : vector<16xf32>
    %mul3A_2123 = arith.mulf %mul3A_2113, %add3A_2122 : vector<16xf32>
    %add3A_2124 = arith.constant 0.333333343 : f32
    %add3A_2125 = vector.broadcast %add3A_2124 : f32 to vector<16xf32>
    %add3A_2126 = arith.addf %add3A_2125, %mul3A_2123 : vector<16xf32>
    %mul3A_2127 = arith.mulf %mul3A_2113, %add3A_2126 : vector<16xf32>
    %add3A_2128 = arith.constant 1.000000e+00 : f32
    %add3A_2129 = vector.broadcast %add3A_2128 : f32 to vector<16xf32>
    %add3A_2130 = arith.addf %add3A_2129, %mul3A_2127 : vector<16xf32>
    %mul3A_2131 = arith.mulf %mul3A_2116, %add3A_2130 : vector<16xf32>
    %convert_element_type3A_2132 = arith.sitofp %sub3A_2098 : vector<16xi32> to vector<16xf32>
    %mul3A_2133 = arith.constant 0.693147182 : f32
    %mul3A_2134 = vector.broadcast %mul3A_2133 : f32 to vector<16xf32>
    %mul3A_2135 = arith.mulf %convert_element_type3A_2132, %mul3A_2134 : vector<16xf32>
    %add3A_2136 = arith.addf %mul3A_2135, %mul3A_2131 : vector<16xf32>
    %add3A_2137 = arith.addf %max3A_2058, %add3A_2136 : vector<16xf32>
    %broadcast_in_dim3A_2138 = arith.constant 5 : i32
    %broadcast_in_dim3A_2139 = vector.broadcast %broadcast_in_dim3A_2138 : i32 to vector<16xi32>
    %broadcast_in_dim3A_2140 = vector.shape_cast %broadcast_in_dim3A_2139 : vector<16xi32> to vector<16x1xi32>
    %gather3A_2141 = vector.shape_cast %broadcast_in_dim3A_2140 : vector<16x1xi32> to vector<16xi32>
    %gather3A_2142 = tpu.dynamic_gather %gather3A_240[%gather3A_2141] in [0] : vector<16xi32>, vector<16xi32> -> vector<16xi32>
    %broadcast_in_dim3A_2143 = vector.shape_cast %gather3A_2142 : vector<16xi32> to vector<16x1xi32>
    %gather3A_2144 = vector.shape_cast %broadcast_in_dim3A_2143 : vector<16x1xi32> to vector<16xi32>
    %gather3A_2145 = tpu.dynamic_gather %add3A_2024[%gather3A_2144] in [0] : vector<16xf32>, vector<16xi32> -> vector<16xf32>
    %eq3A_2146 = arith.constant 0 : i32
    %eq3A_2147 = vector.broadcast %eq3A_2146 : i32 to vector<16xi32>
    %eq3A_2148 = arith.cmpi eq, %iota3A, %eq3A_2147 : vector<16xi32>
    %sub3A_2149 = arith.subf %add3A_2137, %gather3A_2145 : vector<16xf32>
    %jit3A_2150 = arith.constant 0.000000e+00 : f32
    %broadcast_in_dim3A_2151 = vector.broadcast %jit3A_2150 : f32 to vector<16xf32>
    %select_n3A_2152 = arith.select %eq3A_2148, %sub3A_2149, %broadcast_in_dim3A_2151 : vector<16xi1>, vector<16xf32>
    %add3A_2153 = arith.addf %add3A_1835, %select_n3A_2152 : vector<16xf32>
    %broadcast_in_dim3A_2154 = arith.constant 17664 : i32
    %broadcast_in_dim3A_2155 = vector.broadcast %broadcast_in_dim3A_2154 : i32 to vector<16xi32>
    %broadcast_in_dim3A_2156 = arith.constant 0.000000e+00 : f32
    %broadcast_in_dim3A_2157 = vector.broadcast %broadcast_in_dim3A_2156 : f32 to vector<16xf32>
    %add3A_2158 = arith.addi %broadcast_in_dim3A_2155, %get3A_242 : vector<16xi32>
    %gather3A_2159 = tpu.vector_load_idx %arg7[%add3A_2158] : memref<23552xf32, #tpu.memory_space<vmem>>[vector<16xi32>], vector<16xf32>,
    %mul3A_2160 = arith.mulf %div3A, %gather3A_2159 : vector<16xf32>
    %xor3A_2161 = arith.constant 1 : i32
    %xor3A_2162 = vector.broadcast %xor3A_2161 : i32 to vector<16xi32>
    %xor3A_2163 = arith.xori %iota3A, %xor3A_2162 : vector<16xi32>
    %broadcast_in_dim3A_2164 = vector.shape_cast %xor3A_2163 : vector<16xi32> to vector<16x1xi32>
    %gather3A_2165 = vector.shape_cast %broadcast_in_dim3A_2164 : vector<16x1xi32> to vector<16xi32>
    %gather3A_2166 = tpu.dynamic_gather %mul3A_2160[%gather3A_2165] in [0] : vector<16xf32>, vector<16xi32> -> vector<16xf32>
    %add3A_2167 = arith.addf %mul3A_2160, %gather3A_2166 : vector<16xf32>
    %xor3A_2168 = arith.constant 2 : i32
    %xor3A_2169 = vector.broadcast %xor3A_2168 : i32 to vector<16xi32>
    %xor3A_2170 = arith.xori %iota3A, %xor3A_2169 : vector<16xi32>
    %broadcast_in_dim3A_2171 = vector.shape_cast %xor3A_2170 : vector<16xi32> to vector<16x1xi32>
    %gather3A_2172 = vector.shape_cast %broadcast_in_dim3A_2171 : vector<16x1xi32> to vector<16xi32>
    %gather3A_2173 = tpu.dynamic_gather %add3A_2167[%gather3A_2172] in [0] : vector<16xf32>, vector<16xi32> -> vector<16xf32>
    %add3A_2174 = arith.addf %add3A_2167, %gather3A_2173 : vector<16xf32>
    %xor3A_2175 = arith.constant 4 : i32
    %xor3A_2176 = vector.broadcast %xor3A_2175 : i32 to vector<16xi32>
    %xor3A_2177 = arith.xori %iota3A, %xor3A_2176 : vector<16xi32>
    %broadcast_in_dim3A_2178 = vector.shape_cast %xor3A_2177 : vector<16xi32> to vector<16x1xi32>
    %gather3A_2179 = vector.shape_cast %broadcast_in_dim3A_2178 : vector<16x1xi32> to vector<16xi32>
    %gather3A_2180 = tpu.dynamic_gather %add3A_2174[%gather3A_2179] in [0] : vector<16xf32>, vector<16xi32> -> vector<16xf32>
    %add3A_2181 = arith.addf %add3A_2174, %gather3A_2180 : vector<16xf32>
    %broadcast_in_dim3A_2182 = vector.shape_cast %mul3A_8 : vector<16xi32> to vector<16x1xi32>
    %gather3A_2183 = vector.shape_cast %broadcast_in_dim3A_2182 : vector<16x1xi32> to vector<16xi32>
    %gather3A_2184 = tpu.dynamic_gather %add3A_2181[%gather3A_2183] in [0] : vector<16xf32>, vector<16xi32> -> vector<16xf32>
    %shift_right_arithmetic3A_2185 = arith.constant 1 : i32
    %shift_right_arithmetic3A_2186 = vector.broadcast %shift_right_arithmetic3A_2185 : i32 to vector<16xi32>
    %shift_right_arithmetic3A_2187 = arith.shrsi %iota3A, %shift_right_arithmetic3A_2186 : vector<16xi32>
    %eq3A_2188 = arith.constant 0 : i32
    %eq3A_2189 = vector.broadcast %eq3A_2188 : i32 to vector<16xi32>
    %eq3A_2190 = arith.cmpi eq, %shift_right_arithmetic3A_2187, %eq3A_2189 : vector<16xi32>
    %jit3A_2191 = arith.constant 0.000000e+00 : f32
    %broadcast_in_dim3A_2192 = vector.broadcast %jit3A_2191 : f32 to vector<16xf32>
    %select_n3A_2193 = arith.select %eq3A_2190, %gather3A_2184, %broadcast_in_dim3A_2192 : vector<16xi1>, vector<16xf32>
    %add3A_2194 = arith.addf %broadcast_in_dim3A_2157, %select_n3A_2193 : vector<16xf32>
    %add3A_2195 = arith.addi %broadcast_in_dim3A_2155, %get3A_244 : vector<16xi32>
    %gather3A_2196 = tpu.vector_load_idx %arg7[%add3A_2195] : memref<23552xf32, #tpu.memory_space<vmem>>[vector<16xi32>], vector<16xf32>,
    %mul3A_2197 = arith.mulf %div3A_93, %gather3A_2196 : vector<16xf32>
    %xor3A_2198 = arith.constant 1 : i32
    %xor3A_2199 = vector.broadcast %xor3A_2198 : i32 to vector<16xi32>
    %xor3A_2200 = arith.xori %iota3A, %xor3A_2199 : vector<16xi32>
    %broadcast_in_dim3A_2201 = vector.shape_cast %xor3A_2200 : vector<16xi32> to vector<16x1xi32>
    %gather3A_2202 = vector.shape_cast %broadcast_in_dim3A_2201 : vector<16x1xi32> to vector<16xi32>
    %gather3A_2203 = tpu.dynamic_gather %mul3A_2197[%gather3A_2202] in [0] : vector<16xf32>, vector<16xi32> -> vector<16xf32>
    %add3A_2204 = arith.addf %mul3A_2197, %gather3A_2203 : vector<16xf32>
    %xor3A_2205 = arith.constant 2 : i32
    %xor3A_2206 = vector.broadcast %xor3A_2205 : i32 to vector<16xi32>
    %xor3A_2207 = arith.xori %iota3A, %xor3A_2206 : vector<16xi32>
    %broadcast_in_dim3A_2208 = vector.shape_cast %xor3A_2207 : vector<16xi32> to vector<16x1xi32>
    %gather3A_2209 = vector.shape_cast %broadcast_in_dim3A_2208 : vector<16x1xi32> to vector<16xi32>
    %gather3A_2210 = tpu.dynamic_gather %add3A_2204[%gather3A_2209] in [0] : vector<16xf32>, vector<16xi32> -> vector<16xf32>
    %add3A_2211 = arith.addf %add3A_2204, %gather3A_2210 : vector<16xf32>
    %xor3A_2212 = arith.constant 4 : i32
    %xor3A_2213 = vector.broadcast %xor3A_2212 : i32 to vector<16xi32>
    %xor3A_2214 = arith.xori %iota3A, %xor3A_2213 : vector<16xi32>
    %broadcast_in_dim3A_2215 = vector.shape_cast %xor3A_2214 : vector<16xi32> to vector<16x1xi32>
    %gather3A_2216 = vector.shape_cast %broadcast_in_dim3A_2215 : vector<16x1xi32> to vector<16xi32>
    %gather3A_2217 = tpu.dynamic_gather %add3A_2211[%gather3A_2216] in [0] : vector<16xf32>, vector<16xi32> -> vector<16xf32>
    %add3A_2218 = arith.addf %add3A_2211, %gather3A_2217 : vector<16xf32>
    %broadcast_in_dim3A_2219 = vector.shape_cast %mul3A_8 : vector<16xi32> to vector<16x1xi32>
    %gather3A_2220 = vector.shape_cast %broadcast_in_dim3A_2219 : vector<16x1xi32> to vector<16xi32>
    %gather3A_2221 = tpu.dynamic_gather %add3A_2218[%gather3A_2220] in [0] : vector<16xf32>, vector<16xi32> -> vector<16xf32>
    %shift_right_arithmetic3A_2222 = arith.constant 1 : i32
    %shift_right_arithmetic3A_2223 = vector.broadcast %shift_right_arithmetic3A_2222 : i32 to vector<16xi32>
    %shift_right_arithmetic3A_2224 = arith.shrsi %iota3A, %shift_right_arithmetic3A_2223 : vector<16xi32>
    %eq3A_2225 = arith.constant 1 : i32
    %eq3A_2226 = vector.broadcast %eq3A_2225 : i32 to vector<16xi32>
    %eq3A_2227 = arith.cmpi eq, %shift_right_arithmetic3A_2224, %eq3A_2226 : vector<16xi32>
    %jit3A_2228 = arith.constant 0.000000e+00 : f32
    %broadcast_in_dim3A_2229 = vector.broadcast %jit3A_2228 : f32 to vector<16xf32>
    %select_n3A_2230 = arith.select %eq3A_2227, %gather3A_2221, %broadcast_in_dim3A_2229 : vector<16xi1>, vector<16xf32>
    %add3A_2231 = arith.addf %add3A_2194, %select_n3A_2230 : vector<16xf32>
    %add3A_2232 = arith.addi %broadcast_in_dim3A_2155, %get3A_246 : vector<16xi32>
    %gather3A_2233 = tpu.vector_load_idx %arg7[%add3A_2232] : memref<23552xf32, #tpu.memory_space<vmem>>[vector<16xi32>], vector<16xf32>,
    %mul3A_2234 = arith.mulf %div3A_140, %gather3A_2233 : vector<16xf32>
    %xor3A_2235 = arith.constant 1 : i32
    %xor3A_2236 = vector.broadcast %xor3A_2235 : i32 to vector<16xi32>
    %xor3A_2237 = arith.xori %iota3A, %xor3A_2236 : vector<16xi32>
    %broadcast_in_dim3A_2238 = vector.shape_cast %xor3A_2237 : vector<16xi32> to vector<16x1xi32>
    %gather3A_2239 = vector.shape_cast %broadcast_in_dim3A_2238 : vector<16x1xi32> to vector<16xi32>
    %gather3A_2240 = tpu.dynamic_gather %mul3A_2234[%gather3A_2239] in [0] : vector<16xf32>, vector<16xi32> -> vector<16xf32>
    %add3A_2241 = arith.addf %mul3A_2234, %gather3A_2240 : vector<16xf32>
    %xor3A_2242 = arith.constant 2 : i32
    %xor3A_2243 = vector.broadcast %xor3A_2242 : i32 to vector<16xi32>
    %xor3A_2244 = arith.xori %iota3A, %xor3A_2243 : vector<16xi32>
    %broadcast_in_dim3A_2245 = vector.shape_cast %xor3A_2244 : vector<16xi32> to vector<16x1xi32>
    %gather3A_2246 = vector.shape_cast %broadcast_in_dim3A_2245 : vector<16x1xi32> to vector<16xi32>
    %gather3A_2247 = tpu.dynamic_gather %add3A_2241[%gather3A_2246] in [0] : vector<16xf32>, vector<16xi32> -> vector<16xf32>
    %add3A_2248 = arith.addf %add3A_2241, %gather3A_2247 : vector<16xf32>
    %xor3A_2249 = arith.constant 4 : i32
    %xor3A_2250 = vector.broadcast %xor3A_2249 : i32 to vector<16xi32>
    %xor3A_2251 = arith.xori %iota3A, %xor3A_2250 : vector<16xi32>
    %broadcast_in_dim3A_2252 = vector.shape_cast %xor3A_2251 : vector<16xi32> to vector<16x1xi32>
    %gather3A_2253 = vector.shape_cast %broadcast_in_dim3A_2252 : vector<16x1xi32> to vector<16xi32>
    %gather3A_2254 = tpu.dynamic_gather %add3A_2248[%gather3A_2253] in [0] : vector<16xf32>, vector<16xi32> -> vector<16xf32>
    %add3A_2255 = arith.addf %add3A_2248, %gather3A_2254 : vector<16xf32>
    %broadcast_in_dim3A_2256 = vector.shape_cast %mul3A_8 : vector<16xi32> to vector<16x1xi32>
    %gather3A_2257 = vector.shape_cast %broadcast_in_dim3A_2256 : vector<16x1xi32> to vector<16xi32>
    %gather3A_2258 = tpu.dynamic_gather %add3A_2255[%gather3A_2257] in [0] : vector<16xf32>, vector<16xi32> -> vector<16xf32>
    %shift_right_arithmetic3A_2259 = arith.constant 1 : i32
    %shift_right_arithmetic3A_2260 = vector.broadcast %shift_right_arithmetic3A_2259 : i32 to vector<16xi32>
    %shift_right_arithmetic3A_2261 = arith.shrsi %iota3A, %shift_right_arithmetic3A_2260 : vector<16xi32>
    %eq3A_2262 = arith.constant 2 : i32
    %eq3A_2263 = vector.broadcast %eq3A_2262 : i32 to vector<16xi32>
    %eq3A_2264 = arith.cmpi eq, %shift_right_arithmetic3A_2261, %eq3A_2263 : vector<16xi32>
    %jit3A_2265 = arith.constant 0.000000e+00 : f32
    %broadcast_in_dim3A_2266 = vector.broadcast %jit3A_2265 : f32 to vector<16xf32>
    %select_n3A_2267 = arith.select %eq3A_2264, %gather3A_2258, %broadcast_in_dim3A_2266 : vector<16xi1>, vector<16xf32>
    %add3A_2268 = arith.addf %add3A_2231, %select_n3A_2267 : vector<16xf32>
    %add3A_2269 = arith.addi %broadcast_in_dim3A_2155, %get3A_248 : vector<16xi32>
    %gather3A_2270 = tpu.vector_load_idx %arg7[%add3A_2269] : memref<23552xf32, #tpu.memory_space<vmem>>[vector<16xi32>], vector<16xf32>,
    %mul3A_2271 = arith.mulf %div3A_187, %gather3A_2270 : vector<16xf32>
    %xor3A_2272 = arith.constant 1 : i32
    %xor3A_2273 = vector.broadcast %xor3A_2272 : i32 to vector<16xi32>
    %xor3A_2274 = arith.xori %iota3A, %xor3A_2273 : vector<16xi32>
    %broadcast_in_dim3A_2275 = vector.shape_cast %xor3A_2274 : vector<16xi32> to vector<16x1xi32>
    %gather3A_2276 = vector.shape_cast %broadcast_in_dim3A_2275 : vector<16x1xi32> to vector<16xi32>
    %gather3A_2277 = tpu.dynamic_gather %mul3A_2271[%gather3A_2276] in [0] : vector<16xf32>, vector<16xi32> -> vector<16xf32>
    %add3A_2278 = arith.addf %mul3A_2271, %gather3A_2277 : vector<16xf32>
    %xor3A_2279 = arith.constant 2 : i32
    %xor3A_2280 = vector.broadcast %xor3A_2279 : i32 to vector<16xi32>
    %xor3A_2281 = arith.xori %iota3A, %xor3A_2280 : vector<16xi32>
    %broadcast_in_dim3A_2282 = vector.shape_cast %xor3A_2281 : vector<16xi32> to vector<16x1xi32>
    %gather3A_2283 = vector.shape_cast %broadcast_in_dim3A_2282 : vector<16x1xi32> to vector<16xi32>
    %gather3A_2284 = tpu.dynamic_gather %add3A_2278[%gather3A_2283] in [0] : vector<16xf32>, vector<16xi32> -> vector<16xf32>
    %add3A_2285 = arith.addf %add3A_2278, %gather3A_2284 : vector<16xf32>
    %xor3A_2286 = arith.constant 4 : i32
    %xor3A_2287 = vector.broadcast %xor3A_2286 : i32 to vector<16xi32>
    %xor3A_2288 = arith.xori %iota3A, %xor3A_2287 : vector<16xi32>
    %broadcast_in_dim3A_2289 = vector.shape_cast %xor3A_2288 : vector<16xi32> to vector<16x1xi32>
    %gather3A_2290 = vector.shape_cast %broadcast_in_dim3A_2289 : vector<16x1xi32> to vector<16xi32>
    %gather3A_2291 = tpu.dynamic_gather %add3A_2285[%gather3A_2290] in [0] : vector<16xf32>, vector<16xi32> -> vector<16xf32>
    %add3A_2292 = arith.addf %add3A_2285, %gather3A_2291 : vector<16xf32>
    %broadcast_in_dim3A_2293 = vector.shape_cast %mul3A_8 : vector<16xi32> to vector<16x1xi32>
    %gather3A_2294 = vector.shape_cast %broadcast_in_dim3A_2293 : vector<16x1xi32> to vector<16xi32>
    %gather3A_2295 = tpu.dynamic_gather %add3A_2292[%gather3A_2294] in [0] : vector<16xf32>, vector<16xi32> -> vector<16xf32>
    %shift_right_arithmetic3A_2296 = arith.constant 1 : i32
    %shift_right_arithmetic3A_2297 = vector.broadcast %shift_right_arithmetic3A_2296 : i32 to vector<16xi32>
    %shift_right_arithmetic3A_2298 = arith.shrsi %iota3A, %shift_right_arithmetic3A_2297 : vector<16xi32>
    %eq3A_2299 = arith.constant 3 : i32
    %eq3A_2300 = vector.broadcast %eq3A_2299 : i32 to vector<16xi32>
    %eq3A_2301 = arith.cmpi eq, %shift_right_arithmetic3A_2298, %eq3A_2300 : vector<16xi32>
    %jit3A_2302 = arith.constant 0.000000e+00 : f32
    %broadcast_in_dim3A_2303 = vector.broadcast %jit3A_2302 : f32 to vector<16xf32>
    %select_n3A_2304 = arith.select %eq3A_2301, %gather3A_2295, %broadcast_in_dim3A_2303 : vector<16xi1>, vector<16xf32>
    %add3A_2305 = arith.addf %add3A_2268, %select_n3A_2304 : vector<16xf32>
    %add3A_2306 = arith.addi %broadcast_in_dim3A_2155, %get3A_250 : vector<16xi32>
    %gather3A_2307 = tpu.vector_load_idx %arg7[%add3A_2306] : memref<23552xf32, #tpu.memory_space<vmem>>[vector<16xi32>], vector<16xf32>,
    %mul3A_2308 = arith.mulf %div3A_234, %gather3A_2307 : vector<16xf32>
    %xor3A_2309 = arith.constant 1 : i32
    %xor3A_2310 = vector.broadcast %xor3A_2309 : i32 to vector<16xi32>
    %xor3A_2311 = arith.xori %iota3A, %xor3A_2310 : vector<16xi32>
    %broadcast_in_dim3A_2312 = vector.shape_cast %xor3A_2311 : vector<16xi32> to vector<16x1xi32>
    %gather3A_2313 = vector.shape_cast %broadcast_in_dim3A_2312 : vector<16x1xi32> to vector<16xi32>
    %gather3A_2314 = tpu.dynamic_gather %mul3A_2308[%gather3A_2313] in [0] : vector<16xf32>, vector<16xi32> -> vector<16xf32>
    %add3A_2315 = arith.addf %mul3A_2308, %gather3A_2314 : vector<16xf32>
    %xor3A_2316 = arith.constant 2 : i32
    %xor3A_2317 = vector.broadcast %xor3A_2316 : i32 to vector<16xi32>
    %xor3A_2318 = arith.xori %iota3A, %xor3A_2317 : vector<16xi32>
    %broadcast_in_dim3A_2319 = vector.shape_cast %xor3A_2318 : vector<16xi32> to vector<16x1xi32>
    %gather3A_2320 = vector.shape_cast %broadcast_in_dim3A_2319 : vector<16x1xi32> to vector<16xi32>
    %gather3A_2321 = tpu.dynamic_gather %add3A_2315[%gather3A_2320] in [0] : vector<16xf32>, vector<16xi32> -> vector<16xf32>
    %add3A_2322 = arith.addf %add3A_2315, %gather3A_2321 : vector<16xf32>
    %xor3A_2323 = arith.constant 4 : i32
    %xor3A_2324 = vector.broadcast %xor3A_2323 : i32 to vector<16xi32>
    %xor3A_2325 = arith.xori %iota3A, %xor3A_2324 : vector<16xi32>
    %broadcast_in_dim3A_2326 = vector.shape_cast %xor3A_2325 : vector<16xi32> to vector<16x1xi32>
    %gather3A_2327 = vector.shape_cast %broadcast_in_dim3A_2326 : vector<16x1xi32> to vector<16xi32>
    %gather3A_2328 = tpu.dynamic_gather %add3A_2322[%gather3A_2327] in [0] : vector<16xf32>, vector<16xi32> -> vector<16xf32>
    %add3A_2329 = arith.addf %add3A_2322, %gather3A_2328 : vector<16xf32>
    %broadcast_in_dim3A_2330 = vector.shape_cast %mul3A_8 : vector<16xi32> to vector<16x1xi32>
    %gather3A_2331 = vector.shape_cast %broadcast_in_dim3A_2330 : vector<16x1xi32> to vector<16xi32>
    %gather3A_2332 = tpu.dynamic_gather %add3A_2329[%gather3A_2331] in [0] : vector<16xf32>, vector<16xi32> -> vector<16xf32>
    %shift_right_arithmetic3A_2333 = arith.constant 1 : i32
    %shift_right_arithmetic3A_2334 = vector.broadcast %shift_right_arithmetic3A_2333 : i32 to vector<16xi32>
    %shift_right_arithmetic3A_2335 = arith.shrsi %iota3A, %shift_right_arithmetic3A_2334 : vector<16xi32>
    %eq3A_2336 = arith.constant 4 : i32
    %eq3A_2337 = vector.broadcast %eq3A_2336 : i32 to vector<16xi32>
    %eq3A_2338 = arith.cmpi eq, %shift_right_arithmetic3A_2335, %eq3A_2337 : vector<16xi32>
    %jit3A_2339 = arith.constant 0.000000e+00 : f32
    %broadcast_in_dim3A_2340 = vector.broadcast %jit3A_2339 : f32 to vector<16xf32>
    %select_n3A_2341 = arith.select %eq3A_2338, %gather3A_2332, %broadcast_in_dim3A_2340 : vector<16xi1>, vector<16xf32>
    %add3A_2342 = arith.addf %add3A_2305, %select_n3A_2341 : vector<16xf32>
    %lt3A_2343 = arith.constant 10 : i32
    %lt3A_2344 = vector.broadcast %lt3A_2343 : i32 to vector<16xi32>
    %lt3A_2345 = arith.cmpi slt, %iota3A, %lt3A_2344 : vector<16xi32>
    %jit3A_2346 = arith.constant -1.000000e+30 : f32
    %broadcast_in_dim3A_2347 = vector.broadcast %jit3A_2346 : f32 to vector<16xf32>
    %select_n3A_2348 = arith.select %lt3A_2345, %add3A_2342, %broadcast_in_dim3A_2347 : vector<16xi1>, vector<16xf32>
    %xor3A_2349 = arith.constant 1 : i32
    %xor3A_2350 = vector.broadcast %xor3A_2349 : i32 to vector<16xi32>
    %xor3A_2351 = arith.xori %iota3A, %xor3A_2350 : vector<16xi32>
    %broadcast_in_dim3A_2352 = vector.shape_cast %xor3A_2351 : vector<16xi32> to vector<16x1xi32>
    %gather3A_2353 = vector.shape_cast %broadcast_in_dim3A_2352 : vector<16x1xi32> to vector<16xi32>
    %gather3A_2354 = tpu.dynamic_gather %select_n3A_2348[%gather3A_2353] in [0] : vector<16xf32>, vector<16xi32> -> vector<16xf32>
    %max3A_2355 = arith.maximumf %select_n3A_2348, %gather3A_2354 : vector<16xf32>
    %xor3A_2356 = arith.constant 2 : i32
    %xor3A_2357 = vector.broadcast %xor3A_2356 : i32 to vector<16xi32>
    %xor3A_2358 = arith.xori %iota3A, %xor3A_2357 : vector<16xi32>
    %broadcast_in_dim3A_2359 = vector.shape_cast %xor3A_2358 : vector<16xi32> to vector<16x1xi32>
    %gather3A_2360 = vector.shape_cast %broadcast_in_dim3A_2359 : vector<16x1xi32> to vector<16xi32>
    %gather3A_2361 = tpu.dynamic_gather %max3A_2355[%gather3A_2360] in [0] : vector<16xf32>, vector<16xi32> -> vector<16xf32>
    %max3A_2362 = arith.maximumf %max3A_2355, %gather3A_2361 : vector<16xf32>
    %xor3A_2363 = arith.constant 4 : i32
    %xor3A_2364 = vector.broadcast %xor3A_2363 : i32 to vector<16xi32>
    %xor3A_2365 = arith.xori %iota3A, %xor3A_2364 : vector<16xi32>
    %broadcast_in_dim3A_2366 = vector.shape_cast %xor3A_2365 : vector<16xi32> to vector<16x1xi32>
    %gather3A_2367 = vector.shape_cast %broadcast_in_dim3A_2366 : vector<16x1xi32> to vector<16xi32>
    %gather3A_2368 = tpu.dynamic_gather %max3A_2362[%gather3A_2367] in [0] : vector<16xf32>, vector<16xi32> -> vector<16xf32>
    %max3A_2369 = arith.maximumf %max3A_2362, %gather3A_2368 : vector<16xf32>
    %xor3A_2370 = arith.constant 8 : i32
    %xor3A_2371 = vector.broadcast %xor3A_2370 : i32 to vector<16xi32>
    %xor3A_2372 = arith.xori %iota3A, %xor3A_2371 : vector<16xi32>
    %broadcast_in_dim3A_2373 = vector.shape_cast %xor3A_2372 : vector<16xi32> to vector<16x1xi32>
    %gather3A_2374 = vector.shape_cast %broadcast_in_dim3A_2373 : vector<16x1xi32> to vector<16xi32>
    %gather3A_2375 = tpu.dynamic_gather %max3A_2369[%gather3A_2374] in [0] : vector<16xf32>, vector<16xi32> -> vector<16xf32>
    %max3A_2376 = arith.maximumf %max3A_2369, %gather3A_2375 : vector<16xf32>
    %sub3A_2377 = arith.subf %select_n3A_2348, %max3A_2376 : vector<16xf32>
    %exp3A_2378 = math.exp %sub3A_2377 : vector<16xf32>
    %xor3A_2379 = arith.constant 1 : i32
    %xor3A_2380 = vector.broadcast %xor3A_2379 : i32 to vector<16xi32>
    %xor3A_2381 = arith.xori %iota3A, %xor3A_2380 : vector<16xi32>
    %broadcast_in_dim3A_2382 = vector.shape_cast %xor3A_2381 : vector<16xi32> to vector<16x1xi32>
    %gather3A_2383 = vector.shape_cast %broadcast_in_dim3A_2382 : vector<16x1xi32> to vector<16xi32>
    %gather3A_2384 = tpu.dynamic_gather %exp3A_2378[%gather3A_2383] in [0] : vector<16xf32>, vector<16xi32> -> vector<16xf32>
    %add3A_2385 = arith.addf %exp3A_2378, %gather3A_2384 : vector<16xf32>
    %xor3A_2386 = arith.constant 2 : i32
    %xor3A_2387 = vector.broadcast %xor3A_2386 : i32 to vector<16xi32>
    %xor3A_2388 = arith.xori %iota3A, %xor3A_2387 : vector<16xi32>
    %broadcast_in_dim3A_2389 = vector.shape_cast %xor3A_2388 : vector<16xi32> to vector<16x1xi32>
    %gather3A_2390 = vector.shape_cast %broadcast_in_dim3A_2389 : vector<16x1xi32> to vector<16xi32>
    %gather3A_2391 = tpu.dynamic_gather %add3A_2385[%gather3A_2390] in [0] : vector<16xf32>, vector<16xi32> -> vector<16xf32>
    %add3A_2392 = arith.addf %add3A_2385, %gather3A_2391 : vector<16xf32>
    %xor3A_2393 = arith.constant 4 : i32
    %xor3A_2394 = vector.broadcast %xor3A_2393 : i32 to vector<16xi32>
    %xor3A_2395 = arith.xori %iota3A, %xor3A_2394 : vector<16xi32>
    %broadcast_in_dim3A_2396 = vector.shape_cast %xor3A_2395 : vector<16xi32> to vector<16x1xi32>
    %gather3A_2397 = vector.shape_cast %broadcast_in_dim3A_2396 : vector<16x1xi32> to vector<16xi32>
    %gather3A_2398 = tpu.dynamic_gather %add3A_2392[%gather3A_2397] in [0] : vector<16xf32>, vector<16xi32> -> vector<16xf32>
    %add3A_2399 = arith.addf %add3A_2392, %gather3A_2398 : vector<16xf32>
    %xor3A_2400 = arith.constant 8 : i32
    %xor3A_2401 = vector.broadcast %xor3A_2400 : i32 to vector<16xi32>
    %xor3A_2402 = arith.xori %iota3A, %xor3A_2401 : vector<16xi32>
    %broadcast_in_dim3A_2403 = vector.shape_cast %xor3A_2402 : vector<16xi32> to vector<16x1xi32>
    %gather3A_2404 = vector.shape_cast %broadcast_in_dim3A_2403 : vector<16x1xi32> to vector<16xi32>
    %gather3A_2405 = tpu.dynamic_gather %add3A_2399[%gather3A_2404] in [0] : vector<16xf32>, vector<16xi32> -> vector<16xf32>
    %add3A_2406 = arith.addf %add3A_2399, %gather3A_2405 : vector<16xf32>
    %bitcast3A_2407 = vector.bitcast %add3A_2406 : vector<16xf32> to vector<16xi32>
    %shift_right_arithmetic3A_2408 = arith.constant 23 : i32
    %shift_right_arithmetic3A_2409 = vector.broadcast %shift_right_arithmetic3A_2408 : i32 to vector<16xi32>
    %shift_right_arithmetic3A_2410 = arith.shrsi %bitcast3A_2407, %shift_right_arithmetic3A_2409 : vector<16xi32>
    %and3A_2411 = arith.constant 255 : i32
    %and3A_2412 = vector.broadcast %and3A_2411 : i32 to vector<16xi32>
    %and3A_2413 = arith.andi %shift_right_arithmetic3A_2410, %and3A_2412 : vector<16xi32>
    %sub3A_2414 = arith.constant 127 : i32
    %sub3A_2415 = vector.broadcast %sub3A_2414 : i32 to vector<16xi32>
    %sub3A_2416 = arith.subi %and3A_2413, %sub3A_2415 : vector<16xi32>
    %and3A_2417 = arith.constant 8388607 : i32
    %and3A_2418 = vector.broadcast %and3A_2417 : i32 to vector<16xi32>
    %and3A_2419 = arith.andi %bitcast3A_2407, %and3A_2418 : vector<16xi32>
    %or3A_2420 = arith.constant 1065353216 : i32
    %or3A_2421 = vector.broadcast %or3A_2420 : i32 to vector<16xi32>
    %or3A_2422 = arith.ori %and3A_2419, %or3A_2421 : vector<16xi32>
    %bitcast3A_2423 = vector.bitcast %or3A_2422 : vector<16xi32> to vector<16xf32>
    %sub3A_2424 = arith.constant 1.000000e+00 : f32
    %sub3A_2425 = vector.broadcast %sub3A_2424 : f32 to vector<16xf32>
    %sub3A_2426 = arith.subf %bitcast3A_2423, %sub3A_2425 : vector<16xf32>
    %add3A_2427 = arith.constant 1.000000e+00 : f32
    %add3A_2428 = vector.broadcast %add3A_2427 : f32 to vector<16xf32>
    %add3A_2429 = arith.addf %bitcast3A_2423, %add3A_2428 : vector<16xf32>
    %div3A_2430 = arith.divf %sub3A_2426, %add3A_2429 : vector<16xf32>
    %mul3A_2431 = arith.mulf %div3A_2430, %div3A_2430 : vector<16xf32>
    %mul3A_2432 = arith.constant 2.000000e+00 : f32
    %mul3A_2433 = vector.broadcast %mul3A_2432 : f32 to vector<16xf32>
    %mul3A_2434 = arith.mulf %mul3A_2433, %div3A_2430 : vector<16xf32>
    %mul3A_2435 = arith.constant 0.142857149 : f32
    %mul3A_2436 = vector.broadcast %mul3A_2435 : f32 to vector<16xf32>
    %mul3A_2437 = arith.mulf %mul3A_2431, %mul3A_2436 : vector<16xf32>
    %add3A_2438 = arith.constant 2.000000e-01 : f32
    %add3A_2439 = vector.broadcast %add3A_2438 : f32 to vector<16xf32>
    %add3A_2440 = arith.addf %add3A_2439, %mul3A_2437 : vector<16xf32>
    %mul3A_2441 = arith.mulf %mul3A_2431, %add3A_2440 : vector<16xf32>
    %add3A_2442 = arith.constant 0.333333343 : f32
    %add3A_2443 = vector.broadcast %add3A_2442 : f32 to vector<16xf32>
    %add3A_2444 = arith.addf %add3A_2443, %mul3A_2441 : vector<16xf32>
    %mul3A_2445 = arith.mulf %mul3A_2431, %add3A_2444 : vector<16xf32>
    %add3A_2446 = arith.constant 1.000000e+00 : f32
    %add3A_2447 = vector.broadcast %add3A_2446 : f32 to vector<16xf32>
    %add3A_2448 = arith.addf %add3A_2447, %mul3A_2445 : vector<16xf32>
    %mul3A_2449 = arith.mulf %mul3A_2434, %add3A_2448 : vector<16xf32>
    %convert_element_type3A_2450 = arith.sitofp %sub3A_2416 : vector<16xi32> to vector<16xf32>
    %mul3A_2451 = arith.constant 0.693147182 : f32
    %mul3A_2452 = vector.broadcast %mul3A_2451 : f32 to vector<16xf32>
    %mul3A_2453 = arith.mulf %convert_element_type3A_2450, %mul3A_2452 : vector<16xf32>
    %add3A_2454 = arith.addf %mul3A_2453, %mul3A_2449 : vector<16xf32>
    %add3A_2455 = arith.addf %max3A_2376, %add3A_2454 : vector<16xf32>
    %broadcast_in_dim3A_2456 = arith.constant 6 : i32
    %broadcast_in_dim3A_2457 = vector.broadcast %broadcast_in_dim3A_2456 : i32 to vector<16xi32>
    %broadcast_in_dim3A_2458 = vector.shape_cast %broadcast_in_dim3A_2457 : vector<16xi32> to vector<16x1xi32>
    %gather3A_2459 = vector.shape_cast %broadcast_in_dim3A_2458 : vector<16x1xi32> to vector<16xi32>
    %gather3A_2460 = tpu.dynamic_gather %gather3A_240[%gather3A_2459] in [0] : vector<16xi32>, vector<16xi32> -> vector<16xi32>
    %broadcast_in_dim3A_2461 = vector.shape_cast %gather3A_2460 : vector<16xi32> to vector<16x1xi32>
    %gather3A_2462 = vector.shape_cast %broadcast_in_dim3A_2461 : vector<16x1xi32> to vector<16xi32>
    %gather3A_2463 = tpu.dynamic_gather %add3A_2342[%gather3A_2462] in [0] : vector<16xf32>, vector<16xi32> -> vector<16xf32>
    %eq3A_2464 = arith.constant 0 : i32
    %eq3A_2465 = vector.broadcast %eq3A_2464 : i32 to vector<16xi32>
    %eq3A_2466 = arith.cmpi eq, %iota3A, %eq3A_2465 : vector<16xi32>
    %sub3A_2467 = arith.subf %add3A_2455, %gather3A_2463 : vector<16xf32>
    %jit3A_2468 = arith.constant 0.000000e+00 : f32
    %broadcast_in_dim3A_2469 = vector.broadcast %jit3A_2468 : f32 to vector<16xf32>
    %select_n3A_2470 = arith.select %eq3A_2466, %sub3A_2467, %broadcast_in_dim3A_2469 : vector<16xi1>, vector<16xf32>
    %add3A_2471 = arith.addf %add3A_2153, %select_n3A_2470 : vector<16xf32>
    %broadcast_in_dim3A_2472 = arith.constant 20608 : i32
    %broadcast_in_dim3A_2473 = vector.broadcast %broadcast_in_dim3A_2472 : i32 to vector<16xi32>
    %broadcast_in_dim3A_2474 = arith.constant 0.000000e+00 : f32
    %broadcast_in_dim3A_2475 = vector.broadcast %broadcast_in_dim3A_2474 : f32 to vector<16xf32>
    %add3A_2476 = arith.addi %broadcast_in_dim3A_2473, %get3A_242 : vector<16xi32>
    %gather3A_2477 = tpu.vector_load_idx %arg7[%add3A_2476] : memref<23552xf32, #tpu.memory_space<vmem>>[vector<16xi32>], vector<16xf32>,
    %mul3A_2478 = arith.mulf %div3A, %gather3A_2477 : vector<16xf32>
    %xor3A_2479 = arith.constant 1 : i32
    %xor3A_2480 = vector.broadcast %xor3A_2479 : i32 to vector<16xi32>
    %xor3A_2481 = arith.xori %iota3A, %xor3A_2480 : vector<16xi32>
    %broadcast_in_dim3A_2482 = vector.shape_cast %xor3A_2481 : vector<16xi32> to vector<16x1xi32>
    %gather3A_2483 = vector.shape_cast %broadcast_in_dim3A_2482 : vector<16x1xi32> to vector<16xi32>
    %gather3A_2484 = tpu.dynamic_gather %mul3A_2478[%gather3A_2483] in [0] : vector<16xf32>, vector<16xi32> -> vector<16xf32>
    %add3A_2485 = arith.addf %mul3A_2478, %gather3A_2484 : vector<16xf32>
    %xor3A_2486 = arith.constant 2 : i32
    %xor3A_2487 = vector.broadcast %xor3A_2486 : i32 to vector<16xi32>
    %xor3A_2488 = arith.xori %iota3A, %xor3A_2487 : vector<16xi32>
    %broadcast_in_dim3A_2489 = vector.shape_cast %xor3A_2488 : vector<16xi32> to vector<16x1xi32>
    %gather3A_2490 = vector.shape_cast %broadcast_in_dim3A_2489 : vector<16x1xi32> to vector<16xi32>
    %gather3A_2491 = tpu.dynamic_gather %add3A_2485[%gather3A_2490] in [0] : vector<16xf32>, vector<16xi32> -> vector<16xf32>
    %add3A_2492 = arith.addf %add3A_2485, %gather3A_2491 : vector<16xf32>
    %xor3A_2493 = arith.constant 4 : i32
    %xor3A_2494 = vector.broadcast %xor3A_2493 : i32 to vector<16xi32>
    %xor3A_2495 = arith.xori %iota3A, %xor3A_2494 : vector<16xi32>
    %broadcast_in_dim3A_2496 = vector.shape_cast %xor3A_2495 : vector<16xi32> to vector<16x1xi32>
    %gather3A_2497 = vector.shape_cast %broadcast_in_dim3A_2496 : vector<16x1xi32> to vector<16xi32>
    %gather3A_2498 = tpu.dynamic_gather %add3A_2492[%gather3A_2497] in [0] : vector<16xf32>, vector<16xi32> -> vector<16xf32>
    %add3A_2499 = arith.addf %add3A_2492, %gather3A_2498 : vector<16xf32>
    %broadcast_in_dim3A_2500 = vector.shape_cast %mul3A_8 : vector<16xi32> to vector<16x1xi32>
    %gather3A_2501 = vector.shape_cast %broadcast_in_dim3A_2500 : vector<16x1xi32> to vector<16xi32>
    %gather3A_2502 = tpu.dynamic_gather %add3A_2499[%gather3A_2501] in [0] : vector<16xf32>, vector<16xi32> -> vector<16xf32>
    %shift_right_arithmetic3A_2503 = arith.constant 1 : i32
    %shift_right_arithmetic3A_2504 = vector.broadcast %shift_right_arithmetic3A_2503 : i32 to vector<16xi32>
    %shift_right_arithmetic3A_2505 = arith.shrsi %iota3A, %shift_right_arithmetic3A_2504 : vector<16xi32>
    %eq3A_2506 = arith.constant 0 : i32
    %eq3A_2507 = vector.broadcast %eq3A_2506 : i32 to vector<16xi32>
    %eq3A_2508 = arith.cmpi eq, %shift_right_arithmetic3A_2505, %eq3A_2507 : vector<16xi32>
    %jit3A_2509 = arith.constant 0.000000e+00 : f32
    %broadcast_in_dim3A_2510 = vector.broadcast %jit3A_2509 : f32 to vector<16xf32>
    %select_n3A_2511 = arith.select %eq3A_2508, %gather3A_2502, %broadcast_in_dim3A_2510 : vector<16xi1>, vector<16xf32>
    %add3A_2512 = arith.addf %broadcast_in_dim3A_2475, %select_n3A_2511 : vector<16xf32>
    %add3A_2513 = arith.addi %broadcast_in_dim3A_2473, %get3A_244 : vector<16xi32>
    %gather3A_2514 = tpu.vector_load_idx %arg7[%add3A_2513] : memref<23552xf32, #tpu.memory_space<vmem>>[vector<16xi32>], vector<16xf32>,
    %mul3A_2515 = arith.mulf %div3A_93, %gather3A_2514 : vector<16xf32>
    %xor3A_2516 = arith.constant 1 : i32
    %xor3A_2517 = vector.broadcast %xor3A_2516 : i32 to vector<16xi32>
    %xor3A_2518 = arith.xori %iota3A, %xor3A_2517 : vector<16xi32>
    %broadcast_in_dim3A_2519 = vector.shape_cast %xor3A_2518 : vector<16xi32> to vector<16x1xi32>
    %gather3A_2520 = vector.shape_cast %broadcast_in_dim3A_2519 : vector<16x1xi32> to vector<16xi32>
    %gather3A_2521 = tpu.dynamic_gather %mul3A_2515[%gather3A_2520] in [0] : vector<16xf32>, vector<16xi32> -> vector<16xf32>
    %add3A_2522 = arith.addf %mul3A_2515, %gather3A_2521 : vector<16xf32>
    %xor3A_2523 = arith.constant 2 : i32
    %xor3A_2524 = vector.broadcast %xor3A_2523 : i32 to vector<16xi32>
    %xor3A_2525 = arith.xori %iota3A, %xor3A_2524 : vector<16xi32>
    %broadcast_in_dim3A_2526 = vector.shape_cast %xor3A_2525 : vector<16xi32> to vector<16x1xi32>
    %gather3A_2527 = vector.shape_cast %broadcast_in_dim3A_2526 : vector<16x1xi32> to vector<16xi32>
    %gather3A_2528 = tpu.dynamic_gather %add3A_2522[%gather3A_2527] in [0] : vector<16xf32>, vector<16xi32> -> vector<16xf32>
    %add3A_2529 = arith.addf %add3A_2522, %gather3A_2528 : vector<16xf32>
    %xor3A_2530 = arith.constant 4 : i32
    %xor3A_2531 = vector.broadcast %xor3A_2530 : i32 to vector<16xi32>
    %xor3A_2532 = arith.xori %iota3A, %xor3A_2531 : vector<16xi32>
    %broadcast_in_dim3A_2533 = vector.shape_cast %xor3A_2532 : vector<16xi32> to vector<16x1xi32>
    %gather3A_2534 = vector.shape_cast %broadcast_in_dim3A_2533 : vector<16x1xi32> to vector<16xi32>
    %gather3A_2535 = tpu.dynamic_gather %add3A_2529[%gather3A_2534] in [0] : vector<16xf32>, vector<16xi32> -> vector<16xf32>
    %add3A_2536 = arith.addf %add3A_2529, %gather3A_2535 : vector<16xf32>
    %broadcast_in_dim3A_2537 = vector.shape_cast %mul3A_8 : vector<16xi32> to vector<16x1xi32>
    %gather3A_2538 = vector.shape_cast %broadcast_in_dim3A_2537 : vector<16x1xi32> to vector<16xi32>
    %gather3A_2539 = tpu.dynamic_gather %add3A_2536[%gather3A_2538] in [0] : vector<16xf32>, vector<16xi32> -> vector<16xf32>
    %shift_right_arithmetic3A_2540 = arith.constant 1 : i32
    %shift_right_arithmetic3A_2541 = vector.broadcast %shift_right_arithmetic3A_2540 : i32 to vector<16xi32>
    %shift_right_arithmetic3A_2542 = arith.shrsi %iota3A, %shift_right_arithmetic3A_2541 : vector<16xi32>
    %eq3A_2543 = arith.constant 1 : i32
    %eq3A_2544 = vector.broadcast %eq3A_2543 : i32 to vector<16xi32>
    %eq3A_2545 = arith.cmpi eq, %shift_right_arithmetic3A_2542, %eq3A_2544 : vector<16xi32>
    %jit3A_2546 = arith.constant 0.000000e+00 : f32
    %broadcast_in_dim3A_2547 = vector.broadcast %jit3A_2546 : f32 to vector<16xf32>
    %select_n3A_2548 = arith.select %eq3A_2545, %gather3A_2539, %broadcast_in_dim3A_2547 : vector<16xi1>, vector<16xf32>
    %add3A_2549 = arith.addf %add3A_2512, %select_n3A_2548 : vector<16xf32>
    %add3A_2550 = arith.addi %broadcast_in_dim3A_2473, %get3A_246 : vector<16xi32>
    %gather3A_2551 = tpu.vector_load_idx %arg7[%add3A_2550] : memref<23552xf32, #tpu.memory_space<vmem>>[vector<16xi32>], vector<16xf32>,
    %mul3A_2552 = arith.mulf %div3A_140, %gather3A_2551 : vector<16xf32>
    %xor3A_2553 = arith.constant 1 : i32
    %xor3A_2554 = vector.broadcast %xor3A_2553 : i32 to vector<16xi32>
    %xor3A_2555 = arith.xori %iota3A, %xor3A_2554 : vector<16xi32>
    %broadcast_in_dim3A_2556 = vector.shape_cast %xor3A_2555 : vector<16xi32> to vector<16x1xi32>
    %gather3A_2557 = vector.shape_cast %broadcast_in_dim3A_2556 : vector<16x1xi32> to vector<16xi32>
    %gather3A_2558 = tpu.dynamic_gather %mul3A_2552[%gather3A_2557] in [0] : vector<16xf32>, vector<16xi32> -> vector<16xf32>
    %add3A_2559 = arith.addf %mul3A_2552, %gather3A_2558 : vector<16xf32>
    %xor3A_2560 = arith.constant 2 : i32
    %xor3A_2561 = vector.broadcast %xor3A_2560 : i32 to vector<16xi32>
    %xor3A_2562 = arith.xori %iota3A, %xor3A_2561 : vector<16xi32>
    %broadcast_in_dim3A_2563 = vector.shape_cast %xor3A_2562 : vector<16xi32> to vector<16x1xi32>
    %gather3A_2564 = vector.shape_cast %broadcast_in_dim3A_2563 : vector<16x1xi32> to vector<16xi32>
    %gather3A_2565 = tpu.dynamic_gather %add3A_2559[%gather3A_2564] in [0] : vector<16xf32>, vector<16xi32> -> vector<16xf32>
    %add3A_2566 = arith.addf %add3A_2559, %gather3A_2565 : vector<16xf32>
    %xor3A_2567 = arith.constant 4 : i32
    %xor3A_2568 = vector.broadcast %xor3A_2567 : i32 to vector<16xi32>
    %xor3A_2569 = arith.xori %iota3A, %xor3A_2568 : vector<16xi32>
    %broadcast_in_dim3A_2570 = vector.shape_cast %xor3A_2569 : vector<16xi32> to vector<16x1xi32>
    %gather3A_2571 = vector.shape_cast %broadcast_in_dim3A_2570 : vector<16x1xi32> to vector<16xi32>
    %gather3A_2572 = tpu.dynamic_gather %add3A_2566[%gather3A_2571] in [0] : vector<16xf32>, vector<16xi32> -> vector<16xf32>
    %add3A_2573 = arith.addf %add3A_2566, %gather3A_2572 : vector<16xf32>
    %broadcast_in_dim3A_2574 = vector.shape_cast %mul3A_8 : vector<16xi32> to vector<16x1xi32>
    %gather3A_2575 = vector.shape_cast %broadcast_in_dim3A_2574 : vector<16x1xi32> to vector<16xi32>
    %gather3A_2576 = tpu.dynamic_gather %add3A_2573[%gather3A_2575] in [0] : vector<16xf32>, vector<16xi32> -> vector<16xf32>
    %shift_right_arithmetic3A_2577 = arith.constant 1 : i32
    %shift_right_arithmetic3A_2578 = vector.broadcast %shift_right_arithmetic3A_2577 : i32 to vector<16xi32>
    %shift_right_arithmetic3A_2579 = arith.shrsi %iota3A, %shift_right_arithmetic3A_2578 : vector<16xi32>
    %eq3A_2580 = arith.constant 2 : i32
    %eq3A_2581 = vector.broadcast %eq3A_2580 : i32 to vector<16xi32>
    %eq3A_2582 = arith.cmpi eq, %shift_right_arithmetic3A_2579, %eq3A_2581 : vector<16xi32>
    %jit3A_2583 = arith.constant 0.000000e+00 : f32
    %broadcast_in_dim3A_2584 = vector.broadcast %jit3A_2583 : f32 to vector<16xf32>
    %select_n3A_2585 = arith.select %eq3A_2582, %gather3A_2576, %broadcast_in_dim3A_2584 : vector<16xi1>, vector<16xf32>
    %add3A_2586 = arith.addf %add3A_2549, %select_n3A_2585 : vector<16xf32>
    %add3A_2587 = arith.addi %broadcast_in_dim3A_2473, %get3A_248 : vector<16xi32>
    %gather3A_2588 = tpu.vector_load_idx %arg7[%add3A_2587] : memref<23552xf32, #tpu.memory_space<vmem>>[vector<16xi32>], vector<16xf32>,
    %mul3A_2589 = arith.mulf %div3A_187, %gather3A_2588 : vector<16xf32>
    %xor3A_2590 = arith.constant 1 : i32
    %xor3A_2591 = vector.broadcast %xor3A_2590 : i32 to vector<16xi32>
    %xor3A_2592 = arith.xori %iota3A, %xor3A_2591 : vector<16xi32>
    %broadcast_in_dim3A_2593 = vector.shape_cast %xor3A_2592 : vector<16xi32> to vector<16x1xi32>
    %gather3A_2594 = vector.shape_cast %broadcast_in_dim3A_2593 : vector<16x1xi32> to vector<16xi32>
    %gather3A_2595 = tpu.dynamic_gather %mul3A_2589[%gather3A_2594] in [0] : vector<16xf32>, vector<16xi32> -> vector<16xf32>
    %add3A_2596 = arith.addf %mul3A_2589, %gather3A_2595 : vector<16xf32>
    %xor3A_2597 = arith.constant 2 : i32
    %xor3A_2598 = vector.broadcast %xor3A_2597 : i32 to vector<16xi32>
    %xor3A_2599 = arith.xori %iota3A, %xor3A_2598 : vector<16xi32>
    %broadcast_in_dim3A_2600 = vector.shape_cast %xor3A_2599 : vector<16xi32> to vector<16x1xi32>
    %gather3A_2601 = vector.shape_cast %broadcast_in_dim3A_2600 : vector<16x1xi32> to vector<16xi32>
    %gather3A_2602 = tpu.dynamic_gather %add3A_2596[%gather3A_2601] in [0] : vector<16xf32>, vector<16xi32> -> vector<16xf32>
    %add3A_2603 = arith.addf %add3A_2596, %gather3A_2602 : vector<16xf32>
    %xor3A_2604 = arith.constant 4 : i32
    %xor3A_2605 = vector.broadcast %xor3A_2604 : i32 to vector<16xi32>
    %xor3A_2606 = arith.xori %iota3A, %xor3A_2605 : vector<16xi32>
    %broadcast_in_dim3A_2607 = vector.shape_cast %xor3A_2606 : vector<16xi32> to vector<16x1xi32>
    %gather3A_2608 = vector.shape_cast %broadcast_in_dim3A_2607 : vector<16x1xi32> to vector<16xi32>
    %gather3A_2609 = tpu.dynamic_gather %add3A_2603[%gather3A_2608] in [0] : vector<16xf32>, vector<16xi32> -> vector<16xf32>
    %add3A_2610 = arith.addf %add3A_2603, %gather3A_2609 : vector<16xf32>
    %broadcast_in_dim3A_2611 = vector.shape_cast %mul3A_8 : vector<16xi32> to vector<16x1xi32>
    %gather3A_2612 = vector.shape_cast %broadcast_in_dim3A_2611 : vector<16x1xi32> to vector<16xi32>
    %gather3A_2613 = tpu.dynamic_gather %add3A_2610[%gather3A_2612] in [0] : vector<16xf32>, vector<16xi32> -> vector<16xf32>
    %shift_right_arithmetic3A_2614 = arith.constant 1 : i32
    %shift_right_arithmetic3A_2615 = vector.broadcast %shift_right_arithmetic3A_2614 : i32 to vector<16xi32>
    %shift_right_arithmetic3A_2616 = arith.shrsi %iota3A, %shift_right_arithmetic3A_2615 : vector<16xi32>
    %eq3A_2617 = arith.constant 3 : i32
    %eq3A_2618 = vector.broadcast %eq3A_2617 : i32 to vector<16xi32>
    %eq3A_2619 = arith.cmpi eq, %shift_right_arithmetic3A_2616, %eq3A_2618 : vector<16xi32>
    %jit3A_2620 = arith.constant 0.000000e+00 : f32
    %broadcast_in_dim3A_2621 = vector.broadcast %jit3A_2620 : f32 to vector<16xf32>
    %select_n3A_2622 = arith.select %eq3A_2619, %gather3A_2613, %broadcast_in_dim3A_2621 : vector<16xi1>, vector<16xf32>
    %add3A_2623 = arith.addf %add3A_2586, %select_n3A_2622 : vector<16xf32>
    %add3A_2624 = arith.addi %broadcast_in_dim3A_2473, %get3A_250 : vector<16xi32>
    %gather3A_2625 = tpu.vector_load_idx %arg7[%add3A_2624] : memref<23552xf32, #tpu.memory_space<vmem>>[vector<16xi32>], vector<16xf32>,
    %mul3A_2626 = arith.mulf %div3A_234, %gather3A_2625 : vector<16xf32>
    %xor3A_2627 = arith.constant 1 : i32
    %xor3A_2628 = vector.broadcast %xor3A_2627 : i32 to vector<16xi32>
    %xor3A_2629 = arith.xori %iota3A, %xor3A_2628 : vector<16xi32>
    %broadcast_in_dim3A_2630 = vector.shape_cast %xor3A_2629 : vector<16xi32> to vector<16x1xi32>
    %gather3A_2631 = vector.shape_cast %broadcast_in_dim3A_2630 : vector<16x1xi32> to vector<16xi32>
    %gather3A_2632 = tpu.dynamic_gather %mul3A_2626[%gather3A_2631] in [0] : vector<16xf32>, vector<16xi32> -> vector<16xf32>
    %add3A_2633 = arith.addf %mul3A_2626, %gather3A_2632 : vector<16xf32>
    %xor3A_2634 = arith.constant 2 : i32
    %xor3A_2635 = vector.broadcast %xor3A_2634 : i32 to vector<16xi32>
    %xor3A_2636 = arith.xori %iota3A, %xor3A_2635 : vector<16xi32>
    %broadcast_in_dim3A_2637 = vector.shape_cast %xor3A_2636 : vector<16xi32> to vector<16x1xi32>
    %gather3A_2638 = vector.shape_cast %broadcast_in_dim3A_2637 : vector<16x1xi32> to vector<16xi32>
    %gather3A_2639 = tpu.dynamic_gather %add3A_2633[%gather3A_2638] in [0] : vector<16xf32>, vector<16xi32> -> vector<16xf32>
    %add3A_2640 = arith.addf %add3A_2633, %gather3A_2639 : vector<16xf32>
    %xor3A_2641 = arith.constant 4 : i32
    %xor3A_2642 = vector.broadcast %xor3A_2641 : i32 to vector<16xi32>
    %xor3A_2643 = arith.xori %iota3A, %xor3A_2642 : vector<16xi32>
    %broadcast_in_dim3A_2644 = vector.shape_cast %xor3A_2643 : vector<16xi32> to vector<16x1xi32>
    %gather3A_2645 = vector.shape_cast %broadcast_in_dim3A_2644 : vector<16x1xi32> to vector<16xi32>
    %gather3A_2646 = tpu.dynamic_gather %add3A_2640[%gather3A_2645] in [0] : vector<16xf32>, vector<16xi32> -> vector<16xf32>
    %add3A_2647 = arith.addf %add3A_2640, %gather3A_2646 : vector<16xf32>
    %broadcast_in_dim3A_2648 = vector.shape_cast %mul3A_8 : vector<16xi32> to vector<16x1xi32>
    %gather3A_2649 = vector.shape_cast %broadcast_in_dim3A_2648 : vector<16x1xi32> to vector<16xi32>
    %gather3A_2650 = tpu.dynamic_gather %add3A_2647[%gather3A_2649] in [0] : vector<16xf32>, vector<16xi32> -> vector<16xf32>
    %shift_right_arithmetic3A_2651 = arith.constant 1 : i32
    %shift_right_arithmetic3A_2652 = vector.broadcast %shift_right_arithmetic3A_2651 : i32 to vector<16xi32>
    %shift_right_arithmetic3A_2653 = arith.shrsi %iota3A, %shift_right_arithmetic3A_2652 : vector<16xi32>
    %eq3A_2654 = arith.constant 4 : i32
    %eq3A_2655 = vector.broadcast %eq3A_2654 : i32 to vector<16xi32>
    %eq3A_2656 = arith.cmpi eq, %shift_right_arithmetic3A_2653, %eq3A_2655 : vector<16xi32>
    %jit3A_2657 = arith.constant 0.000000e+00 : f32
    %broadcast_in_dim3A_2658 = vector.broadcast %jit3A_2657 : f32 to vector<16xf32>
    %select_n3A_2659 = arith.select %eq3A_2656, %gather3A_2650, %broadcast_in_dim3A_2658 : vector<16xi1>, vector<16xf32>
    %add3A_2660 = arith.addf %add3A_2623, %select_n3A_2659 : vector<16xf32>
    %lt3A_2661 = arith.constant 10 : i32
    %lt3A_2662 = vector.broadcast %lt3A_2661 : i32 to vector<16xi32>
    %lt3A_2663 = arith.cmpi slt, %iota3A, %lt3A_2662 : vector<16xi32>
    %jit3A_2664 = arith.constant -1.000000e+30 : f32
    %broadcast_in_dim3A_2665 = vector.broadcast %jit3A_2664 : f32 to vector<16xf32>
    %select_n3A_2666 = arith.select %lt3A_2663, %add3A_2660, %broadcast_in_dim3A_2665 : vector<16xi1>, vector<16xf32>
    %xor3A_2667 = arith.constant 1 : i32
    %xor3A_2668 = vector.broadcast %xor3A_2667 : i32 to vector<16xi32>
    %xor3A_2669 = arith.xori %iota3A, %xor3A_2668 : vector<16xi32>
    %broadcast_in_dim3A_2670 = vector.shape_cast %xor3A_2669 : vector<16xi32> to vector<16x1xi32>
    %gather3A_2671 = vector.shape_cast %broadcast_in_dim3A_2670 : vector<16x1xi32> to vector<16xi32>
    %gather3A_2672 = tpu.dynamic_gather %select_n3A_2666[%gather3A_2671] in [0] : vector<16xf32>, vector<16xi32> -> vector<16xf32>
    %max3A_2673 = arith.maximumf %select_n3A_2666, %gather3A_2672 : vector<16xf32>
    %xor3A_2674 = arith.constant 2 : i32
    %xor3A_2675 = vector.broadcast %xor3A_2674 : i32 to vector<16xi32>
    %xor3A_2676 = arith.xori %iota3A, %xor3A_2675 : vector<16xi32>
    %broadcast_in_dim3A_2677 = vector.shape_cast %xor3A_2676 : vector<16xi32> to vector<16x1xi32>
    %gather3A_2678 = vector.shape_cast %broadcast_in_dim3A_2677 : vector<16x1xi32> to vector<16xi32>
    %gather3A_2679 = tpu.dynamic_gather %max3A_2673[%gather3A_2678] in [0] : vector<16xf32>, vector<16xi32> -> vector<16xf32>
    %max3A_2680 = arith.maximumf %max3A_2673, %gather3A_2679 : vector<16xf32>
    %xor3A_2681 = arith.constant 4 : i32
    %xor3A_2682 = vector.broadcast %xor3A_2681 : i32 to vector<16xi32>
    %xor3A_2683 = arith.xori %iota3A, %xor3A_2682 : vector<16xi32>
    %broadcast_in_dim3A_2684 = vector.shape_cast %xor3A_2683 : vector<16xi32> to vector<16x1xi32>
    %gather3A_2685 = vector.shape_cast %broadcast_in_dim3A_2684 : vector<16x1xi32> to vector<16xi32>
    %gather3A_2686 = tpu.dynamic_gather %max3A_2680[%gather3A_2685] in [0] : vector<16xf32>, vector<16xi32> -> vector<16xf32>
    %max3A_2687 = arith.maximumf %max3A_2680, %gather3A_2686 : vector<16xf32>
    %xor3A_2688 = arith.constant 8 : i32
    %xor3A_2689 = vector.broadcast %xor3A_2688 : i32 to vector<16xi32>
    %xor3A_2690 = arith.xori %iota3A, %xor3A_2689 : vector<16xi32>
    %broadcast_in_dim3A_2691 = vector.shape_cast %xor3A_2690 : vector<16xi32> to vector<16x1xi32>
    %gather3A_2692 = vector.shape_cast %broadcast_in_dim3A_2691 : vector<16x1xi32> to vector<16xi32>
    %gather3A_2693 = tpu.dynamic_gather %max3A_2687[%gather3A_2692] in [0] : vector<16xf32>, vector<16xi32> -> vector<16xf32>
    %max3A_2694 = arith.maximumf %max3A_2687, %gather3A_2693 : vector<16xf32>
    %sub3A_2695 = arith.subf %select_n3A_2666, %max3A_2694 : vector<16xf32>
    %exp3A_2696 = math.exp %sub3A_2695 : vector<16xf32>
    %xor3A_2697 = arith.constant 1 : i32
    %xor3A_2698 = vector.broadcast %xor3A_2697 : i32 to vector<16xi32>
    %xor3A_2699 = arith.xori %iota3A, %xor3A_2698 : vector<16xi32>
    %broadcast_in_dim3A_2700 = vector.shape_cast %xor3A_2699 : vector<16xi32> to vector<16x1xi32>
    %gather3A_2701 = vector.shape_cast %broadcast_in_dim3A_2700 : vector<16x1xi32> to vector<16xi32>
    %gather3A_2702 = tpu.dynamic_gather %exp3A_2696[%gather3A_2701] in [0] : vector<16xf32>, vector<16xi32> -> vector<16xf32>
    %add3A_2703 = arith.addf %exp3A_2696, %gather3A_2702 : vector<16xf32>
    %xor3A_2704 = arith.constant 2 : i32
    %xor3A_2705 = vector.broadcast %xor3A_2704 : i32 to vector<16xi32>
    %xor3A_2706 = arith.xori %iota3A, %xor3A_2705 : vector<16xi32>
    %broadcast_in_dim3A_2707 = vector.shape_cast %xor3A_2706 : vector<16xi32> to vector<16x1xi32>
    %gather3A_2708 = vector.shape_cast %broadcast_in_dim3A_2707 : vector<16x1xi32> to vector<16xi32>
    %gather3A_2709 = tpu.dynamic_gather %add3A_2703[%gather3A_2708] in [0] : vector<16xf32>, vector<16xi32> -> vector<16xf32>
    %add3A_2710 = arith.addf %add3A_2703, %gather3A_2709 : vector<16xf32>
    %xor3A_2711 = arith.constant 4 : i32
    %xor3A_2712 = vector.broadcast %xor3A_2711 : i32 to vector<16xi32>
    %xor3A_2713 = arith.xori %iota3A, %xor3A_2712 : vector<16xi32>
    %broadcast_in_dim3A_2714 = vector.shape_cast %xor3A_2713 : vector<16xi32> to vector<16x1xi32>
    %gather3A_2715 = vector.shape_cast %broadcast_in_dim3A_2714 : vector<16x1xi32> to vector<16xi32>
    %gather3A_2716 = tpu.dynamic_gather %add3A_2710[%gather3A_2715] in [0] : vector<16xf32>, vector<16xi32> -> vector<16xf32>
    %add3A_2717 = arith.addf %add3A_2710, %gather3A_2716 : vector<16xf32>
    %xor3A_2718 = arith.constant 8 : i32
    %xor3A_2719 = vector.broadcast %xor3A_2718 : i32 to vector<16xi32>
    %xor3A_2720 = arith.xori %iota3A, %xor3A_2719 : vector<16xi32>
    %broadcast_in_dim3A_2721 = vector.shape_cast %xor3A_2720 : vector<16xi32> to vector<16x1xi32>
    %gather3A_2722 = vector.shape_cast %broadcast_in_dim3A_2721 : vector<16x1xi32> to vector<16xi32>
    %gather3A_2723 = tpu.dynamic_gather %add3A_2717[%gather3A_2722] in [0] : vector<16xf32>, vector<16xi32> -> vector<16xf32>
    %add3A_2724 = arith.addf %add3A_2717, %gather3A_2723 : vector<16xf32>
    %bitcast3A_2725 = vector.bitcast %add3A_2724 : vector<16xf32> to vector<16xi32>
    %shift_right_arithmetic3A_2726 = arith.constant 23 : i32
    %shift_right_arithmetic3A_2727 = vector.broadcast %shift_right_arithmetic3A_2726 : i32 to vector<16xi32>
    %shift_right_arithmetic3A_2728 = arith.shrsi %bitcast3A_2725, %shift_right_arithmetic3A_2727 : vector<16xi32>
    %and3A_2729 = arith.constant 255 : i32
    %and3A_2730 = vector.broadcast %and3A_2729 : i32 to vector<16xi32>
    %and3A_2731 = arith.andi %shift_right_arithmetic3A_2728, %and3A_2730 : vector<16xi32>
    %sub3A_2732 = arith.constant 127 : i32
    %sub3A_2733 = vector.broadcast %sub3A_2732 : i32 to vector<16xi32>
    %sub3A_2734 = arith.subi %and3A_2731, %sub3A_2733 : vector<16xi32>
    %and3A_2735 = arith.constant 8388607 : i32
    %and3A_2736 = vector.broadcast %and3A_2735 : i32 to vector<16xi32>
    %and3A_2737 = arith.andi %bitcast3A_2725, %and3A_2736 : vector<16xi32>
    %or3A_2738 = arith.constant 1065353216 : i32
    %or3A_2739 = vector.broadcast %or3A_2738 : i32 to vector<16xi32>
    %or3A_2740 = arith.ori %and3A_2737, %or3A_2739 : vector<16xi32>
    %bitcast3A_2741 = vector.bitcast %or3A_2740 : vector<16xi32> to vector<16xf32>
    %sub3A_2742 = arith.constant 1.000000e+00 : f32
    %sub3A_2743 = vector.broadcast %sub3A_2742 : f32 to vector<16xf32>
    %sub3A_2744 = arith.subf %bitcast3A_2741, %sub3A_2743 : vector<16xf32>
    %add3A_2745 = arith.constant 1.000000e+00 : f32
    %add3A_2746 = vector.broadcast %add3A_2745 : f32 to vector<16xf32>
    %add3A_2747 = arith.addf %bitcast3A_2741, %add3A_2746 : vector<16xf32>
    %div3A_2748 = arith.divf %sub3A_2744, %add3A_2747 : vector<16xf32>
    %mul3A_2749 = arith.mulf %div3A_2748, %div3A_2748 : vector<16xf32>
    %mul3A_2750 = arith.constant 2.000000e+00 : f32
    %mul3A_2751 = vector.broadcast %mul3A_2750 : f32 to vector<16xf32>
    %mul3A_2752 = arith.mulf %mul3A_2751, %div3A_2748 : vector<16xf32>
    %mul3A_2753 = arith.constant 0.142857149 : f32
    %mul3A_2754 = vector.broadcast %mul3A_2753 : f32 to vector<16xf32>
    %mul3A_2755 = arith.mulf %mul3A_2749, %mul3A_2754 : vector<16xf32>
    %add3A_2756 = arith.constant 2.000000e-01 : f32
    %add3A_2757 = vector.broadcast %add3A_2756 : f32 to vector<16xf32>
    %add3A_2758 = arith.addf %add3A_2757, %mul3A_2755 : vector<16xf32>
    %mul3A_2759 = arith.mulf %mul3A_2749, %add3A_2758 : vector<16xf32>
    %add3A_2760 = arith.constant 0.333333343 : f32
    %add3A_2761 = vector.broadcast %add3A_2760 : f32 to vector<16xf32>
    %add3A_2762 = arith.addf %add3A_2761, %mul3A_2759 : vector<16xf32>
    %mul3A_2763 = arith.mulf %mul3A_2749, %add3A_2762 : vector<16xf32>
    %add3A_2764 = arith.constant 1.000000e+00 : f32
    %add3A_2765 = vector.broadcast %add3A_2764 : f32 to vector<16xf32>
    %add3A_2766 = arith.addf %add3A_2765, %mul3A_2763 : vector<16xf32>
    %mul3A_2767 = arith.mulf %mul3A_2752, %add3A_2766 : vector<16xf32>
    %convert_element_type3A_2768 = arith.sitofp %sub3A_2734 : vector<16xi32> to vector<16xf32>
    %mul3A_2769 = arith.constant 0.693147182 : f32
    %mul3A_2770 = vector.broadcast %mul3A_2769 : f32 to vector<16xf32>
    %mul3A_2771 = arith.mulf %convert_element_type3A_2768, %mul3A_2770 : vector<16xf32>
    %add3A_2772 = arith.addf %mul3A_2771, %mul3A_2767 : vector<16xf32>
    %add3A_2773 = arith.addf %max3A_2694, %add3A_2772 : vector<16xf32>
    %broadcast_in_dim3A_2774 = arith.constant 7 : i32
    %broadcast_in_dim3A_2775 = vector.broadcast %broadcast_in_dim3A_2774 : i32 to vector<16xi32>
    %broadcast_in_dim3A_2776 = vector.shape_cast %broadcast_in_dim3A_2775 : vector<16xi32> to vector<16x1xi32>
    %gather3A_2777 = vector.shape_cast %broadcast_in_dim3A_2776 : vector<16x1xi32> to vector<16xi32>
    %gather3A_2778 = tpu.dynamic_gather %gather3A_240[%gather3A_2777] in [0] : vector<16xi32>, vector<16xi32> -> vector<16xi32>
    %broadcast_in_dim3A_2779 = vector.shape_cast %gather3A_2778 : vector<16xi32> to vector<16x1xi32>
    %gather3A_2780 = vector.shape_cast %broadcast_in_dim3A_2779 : vector<16x1xi32> to vector<16xi32>
    %gather3A_2781 = tpu.dynamic_gather %add3A_2660[%gather3A_2780] in [0] : vector<16xf32>, vector<16xi32> -> vector<16xf32>
    %eq3A_2782 = arith.constant 0 : i32
    %eq3A_2783 = vector.broadcast %eq3A_2782 : i32 to vector<16xi32>
    %eq3A_2784 = arith.cmpi eq, %iota3A, %eq3A_2783 : vector<16xi32>
    %sub3A_2785 = arith.subf %add3A_2773, %gather3A_2781 : vector<16xf32>
    %jit3A_2786 = arith.constant 0.000000e+00 : f32
    %broadcast_in_dim3A_2787 = vector.broadcast %jit3A_2786 : f32 to vector<16xf32>
    %select_n3A_2788 = arith.select %eq3A_2784, %sub3A_2785, %broadcast_in_dim3A_2787 : vector<16xi1>, vector<16xf32>
    %add3A_2789 = arith.addf %add3A_2471, %select_n3A_2788 : vector<16xf32>
    %swap3A = arith.constant 0 : index
    %swap3A_2790 = tpu.vector_load %arg11[%swap3A] {strides = array<i32>} : memref<16xf32, #tpu.memory_space<vmem>>, vector<16xf32>,
    tpu.vector_store %arg11[%swap3A], %add3A_2789 {strides = array<i32>} : memref<16xf32, #tpu.memory_space<vmem>>, vector<16xf32>,
    %mul3A_2791 = arith.constant 16 : i32
    %mul3A_2792 = arith.muli %arg1, %mul3A_2791 : i32
    "tpu.region"() ({
      %run_scoped3A = tpu.sem_alloc : memref<!tpu.dma_semaphore, #tpu.memory_space<semaphore_mem>>
      %dma_start3A_2797 = tpu.memref_slice %arg13[%mul3A_2792] : memref<256xf32, #tpu.memory_space<vmem_shared>> -> memref<16xf32, #tpu.memory_space<vmem_shared>>
      %dma_start3A_2798 = tpu.memref_slice %arg13[%mul3A_2792] : memref<256xf32, #tpu.memory_space<vmem_shared>> -> memref<16xf32, #tpu.memory_space<vmem_shared>>
      tpu.enqueue_dma source(%arg11 : memref<16xf32, #tpu.memory_space<vmem>>) target(%dma_start3A_2798 : memref<16xf32, #tpu.memory_space<vmem_shared>>) target_semaphore(%run_scoped3A : memref<!tpu.dma_semaphore, #tpu.memory_space<semaphore_mem>>)
      %dma_wait3A_2799 = tpu.memref_slice %arg13[%mul3A_2792] : memref<256xf32, #tpu.memory_space<vmem_shared>> -> memref<16xf32, #tpu.memory_space<vmem_shared>>
      %dma_wait3A_2800 = tpu.memref_slice %arg13[%mul3A_2792] : memref<256xf32, #tpu.memory_space<vmem_shared>> -> memref<16xf32, #tpu.memory_space<vmem_shared>>
      tpu.wait_dma2 semaphore(%run_scoped3A : memref<!tpu.dma_semaphore, #tpu.memory_space<semaphore_mem>>) src(%arg11 : memref<16xf32, #tpu.memory_space<vmem>>) dst(%dma_wait3A_2800 : memref<16xf32, #tpu.memory_space<vmem_shared>>)
      tpu.yield
    }) : () -> ()
    %barrier3A = arith.constant 0 : index
    tpu.barrier barrier_id(%barrier3A)
    %eq3A_2793 = arith.constant 0 : i32
    %eq3A_2794 = arith.cmpi eq, %arg1, %eq3A_2793 : i32
    %convert_element_type3A_2795 = arith.extui %eq3A_2794 : i1 to i32
    %cond3A = arith.constant 0 : i32
    %cond3A_2796 = arith.cmpi ne, %convert_element_type3A_2795, %cond3A : i32
    scf.if %cond3A_2796 {
      "tpu.region"() ({
        %run_scoped3A = tpu.sem_alloc : memref<!tpu.dma_semaphore, #tpu.memory_space<semaphore_mem>>
        tpu.enqueue_dma source(%arg13 : memref<256xf32, #tpu.memory_space<vmem_shared>>) target(%arg14 : memref<256xf32, #tpu.memory_space<vmem>>) target_semaphore(%run_scoped3A : memref<!tpu.dma_semaphore, #tpu.memory_space<semaphore_mem>>)
        tpu.wait_dma2 semaphore(%run_scoped3A : memref<!tpu.dma_semaphore, #tpu.memory_space<semaphore_mem>>) src(%arg13 : memref<256xf32, #tpu.memory_space<vmem_shared>>) dst(%arg14 : memref<256xf32, #tpu.memory_space<vmem>>)
        tpu.yield
      }) : () -> ()
      %broadcast_in_dim3A_2797 = arith.constant 0.000000e+00 : f32
      %broadcast_in_dim3A_2798 = vector.broadcast %broadcast_in_dim3A_2797 : f32 to vector<16xf32>
      %get3A_2799 = arith.constant 0 : index
      %get3A_2800 = tpu.vector_load %arg14[%get3A_2799] {strides = array<i32>} : memref<256xf32, #tpu.memory_space<vmem>>, vector<16xf32>,
      %add3A_2801 = arith.addf %broadcast_in_dim3A_2798, %get3A_2800 : vector<16xf32>
      %get3A_2802 = arith.constant 16 : index
      %get3A_2803 = tpu.vector_load %arg14[%get3A_2802] {strides = array<i32>} : memref<256xf32, #tpu.memory_space<vmem>>, vector<16xf32>,
      %add3A_2804 = arith.addf %add3A_2801, %get3A_2803 : vector<16xf32>
      %get3A_2805 = arith.constant 32 : index
      %get3A_2806 = tpu.vector_load %arg14[%get3A_2805] {strides = array<i32>} : memref<256xf32, #tpu.memory_space<vmem>>, vector<16xf32>,
      %add3A_2807 = arith.addf %add3A_2804, %get3A_2806 : vector<16xf32>
      %get3A_2808 = arith.constant 48 : index
      %get3A_2809 = tpu.vector_load %arg14[%get3A_2808] {strides = array<i32>} : memref<256xf32, #tpu.memory_space<vmem>>, vector<16xf32>,
      %add3A_2810 = arith.addf %add3A_2807, %get3A_2809 : vector<16xf32>
      %get3A_2811 = arith.constant 64 : index
      %get3A_2812 = tpu.vector_load %arg14[%get3A_2811] {strides = array<i32>} : memref<256xf32, #tpu.memory_space<vmem>>, vector<16xf32>,
      %add3A_2813 = arith.addf %add3A_2810, %get3A_2812 : vector<16xf32>
      %get3A_2814 = arith.constant 80 : index
      %get3A_2815 = tpu.vector_load %arg14[%get3A_2814] {strides = array<i32>} : memref<256xf32, #tpu.memory_space<vmem>>, vector<16xf32>,
      %add3A_2816 = arith.addf %add3A_2813, %get3A_2815 : vector<16xf32>
      %get3A_2817 = arith.constant 96 : index
      %get3A_2818 = tpu.vector_load %arg14[%get3A_2817] {strides = array<i32>} : memref<256xf32, #tpu.memory_space<vmem>>, vector<16xf32>,
      %add3A_2819 = arith.addf %add3A_2816, %get3A_2818 : vector<16xf32>
      %get3A_2820 = arith.constant 112 : index
      %get3A_2821 = tpu.vector_load %arg14[%get3A_2820] {strides = array<i32>} : memref<256xf32, #tpu.memory_space<vmem>>, vector<16xf32>,
      %add3A_2822 = arith.addf %add3A_2819, %get3A_2821 : vector<16xf32>
      %get3A_2823 = arith.constant 128 : index
      %get3A_2824 = tpu.vector_load %arg14[%get3A_2823] {strides = array<i32>} : memref<256xf32, #tpu.memory_space<vmem>>, vector<16xf32>,
      %add3A_2825 = arith.addf %add3A_2822, %get3A_2824 : vector<16xf32>
      %get3A_2826 = arith.constant 144 : index
      %get3A_2827 = tpu.vector_load %arg14[%get3A_2826] {strides = array<i32>} : memref<256xf32, #tpu.memory_space<vmem>>, vector<16xf32>,
      %add3A_2828 = arith.addf %add3A_2825, %get3A_2827 : vector<16xf32>
      %get3A_2829 = arith.constant 160 : index
      %get3A_2830 = tpu.vector_load %arg14[%get3A_2829] {strides = array<i32>} : memref<256xf32, #tpu.memory_space<vmem>>, vector<16xf32>,
      %add3A_2831 = arith.addf %add3A_2828, %get3A_2830 : vector<16xf32>
      %get3A_2832 = arith.constant 176 : index
      %get3A_2833 = tpu.vector_load %arg14[%get3A_2832] {strides = array<i32>} : memref<256xf32, #tpu.memory_space<vmem>>, vector<16xf32>,
      %add3A_2834 = arith.addf %add3A_2831, %get3A_2833 : vector<16xf32>
      %get3A_2835 = arith.constant 192 : index
      %get3A_2836 = tpu.vector_load %arg14[%get3A_2835] {strides = array<i32>} : memref<256xf32, #tpu.memory_space<vmem>>, vector<16xf32>,
      %add3A_2837 = arith.addf %add3A_2834, %get3A_2836 : vector<16xf32>
      %get3A_2838 = arith.constant 208 : index
      %get3A_2839 = tpu.vector_load %arg14[%get3A_2838] {strides = array<i32>} : memref<256xf32, #tpu.memory_space<vmem>>, vector<16xf32>,
      %add3A_2840 = arith.addf %add3A_2837, %get3A_2839 : vector<16xf32>
      %get3A_2841 = arith.constant 224 : index
      %get3A_2842 = tpu.vector_load %arg14[%get3A_2841] {strides = array<i32>} : memref<256xf32, #tpu.memory_space<vmem>>, vector<16xf32>,
      %add3A_2843 = arith.addf %add3A_2840, %get3A_2842 : vector<16xf32>
      %get3A_2844 = arith.constant 240 : index
      %get3A_2845 = tpu.vector_load %arg14[%get3A_2844] {strides = array<i32>} : memref<256xf32, #tpu.memory_space<vmem>>, vector<16xf32>,
      %add3A_2846 = arith.addf %add3A_2843, %get3A_2845 : vector<16xf32>
      %mul3A_2847 = arith.constant 7.812500e-03 : f32
      %mul3A_2848 = vector.broadcast %mul3A_2847 : f32 to vector<16xf32>
      %mul3A_2849 = arith.mulf %add3A_2846, %mul3A_2848 : vector<16xf32>
      %swap3A_2850 = arith.constant 0 : index
      %swap3A_2851 = tpu.vector_load %arg12[%swap3A_2850] {strides = array<i32>} : memref<16xf32, #tpu.memory_space<vmem>>, vector<16xf32>,
      tpu.vector_store %arg12[%swap3A_2850], %mul3A_2849 {strides = array<i32>} : memref<16xf32, #tpu.memory_space<vmem>>, vector<16xf32>,
      "tpu.region"() ({
        %run_scoped3A = tpu.sem_alloc : memref<!tpu.dma_semaphore, #tpu.memory_space<semaphore_mem>>
        %dma_start3A_2852 = arith.constant 0 : i32
        %dma_start3A_2853 = tpu.memref_slice %arg12[%dma_start3A_2852] : memref<16xf32, #tpu.memory_space<vmem>> -> memref<1xf32, #tpu.memory_space<vmem>>
        %dma_start3A_2854 = arith.constant 0 : i32
        %dma_start3A_2855 = tpu.memref_slice %arg12[%dma_start3A_2854] : memref<16xf32, #tpu.memory_space<vmem>> -> memref<1xf32, #tpu.memory_space<vmem>>
        tpu.enqueue_dma source(%dma_start3A_2855 : memref<1xf32, #tpu.memory_space<vmem>>) target(%arg6 : memref<1xf32, #tpu.memory_space<hbm>>) target_semaphore(%run_scoped3A : memref<!tpu.dma_semaphore, #tpu.memory_space<semaphore_mem>>)
        %dma_wait3A_2856 = arith.constant 0 : i32
        %dma_wait3A_2857 = tpu.memref_slice %arg12[%dma_wait3A_2856] : memref<16xf32, #tpu.memory_space<vmem>> -> memref<1xf32, #tpu.memory_space<vmem>>
        %dma_wait3A_2858 = arith.constant 0 : i32
        %dma_wait3A_2859 = tpu.memref_slice %arg12[%dma_wait3A_2858] : memref<16xf32, #tpu.memory_space<vmem>> -> memref<1xf32, #tpu.memory_space<vmem>>
        tpu.wait_dma2 semaphore(%run_scoped3A : memref<!tpu.dma_semaphore, #tpu.memory_space<semaphore_mem>>) src(%dma_wait3A_2859 : memref<1xf32, #tpu.memory_space<vmem>>) dst(%arg6 : memref<1xf32, #tpu.memory_space<hbm>>)
        tpu.yield
      }) : () -> ()
    } else {
    }
    return
  }
}

</mosaic_0001>

<sc_bundles>
// kernel: kernel.3.cloned.1.call-start
scs
__scs_entry_jumppad:
0x0: {  	(pc) =	sbr.rel $0x88, $3  }
0x1: {  	(tag) =	ssettag $0x0;
	lr =	simm.s32 $0x1  }
0x2: {  	[smem:$0x3F9D] =	sst lr;
	_ =	strace $0xD0000000  }
0x3: {  	_ = 	snop  }
0x4: {  	_ = 	snop  }
0x5: {  	_ = 	snop  }
0x6: {  	_ = 	snop  }
0x7: {  	_ = 	snop  }
__scs_overlays_trampoline_lowered:
0x8: {  	[smem:$0x3FAC] =	sst s0  }
0x9: {  	[smem:$0x3FAD] =	sst s1  }
0xa: {  	[smem:$0x3FAE] =	sst s2  }
0xb: {  	[smem:$0x3FAF] =	sst s3  }
0xc: {  	[smem:$0x3FB0] =	sst s4  }
0xd: {  	[smem:$0x3FB1] =	sst s5  }
0xe: {  	[smem:$0x3FB2] =	sst s6  }
0xf: {  	[smem:$0x3FB3] =	sst s7  }
0x10: {  	[smem:$0x3FB4] =	sst s8  }
0x11: {  	[smem:$0x3FB5] =	sst s9;
	s0 =	simm.s32 @!p0 $0x0  }
0x12: {  	s1 =	sld [smem:$0x3F9B];
	s0 =	simm.s32 @p0 $0x1  }
0x13: {  	[smem:$0x3FB6] =	sst s0;
	s0 =	simm.s32 @!p1 $0x0  }
0x14: {  	s2 =	sld [smem:$0x3F9A];
	s0 =	simm.s32 @p1 $0x1  }
0x15: {  	[smem:$0x3FB7] =	sst s0;
	s0 =	simm.s32 @!p2 $0x0  }
0x16: {  	s3 =	sld [smem:$0x3FDB];
	s0 =	simm.s32 @p2 $0x1  }
0x17: {  	s4 =	simm.s32 $0x1BF5;
	[smem:$0x3FB9] =	sst s0  }
0x18: {  	s0 =	sld [smem:$0x3F9C];
	_ =	swait.ge [sflag:s4], $0x0  }
0x19: {  	s7 =	sld [smem:$0x3F9D]  }
0x1a: {  	s8 =	sadd.s32 $0xFFFFE003, lr  }
0x1b: {  	s9 =	sadd.s32 $0xFFFFFEF7, lr;
	s5 =	simm.s32 $0xFFFFFFFF;
	p2 =	slt.u32 s8, $0xFFFFF086  }
0x1c: {  	p1 =	slt.u32 s9, $0xF7A;
	s5 =	simm.s32 @!p2 $0x0  }
0x1d: {  	s5 =	simm.s32 @p1 $0x1;
	p0 =	seq.s32 s7, s2  }
0x1e: {  	s7 =	smul.u32 @!p0 $0xF7A, s2;
	p2 =	seq.s32 @!p0 s5, $0x0  }
0x1f: {  	s9 =	smul.u32 $0xF7A, s1;
	s8 =	simm.s32 @!p0 $0x1BF5;
	p2 =	por !p2, p0  }
0x20: {  	[sflag:s8] =	ssyncset.s32 @!p0 $0xFFFFF086;
	s6 =	sadd.s32 @!p0 s3, s7;
	s7 =	simm.s32 @!p0 $0x108  }
0x21: {  	s3 =	sadd.s32 s3, s9;
	s6 =	sadd.s32 @!p0 $0x88, s6;
	s7 =	simm.s32 @p2 $0x1082  }
0x22: {  	[simem:s7], [sflag:s8] =	dma.local @!p0 [hbm:s6], $0xF7A  }
0x23: {  	s9 =	sor.u32 $0xD0000000, s2;
	s6 =	simm.s32 $0x108;
	_ =	swait.ge @!p0 [sflag:s8], $0x0  }
0x24: {  	s3 =	sadd.s32 $0x88, s3;
	s6 =	simm.s32 @!p1 $0x1082;
	[sflag:s4] =	ssyncset.s32 $0xFFFFF086  }
0x25: {  	[simem:s6], [sflag:s4] =	dma.local [hbm:s3], $0xF7A  }
0x26: {  	[smem:$0x3F9D] =	sst s1;
	(tag) =	ssettag s2;
	_ =	strace s9  }
0x27: {  	s1 =	sld [smem:$0x3FAD]  }
0x28: {  	s2 =	sld [smem:$0x3FAE]  }
0x29: {  	s4 =	sld [smem:$0x3FB0]  }
0x2a: {  	p0 =	seq.s32 s5, $0x0;
	s5 =	sld [smem:$0x3FB1]  }
0x2b: {  	s6 =	sld [smem:$0x3FB2]  }
0x2c: {  	s7 =	sld [smem:$0x3FB3]  }
0x2d: {  	s3 =	simm.s32 $0x108;
	s8 =	sld [smem:$0x3FB4]  }
0x2e: {  	s3 =	simm.s32 @!p0 $0x1082;
	s9 =	sld [smem:$0x3FB5]  }
0x2f: {  	lr =	sadd.s32 s0, s3;
	s0 =	sld [smem:$0x3FAC]  }
0x30: {  	s3 =	sld [smem:$0x3FAF]  }
0x31: {  	[smem:$0x3FB8] =	sst s10  }
0x32: {  	s10 =	sld [smem:$0x3FB6];
	_ =	sdelay $0x3  }
0x33: {  	p0 =	seq.s32 s10, $0x1;
	s10 =	sld [smem:$0x3FB8];
	_ =	sdelay $0x3  }
0x34: {  	[smem:$0x3FB8] =	sst s10  }
0x35: {  	s10 =	sld [smem:$0x3FB7];
	_ =	sdelay $0x3  }
0x36: {  	p1 =	seq.s32 s10, $0x1;
	s10 =	sld [smem:$0x3FB8];
	_ =	sdelay $0x3  }
0x37: {  	[smem:$0x3FB8] =	sst s10  }
0x38: {  	s10 =	sld [smem:$0x3FB9]  }
0x39: {  	_ = 	snop;
	(pc) =	sbr.ind lr, $3  }
0x3a: {  	_ = 	snop  }
0x3b: {  	_ = 	snop  }
0x3c: {  	p2 =	seq.s32 s10, $0x1;
	s10 =	sld [smem:$0x3FB8]  }
0x3d: {  	_ =	shalt  }
0x3e: {  	_ =	shalt  }
0x3f: {  	_ =	shalt  }
0x40: {  	_ =	shalt  }
0x41: {  	_ =	shalt  }
0x42: {  	_ =	shalt  }
0x43: {  	_ =	shalt  }
0x44: {  	_ =	shalt  }
0x45: {  	_ =	shalt  }
0x46: {  	_ =	shalt  }
0x47: {  	_ =	shalt  }
0x48: {  	_ =	shalt  }
0x49: {  	_ =	shalt  }
0x4a: {  	_ =	shalt  }
0x4b: {  	_ =	shalt  }
0x4c: {  	_ =	shalt  }
0x4d: {  	_ =	shalt  }
0x4e: {  	_ =	shalt  }
0x4f: {  	_ =	shalt  }
0x50: {  	_ =	shalt  }
0x51: {  	_ =	shalt  }
0x52: {  	_ =	shalt  }
0x53: {  	_ =	shalt  }
0x54: {  	_ =	shalt  }
0x55: {  	_ =	shalt  }
0x56: {  	_ =	shalt  }
0x57: {  	_ =	shalt  }
0x58: {  	_ =	shalt  }
0x59: {  	_ =	shalt  }
0x5a: {  	_ =	shalt  }
0x5b: {  	_ =	shalt  }
0x5c: {  	_ =	shalt  }
0x5d: {  	_ =	shalt  }
0x5e: {  	_ =	shalt  }
0x5f: {  	_ =	shalt  }
0x60: {  	_ =	shalt  }
0x61: {  	_ =	shalt  }
0x62: {  	_ =	shalt  }
0x63: {  	_ =	shalt  }
0x64: {  	_ =	shalt  }
0x65: {  	_ =	shalt  }
0x66: {  	_ =	shalt  }
0x67: {  	_ =	shalt  }
0x68: {  	_ =	shalt  }
0x69: {  	_ =	shalt  }
0x6a: {  	_ =	shalt  }
0x6b: {  	_ =	shalt  }
0x6c: {  	_ =	shalt  }
0x6d: {  	_ =	shalt  }
0x6e: {  	_ =	shalt  }
0x6f: {  	_ =	shalt  }
0x70: {  	_ =	shalt  }
0x71: {  	_ =	shalt  }
0x72: {  	_ =	shalt  }
0x73: {  	_ =	shalt  }
0x74: {  	_ =	shalt  }
0x75: {  	_ =	shalt  }
0x76: {  	_ =	shalt  }
0x77: {  	_ =	shalt  }
0x78: {  	_ =	shalt  }
0x79: {  	_ =	shalt  }
0x7a: {  	_ =	shalt  }
0x7b: {  	_ =	shalt  }
0x7c: {  	_ =	shalt  }
0x7d: {  	_ =	shalt  }
0x7e: {  	_ =	shalt  }
0x7f: {  	_ =	shalt  }
0x80: {  	_ =	shalt  }
0x81: {  	_ =	shalt  }
0x82: {  	_ =	shalt  }
0x83: {  	_ =	shalt  }
0x84: {  	_ =	shalt  }
0x85: {  	_ =	shalt  }
0x86: {  	_ =	shalt  }
0x87: {  	_ =	shalt  }
.Lfunc_end0:
.L_simem_size_0:
called_computation_lowered:
.L_overlay_start_0:
0x88: {  	s0 =	sld [smem:$0x3FD9]  }
0x89: {  	s1 =	sld [smem:$0x3FFE];
	_ =	sdelay $0x3  }
0x8a: {  	s0 =	sadd.s32 s1, s0  }
0x8b: {  	[smem:$0x3FC4] =	sst s0  }
0x8c: {  	_ = 	snop  }
0x8d: {  	s0 =	sld [smem:$0x3FC8]  }
0x8e: {  	s16 =	sld [smem:$0x3FD0];
	(tm) =	ssettm $0x1  }
0x8f: {  	s2 =	sld [smem:$0x3FFB];
	_ =	sdelay $0x3  }
0x90: {  	_ =	strace s2  }
0x91: {  	s2 =	sld [smem:$0x3FFC];
	_ =	sdelay $0x3  }
0x92: {  	_ =	strace s2  }
0x93: {  	s2 =	sld [smem:$0x3FFD];
	_ =	sdelay $0x3  }
0x94: {  	_ =	strace s2  }
0x95: {  	_ =	strace $0x8FFFFFFF  }
0x96: {  	s17 =	sld [smem:$0x3FDB];
	_ =	sdelay $0x1  }
0x97: {  	s3 =	simm.s32 $_scs_section_size  }
0x98: {  	s4 =	simm.s32 $_size__tile_overlayer_lowered;
	s5 =	simm.s32 $_tile_overlayer_lowered  }
0x99: {  	s20 =	simm.s32 $0x1BFF;
	s19 =	sshll.u32 s5, $0x1;
	s2 =	sadd.s32 s3, s17  }
0x9a: {  	s6 =	simm.s32 $0x0;
	s18 =	sshll.u32 s4, $0x1;
	s4 =	sadd.s32 s19, s2  }
0x9b: {  	[timem:s6], [sflag:s20] =	dma.local [hbm:s4], s18  }
0x9c: {  	_ =	swait.ge [sflag:s20], s18  }
0x9d: {  	s3 =	ssub.s32 $0x0, s18;
	[sflag:s20] =	ssyncset.done $0x0  }
0x9e: {  	[sflag:s20] =	ssyncadd.s32 s3;
	_ =	sdelay $0x1  }
0x9f: {  	s21 =	simm.s32 $0x1B8B  }
0xa0: {  	_ =	swait.ge [sflag:s21], $0x1  }
0xa1: {  	[sflag:s21] =	ssyncset.done $0x0  }
0xa2: {  	s23 =	simm.s32 $0x1B8E;
	s22 =	sld [smem:$0x3FFE];
	[sflag:s21] =	ssyncadd.s32 $0xFFFFFFFF  }
0xa3: {  	s24 =	simm.s32 $execute0_lowered;
	[smem:$0x3FD2] =	sst s23  }
0xa4: {  	s4 =	sshll.u32 s24, $0x1;
	_ =	strace $0x80000046;
	[dreg:$0x1] =	wrdreg $0xFFFFFFFF  }
0xa5: {  	s25 =	simm.s32 $_size_execute0_lowered;
	s2 =	sadd.s32 s2, s4;
	[dreg:$0x0] =	wrdreg $0x0  }
0xa6: {  	s4 =	sshll.u32 s25, $0x1;
	[dreg:$0x2] =	wrdreg s2  }
0xa7: {  	[dreg:$0x3] =	wrdreg s4  }
0xa8: {  	[dreg:$0x4] =	wrdreg $0xC0  }
0xa9: {  	_ =	task [dreg:s6], $0x5FFFF  }
0xaa: {  	[dreg:$0x1] =	wrdreg $0xFFFFFFFF  }
0xab: {  	[dreg:$0x0] =	wrdreg $0x60  }
0xac: {  	[dreg:$0x2] =	wrdreg s22  }
0xad: {  	[dreg:$0x3] =	wrdreg s0  }
0xae: {  	[dreg:$0x4] =	wrdreg s16  }
0xaf: {  	[dreg:$0x5] =	wrdreg $0x5E800  }
0xb0: {  	[dreg:$0x6] =	wrdreg $0x9  }
0xb1: {  	_ =	task.clear_ibuf [dreg:s6], $0x7FFFF;
	_ =	strace $0x90000046  }
0xb2: {  	s26 =	simm.s32 $0x9;
	_ =	strace $0x80000048  }
0xb3: {  	_ =	swait.ge [sflag:s26], $0x1  }
0xb4: {  	[sflag:s26] =	ssyncadd.s32 $0xFFFFFFFF  }
0xb5: {  	_ =	strace $0x90000048  }
0xb6: {  	_ =	sfence  }
0xb7: {  	s28 =	sld [smem:$0x0];
	_ =	sdelay $0x1  }
0xb8: {  	s29 =	srdreg.scid  }
0xb9: {  	s30 =	sshll.u32 s29, $0xD;
	s31 =	sshrl.u32 s29, $0x2  }
0xba: {  	s1 =	sand.u32 $0x1, s29;
	s2 =	sand.u32 $0x4000, s30;
	s0 =	sadd.s32 s31, s28  }
0xbb: {  	s1 =	sor.u32 s2, s1;
	s0 =	sshll.u32 s0, $0x11  }
0xbc: {  	s0 =	sor.u32 s0, s1  }
0xbd: {  	s0 =	sadd.s32 $0x8F2B, s0  }
0xbe: {  	[sflag:s0] =	ssyncadd.remote.s32 $0x1  }
0xbf: {  	_ =	sfence.sel $0xFFFF  }
0xc0: {  	[dreg:$0x0] =	wrdreg $0xFFFFFFFF;
	(pc) =	sbr.abs _section_cstart, $3  }
0xc1: {  	[dreg:$0x1] =	wrdreg $0xFFFFFFFF  }
0xc2: {  	_ =	task.clear_ibuf [dreg:s6], $0x2FFFF;
	_ =	strace $0x9FFFFFFF  }
0xc3: {  	(tm) =	ssettm $0x7FFFFFFF  }
tec
execute0_lowered:
.L_overlay_start_1:
0x0: {  	(tag) =	ssettag $0x1  }
0x1: {  	s6 =	rddreg [dreg:$0x0]  }
0x2: {  	s7 =	rddreg [dreg:$0x1];
	s3 =	stileid.u32  }
0x3: {  	s1 =	rddreg [dreg:$0x2];
	s5 =	smul.u32 $0xB80, s3  }
0x4: {  	s2 =	rddreg [dreg:$0x3];
	s4 =	simm.s32 $0x0  }
0x5: {  	[smem:$0x7FF] =	sst s4;
	s5 =	sadd.s32 s5, s6  }
0x6: {  	s0 =	rddreg [dreg:$0x4];
	_ =	strace $0x80000047;
	s5 =	sadd.s32 $0xC00, s5  }
0x7: {  	[tilespmem:s4], [sflag:$0x1] =	stream.linear.gather [hbm4b:s5+s4], $0x5C00, $0x38;
	[tilespmem:$0x5F90] =	vst v63  }
0x8: {  	s8 =	simm.s32 $0x5C80;
	s20 =	sadd.s32 $0xC600, s6  }
0x9: {  	[tilespmem:s8], [sflag:$0x2] =	stream.linear.gather [hbm4b:s20+s4], $0x80, $0x38;
	[tilespmem:$0x5F90] =	vst v63  }
0xa: {  	s21 =	simm.s32 $0x5D00  }
0xb: {  	[tilespmem:s21], [sflag:$0x3] =	stream.linear.gather [hbm4b:s7+s4], $0x80, $0x38;
	[tilespmem:$0x5F90] =	vst v63  }
0xc: {  	s22 =	simm.s32 $0x5C00;
	s23 =	simm.s32 $0x2;
	s6 =	sadd.s32 $0xC400, s6  }
0xd: {  	[tilespmem:s22], [sflag:$0x4] =	stream.linear.gather [hbm4b:s6+s4], $0x80, $0x38;
	[tilespmem:$0x5F90] =	vst v63  }
0xe: {  	v0 =	vimm.s32 $0xEFCDAB89;
	v1 =	vimm.s32 $0x67452301;
	_ =	swait.ge [sflag:s23], $0x80  }
0xf: {  	v0 =	vunpack.c.l.s4.s8 v0;
	v1 =	vunpack.c.l.s4.s8 v1;
	[sflag:s23] =	ssyncset.done $0x0  }
0x10: {  	v2 =	vimm.s32 $0xDCFE98BA;
	[sflag:s23] =	ssyncadd.s32 $0xFFFFFF80  }
0x11: {  	v3 =	vimm.s32 $0x54761032;
	v0 =	vunpack.c.0.s8.s32 v0;
	v1 =	vunpack.c.0.s8.s32 v1;
	v4 =	vld [tilespmem:$0x5C80]  }
0x12: {  	v2 =	vunpack.c.l.s4.s8 v2;
	v3 =	vunpack.c.l.s4.s8 v3  }
0x13: {  	v5 =	vimm.s32 $0xBA98FEDC;
	v0 =	vcombine.low v1, v0  }
0x14: {  	v6 =	vimm.s32 $0x32107654;
	v52 =	vunpack.c.0.s8.s32 v2;
	v53 =	vunpack.c.0.s8.s32 v3  }
0x15: {  	v54 =	vunpack.c.l.s4.s8 v5;
	v55 =	vunpack.c.l.s4.s8 v6;
	v3 =	vand.u32 $0xF, v0  }
0x16: {  	v1 =	vcombine.low v53, v52;
	v56 =	vperm.xlane v4, v3  }
0x17: {  	v5 =	vunpack.c.0.s8.s32 v55;
	v0 =	vunpack.c.0.s8.s32 v54  }
0x18: {  	v2 =	vand.u32 $0xF, v1;
	v6 =	vmax.f32 v4, v56  }
0x19: {  	v0 =	vcombine.low v5, v0;
	v1 =	vperm.xlane v6, v2;
	_ =	sdelay $0x1  }
0x1a: {  	v57 =	vmax.f32 v6, v1;
	v1 =	vand.u32 $0xF, v0  }
0x1b: {  	v0 =	vperm.xlane v57, v1;
	_ =	sdelay $0x1  }
0x1c: {  	v0 =	vmax.f32 v57, v0  }
0x1d: {  	v0 =	vsub.f32 v4, v0;
	_ =	sdelay $0x1  }
0x1e: {  	v0 =	vmul.f32 $1.442695020e+00, v0;
	_ =	sdelay $0x1  }
0x1f: {  	(erf) = vpow2.f32 v0;
	_ =	sdelay $0x4  }
0x20: {  	v58 =	vld [tilespmem:$0x5C90];
	_ =	sdelay $0x3  }
0x21: {  	v59 =	vpop (erf)  }
0x22: {  	v61 =	vperm.xlane v58, v3;
	v60 =	vperm.xlane v59, v3;
	_ =	sdelay $0x1  }
0x23: {  	v6 =	vmax.f32 v58, v61;
	v5 =	vadd.f32 v59, v60  }
0x24: {  	v7 =	vperm.xlane v6, v2  }
0x25: {  	v8 =	vperm.xlane v5, v2  }
0x26: {  	v6 =	vmax.f32 v6, v7  }
0x27: {  	v7 =	vperm.xlane v6, v1;
	v5 =	vadd.f32 v5, v8;
	_ =	sdelay $0x1  }
0x28: {  	v6 =	vmax.f32 v6, v7;
	v8 =	vperm.xlane v5, v1  }
0x29: {  	v0 =	vsub.f32 v58, v6  }
0x2a: {  	v5 =	vadd.f32 v5, v8  }
0x2b: {  	v0 =	vmul.f32 $1.442695020e+00, v0  }
0x2c: {  	(erf) = vrcp.f32 v5  }
0x2d: {  	(erf) = vpow2.f32 v0;
	_ =	sdelay $0x4  }
0x2e: {  	v62 =	vld [tilespmem:$0x5CA0];
	_ =	sdelay $0x2  }
0x2f: {  	v5 =	vpop (erf)  }
0x30: {  	v63 =	vpop (erf)  }
0x31: {  	v23 =	vperm.xlane v62, v3;
	v22 =	vperm.xlane v63, v3;
	_ =	sdelay $0x1  }
0x32: {  	v8 =	vmax.f32 v62, v23;
	v7 =	vadd.f32 v63, v22  }
0x33: {  	v9 =	vperm.xlane v8, v2  }
0x34: {  	v10 =	vperm.xlane v7, v2  }
0x35: {  	v8 =	vmax.f32 v8, v9  }
0x36: {  	v9 =	vperm.xlane v8, v1;
	v7 =	vadd.f32 v7, v10;
	_ =	sdelay $0x1  }
0x37: {  	v8 =	vmax.f32 v8, v9;
	v10 =	vperm.xlane v7, v1  }
0x38: {  	v0 =	vsub.f32 v62, v8  }
0x39: {  	v7 =	vadd.f32 v7, v10  }
0x3a: {  	v0 =	vmul.f32 $1.442695020e+00, v0  }
0x3b: {  	(erf) = vrcp.f32 v7  }
0x3c: {  	(erf) = vpow2.f32 v0;
	_ =	sdelay $0x4  }
0x3d: {  	v24 =	vld [tilespmem:$0x5CB0];
	_ =	sdelay $0x2  }
0x3e: {  	v7 =	vpop (erf)  }
0x3f: {  	v25 =	vpop (erf)  }
0x40: {  	v27 =	vperm.xlane v24, v3;
	v26 =	vperm.xlane v25, v3;
	_ =	sdelay $0x1  }
0x41: {  	v10 =	vmax.f32 v24, v27;
	v9 =	vadd.f32 v25, v26  }
0x42: {  	v11 =	vperm.xlane v10, v2  }
0x43: {  	v12 =	vperm.xlane v9, v2  }
0x44: {  	v10 =	vmax.f32 v10, v11  }
0x45: {  	v11 =	vperm.xlane v10, v1;
	v9 =	vadd.f32 v9, v12;
	_ =	sdelay $0x1  }
0x46: {  	v10 =	vmax.f32 v10, v11;
	v12 =	vperm.xlane v9, v1  }
0x47: {  	v0 =	vsub.f32 v24, v10  }
0x48: {  	v9 =	vadd.f32 v9, v12  }
0x49: {  	v0 =	vmul.f32 $1.442695020e+00, v0  }
0x4a: {  	(erf) = vrcp.f32 v9  }
0x4b: {  	(erf) = vpow2.f32 v0;
	_ =	sdelay $0x4  }
0x4c: {  	v28 =	vld [tilespmem:$0x5CC0];
	_ =	sdelay $0x2  }
0x4d: {  	v9 =	vpop (erf)  }
0x4e: {  	v29 =	vpop (erf)  }
0x4f: {  	v31 =	vperm.xlane v28, v3;
	v30 =	vperm.xlane v29, v3;
	_ =	sdelay $0x1  }
0x50: {  	v12 =	vmax.f32 v28, v31;
	v11 =	vadd.f32 v29, v30  }
0x51: {  	v13 =	vperm.xlane v12, v2  }
0x52: {  	v14 =	vperm.xlane v11, v2  }
0x53: {  	v12 =	vmax.f32 v12, v13  }
0x54: {  	v13 =	vperm.xlane v12, v1;
	v11 =	vadd.f32 v11, v14;
	_ =	sdelay $0x1  }
0x55: {  	v12 =	vmax.f32 v12, v13;
	v14 =	vperm.xlane v11, v1  }
0x56: {  	v0 =	vsub.f32 v28, v12  }
0x57: {  	v11 =	vadd.f32 v11, v14  }
0x58: {  	v0 =	vmul.f32 $1.442695020e+00, v0  }
0x59: {  	(erf) = vrcp.f32 v11  }
0x5a: {  	(erf) = vpow2.f32 v0;
	_ =	sdelay $0x7  }
0x5b: {  	v16 =	vpop (erf)  }
0x5c: {  	v19 =	vpop (erf)  }
0x5d: {  	v32 =	vperm.xlane v19, v3;
	_ =	sdelay $0x1  }
0x5e: {  	v0 =	vadd.f32 v19, v32;
	_ =	sdelay $0x1  }
0x5f: {  	v33 =	vperm.xlane v0, v2;
	_ =	sdelay $0x1  }
0x60: {  	v0 =	vadd.f32 v0, v33;
	_ =	sdelay $0x1  }
0x61: {  	v11 =	vperm.xlane v0, v1;
	_ =	sdelay $0x1  }
0x62: {  	v0 =	vadd.f32 v0, v11;
	_ =	sdelay $0x1  }
0x63: {  	(erf) = vrcp.f32 v0;
	_ =	sdelay $0x5  }
0x64: {  	v20 =	vlaneseq.u32  }
0x65: {  	s24 =	sshll.u32 s3, $0x3;
	v34 =	vand.u32 $0x7, v20  }
0x66: {  	v0 =	vor.u32 s24, v34  }
0x67: {  	s25 =	simm.s32 $0x3;
	v21 =	vpop (erf)  }
0x68: {  	_ =	swait.ge [sflag:s25], $0x80  }
0x69: {  	[sflag:s25] =	ssyncset.done $0x0  }
0x6a: {  	s26 =	simm.s32 $0x4;
	[sflag:s25] =	ssyncadd.s32 $0xFFFFFF80  }
0x6b: {  	v0 =	vld.idx.msk [tilespmem:v0+s21+$0x0], $0xffff;
	_ =	swait.ge [sflag:s26], $0x80  }
0x6c: {  	[sflag:s26] =	ssyncset.done $0x0  }
0x6d: {  	[sflag:s26] =	ssyncadd.s32 $0xFFFFFF80  }
0x6e: {  	v18 =	vld [tilespmem:$0x5C00];
	_ =	sdelay $0x1  }
0x6f: {  	v17 =	vld [tilespmem:$0x5C10]  }
0x70: {  	v15 =	vld [tilespmem:$0x5C20]  }
0x71: {  	s28 =	simm.s32 $0x1;
	v13 =	vld [tilespmem:$0x5C30]  }
0x72: {  	v12 =	vld [tilespmem:$0x5C40];
	_ =	swait.ge [sflag:s28], $0x5C00  }
0x73: {  	[sflag:s28] =	ssyncset.done $0x0  }
0x74: {  	[sflag:s28] =	ssyncadd.s32 $0xFFFFA400  }
0x75: {  	v22 =	vld.idx.msk [tilespmem:v18+s4+$0x0], $0xffff;
	_ =	sdelay $0x1  }
0x76: {  	v23 =	vld.idx.msk [tilespmem:v17+s4+$0x0], $0xffff  }
0x77: {  	v14 =	vmul.f32 v5, v59  }
0x78: {  	v35 =	vld.idx.msk [tilespmem:v15+s4+$0x0], $0xffff  }
0x79: {  	v11 =	vmul.f32 v7, v63;
	v37 =	vld.idx.msk [tilespmem:v13+s4+$0x0], $0xffff;
	v4 =	vmul.f32 v22, v14  }
0x7a: {  	v9 =	vmul.f32 v9, v25  }
0x7b: {  	v39 =	vld.idx.msk [tilespmem:v12+s4+$0x0], $0xffff;
	v7 =	vmul.f32 v23, v11;
	v36 =	vperm.xlane v4, v3  }
0x7c: {  	v10 =	vmul.f32 v16, v29  }
0x7d: {  	v5 =	vmul.f32 v35, v9;
	v38 =	vperm.xlane v7, v3;
	v4 =	vadd.f32 v36, v4  }
0x7e: {  	v8 =	vmul.f32 v21, v19;
	v42 =	vmul.f32 v37, v10  }
0x7f: {  	v41 =	vperm.xlane v5, v3;
	v6 =	vadd.f32 v38, v7;
	v40 =	vperm.xlane v4, v2  }
0x80: {  	v21 =	vmul.f32 v39, v8;
	v44 =	vperm.xlane v42, v3  }
0x81: {  	v5 =	vadd.f32 v41, v5;
	v43 =	vperm.xlane v6, v2;
	v4 =	vadd.f32 v40, v4  }
0x82: {  	v20 =	vand.u32 $0x1, v20;
	v47 =	vperm.xlane v21, v3;
	v7 =	vadd.f32 v44, v42  }
0x83: {  	v46 =	vperm.xlane v5, v2;
	v16 =	vadd.f32 v43, v6;
	v45 =	vperm.xlane v4, v1  }
0x84: {  	v19 =	vadd.f32 v47, v21;
	v49 =	vperm.xlane v7, v2;
	v6 =	vmul.u32 $0x8, v20  }
0x85: {  	v5 =	vadd.f32 v46, v5;
	v48 =	vperm.xlane v16, v1;
	v4 =	vadd.f32 v45, v4  }
0x86: {  	v21 =	vperm.xlane v19, v2;
	v7 =	vadd.f32 v49, v7  }
0x87: {  	v50 =	vperm.xlane v5, v1;
	v16 =	vadd.f32 v48, v16;
	v4 =	vperm.xlane v4, v6  }
0x88: {  	vm0 =	vmmov $0x3;
	v19 =	vadd.f32 v21, v19;
	v51 =	vperm.xlane v7, v1  }
0x89: {  	v5 =	vadd.f32 v50, v5;
	v16 =	vperm.xlane v16, v6;
	v4 =	vnsel vm0, $0x0, v4  }
0x8a: {  	vm1 =	vcmask $0x710;
	v52 =	vperm.xlane v19, v1;
	v4 =	vadd.f32 $0.0e+00, v4  }
0x8b: {  	v7 =	vadd.f32 v51, v7;
	v5 =	vperm.xlane v5, v6;
	v16 =	vsel vm1, $0x0, v16  }
0x8c: {  	vm4 =	vcmask $0xF18;
	v56 =	vadd.s32 $0xB80, v18;
	v4 =	vadd.f32 v16, v4  }
0x8d: {  	v53 =	vadd.f32 v52, v19;
	v7 =	vperm.xlane v7, v6;
	v5 =	vsel vm4, $0x0, v5  }
0x8e: {  	vm5 =	vcmask $0x1720;
	v4 =	vadd.f32 v5, v4  }
0x8f: {  	v63 =	vadd.s32 $0xB80, v13;
	v55 =	vperm.xlane v53, v6;
	v54 =	vsel vm5, $0x0, v7  }
0x90: {  	vm3 =	vcmask $0x1F28;
	v58 =	vadd.s32 $0xB80, v17;
	v4 =	vadd.f32 v54, v4  }
0x91: {  	v61 =	vadd.s32 $0xB80, v15;
	v57 =	vsel vm3, $0x0, v55  }
0x92: {  	v16 =	vld.idx.msk [tilespmem:v56+s4+$0x0], $0xffff;
	v5 =	vadd.f32 v57, v4  }
0x93: {  	vm2 =	vmmov $0x3ff  }
0x94: {  	v22 =	vld.idx.msk [tilespmem:v63+s4+$0x0], $0xffff;
	v59 =	vnsel vm2, $0xF149F2CA, v5  }
0x95: {  	v62 =	vimm.s32 $0xFEDCBA98;
	v4 =	vld.idx.msk [tilespmem:v58+s4+$0x0], $0xffff;
	v60 =	vperm.xlane v59, v3  }
0x96: {  	v24 =	vimm.s32 $0x76543210;
	v25 =	vadd.s32 $0xB80, v12;
	v21 =	vunpack.c.l.s4.s8 v62;
	v20 =	vld.idx.msk [tilespmem:v61+s4+$0x0], $0xffff  }
0x97: {  	v24 =	vunpack.c.l.s4.s8 v24;
	v16 =	vmul.f32 v16, v14;
	v7 =	vmax.f32 v59, v60  }
0x98: {  	v21 =	vunpack.c.0.s8.s32 v21;
	v29 =	vperm.xlane v7, v2  }
0x99: {  	v24 =	vunpack.c.0.s8.s32 v24;
	v22 =	vmul.f32 v22, v10;
	v26 =	vperm.xlane v16, v3  }
0x9a: {  	v21 =	vand.u32 $0xF, v21;
	v27 =	vmul.f32 v4, v11;
	v7 =	vmax.f32 v7, v29  }
0x9b: {  	v31 =	vld.idx.msk [tilespmem:v25+s4+$0x0], $0xffff;
	v20 =	vmul.f32 v20, v9;
	v16 =	vadd.f32 v26, v16;
	v23 =	vperm.xlane v7, v1  }
0x9c: {  	v4 =	vcombine.low v21, v24;
	v30 =	vperm.xlane v27, v3  }
0x9d: {  	v33 =	vperm.xlane v20, v3;
	v32 =	vperm.xlane v16, v2;
	v7 =	vmax.f32 v7, v23  }
0x9e: {  	v21 =	vadd.f32 v30, v27;
	v24 =	vperm.xlane v7, v4  }
0x9f: {  	v35 =	vperm.xlane v22, v3;
	v20 =	vadd.f32 v33, v20;
	v16 =	vadd.f32 v32, v16  }
0xa0: {  	v34 =	vperm.xlane v21, v2;
	v23 =	vmul.f32 v31, v8;
	v7 =	vmax.f32 v7, v24  }
0xa1: {  	v22 =	vadd.f32 v35, v22;
	v37 =	vperm.xlane v20, v2;
	v19 =	vsub.f32 v59, v7  }
0xa2: {  	v36 =	vperm.xlane v16, v1;
	v21 =	vadd.f32 v34, v21;
	v38 =	vperm.xlane v23, v3  }
0xa3: {  	v40 =	vperm.xlane v22, v2;
	v20 =	vadd.f32 v37, v20;
	v19 =	vmul.f32 $1.442695020e+00, v19  }
0xa4: {  	v16 =	vadd.f32 v36, v16;
	v39 =	vperm.xlane v21, v1;
	v23 =	vadd.f32 v38, v23  }
0xa5: {  	v22 =	vadd.f32 v40, v22;
	v41 =	vperm.xlane v20, v1;
	(erf) = vpow2.f32 v19  }
0xa6: {  	v16 =	vperm.xlane v16, v6;
	v24 =	vperm.xlane v23, v2;
	v19 =	vadd.f32 v39, v21  }
0xa7: {  	v42 =	vperm.xlane v22, v1;
	v56 =	vadd.s32 $0x1700, v15;
	v20 =	vadd.f32 v41, v20  }
0xa8: {  	v16 =	vnsel vm0, $0x0, v16;
	v23 =	vadd.f32 v24, v23;
	v19 =	vperm.xlane v19, v6  }
0xa9: {  	v20 =	vperm.xlane v20, v6;
	v16 =	vadd.f32 $0.0e+00, v16  }
0xaa: {  	v21 =	vadd.f32 v42, v22;
	v43 =	vperm.xlane v23, v1;
	v19 =	vsel vm1, $0x0, v19  }
0xab: {  	v16 =	vadd.f32 v19, v16  }
0xac: {  	v20 =	vsel vm4, $0x0, v20;
	v21 =	vperm.xlane v21, v6;
	v22 =	vadd.f32 v43, v23  }
0xad: {  	v25 =	vld.idx.msk [tilespmem:v56+s4+$0x0], $0xffff;
	v16 =	vadd.f32 v20, v16  }
0xae: {  	v46 =	vsel vm5, $0x0, v21;
	v47 =	vperm.xlane v22, v6;
	v44 =	vpop (erf)  }
0xaf: {  	v50 =	vadd.s32 $0x1700, v18;
	v16 =	vadd.f32 v46, v16;
	v45 =	vperm.xlane v44, v3  }
0xb0: {  	v58 =	vadd.s32 $0x1700, v13;
	v48 =	vsel vm3, $0x0, v47  }
0xb1: {  	v16 =	vadd.f32 v48, v16;
	v19 =	vadd.f32 v44, v45  }
0xb2: {  	v53 =	vadd.s32 $0x1700, v17;
	v25 =	vmul.f32 v25, v9  }
0xb3: {  	v51 =	vnsel vm2, $0xF149F2CA, v16;
	v49 =	vperm.xlane v19, v2  }
0xb4: {  	v63 =	vperm.xlane v25, v3;
	v59 =	vadd.s32 $0x1700, v12;
	v20 =	vld.idx.msk [tilespmem:v50+s4+$0x0], $0xffff;
	v52 =	vperm.xlane v51, v3  }
0xb5: {  	v27 =	vld.idx.msk [tilespmem:v58+s4+$0x0], $0xffff;
	v19 =	vadd.f32 v19, v49  }
0xb6: {  	v25 =	vadd.f32 v63, v25;
	v21 =	vmax.f32 v51, v52  }
0xb7: {  	v23 =	vld.idx.msk [tilespmem:v53+s4+$0x0], $0xffff;
	v55 =	vperm.xlane v21, v2;
	v54 =	vperm.xlane v19, v1  }
0xb8: {  	v34 =	vperm.xlane v25, v2  }
0xb9: {  	v26 =	vld.idx.msk [tilespmem:v59+s4+$0x0], $0xffff;
	v20 =	vmul.f32 v20, v14;
	v24 =	vmax.f32 v21, v55;
	v19 =	vadd.f32 v19, v54  }
0xba: {  	v27 =	vmul.f32 v27, v10;
	v28 =	vperm.xlane v24, v1  }
0xbb: {  	v29 =	vperm.xlane v20, v3;
	v57 =	vperm.xlane v19, v4  }
0xbc: {  	v33 =	vperm.xlane v27, v3;
	v23 =	vmul.f32 v23, v11;
	v60 =	vmax.f32 v24, v28  }
0xbd: {  	v20 =	vadd.f32 v29, v20;
	v28 =	vperm.xlane v60, v4;
	v21 =	vadd.f32 v19, v57  }
0xbe: {  	v26 =	vmul.f32 v26, v8;
	v62 =	vperm.xlane v23, v3  }
0xbf: {  	v29 =	vperm.xlane v20, v2;
	v19 =	vmax.f32 v60, v28;
	v61 =	vand.u32 $0x7FFFFF, v21  }
0xc0: {  	v23 =	vadd.f32 v62, v23;
	v22 =	vsub.f32 v51, v19;
	v24 =	vor.u32 $0x3F800000, v61  }
0xc1: {  	v35 =	vperm.xlane v26, v3;
	v20 =	vadd.f32 v29, v20;
	v30 =	vadd.f32 $1.000000000e+00, v24  }
0xc2: {  	v32 =	vperm.xlane v23, v2;
	v22 =	vmul.f32 $1.442695020e+00, v22  }
0xc3: {  	v29 =	vperm.xlane v20, v1;
	(erf) = vrcp.f32 v30  }
0xc4: {  	v27 =	vadd.f32 v33, v27;
	(erf) = vpow2.f32 v22;
	v22 =	vadd.f32 v32, v23  }
0xc5: {  	v26 =	vadd.f32 v35, v26;
	v20 =	vadd.f32 v29, v20  }
0xc6: {  	v37 =	vperm.xlane v27, v2;
	v23 =	vadd.f32 v34, v25;
	v36 =	vperm.xlane v22, v1  }
0xc7: {  	v39 =	vperm.xlane v26, v2;
	v20 =	vperm.xlane v20, v6  }
0xc8: {  	v25 =	vadd.f32 v37, v27;
	v38 =	vperm.xlane v23, v1;
	v22 =	vadd.f32 v36, v22  }
0xc9: {  	v26 =	vadd.f32 v39, v26;
	v20 =	vnsel vm0, $0x0, v20  }
0xca: {  	v41 =	vperm.xlane v25, v1;
	v23 =	vadd.f32 v38, v23;
	v22 =	vperm.xlane v22, v6  }
0xcb: {  	v48 =	vadd.s32 $0x2280, v18;
	v43 =	vperm.xlane v26, v1;
	v20 =	vadd.f32 $0.0e+00, v20  }
0xcc: {  	v25 =	vadd.f32 v41, v25;
	v23 =	vperm.xlane v23, v6;
	v27 =	vpop (erf);
	v22 =	vsel vm1, $0x0, v22  }
0xcd: {  	v49 =	vadd.s32 $0x2280, v17;
	v46 =	vadd.f32 v43, v26;
	v40 =	vpop (erf);
	v20 =	vadd.f32 v22, v20  }
0xce: {  	v45 =	vperm.xlane v25, v6;
	v44 =	vsel vm4, $0x0, v23;
	v42 =	vperm.xlane v40, v3  }
0xcf: {  	v53 =	vadd.s32 $0x2280, v15;
	v20 =	vadd.f32 v44, v20  }
0xd0: {  	v25 =	vperm.xlane v46, v6;
	v23 =	vsel vm5, $0x0, v45;
	v29 =	vadd.f32 v40, v42  }
0xd1: {  	v20 =	vadd.f32 v23, v20  }
0xd2: {  	v55 =	vadd.s32 $0x2280, v12;
	v31 =	vld.idx.msk [tilespmem:v49+s4+$0x0], $0xffff;
	v25 =	vsel vm3, $0x0, v25;
	v47 =	vperm.xlane v29, v2  }
0xd3: {  	v32 =	vadd.s32 $0x2280, v13;
	v23 =	vld.idx.msk [tilespmem:v48+s4+$0x0], $0xffff;
	v20 =	vadd.f32 v25, v20  }
0xd4: {  	v56 =	vld.idx.msk [tilespmem:v53+s4+$0x0], $0xffff;
	v22 =	vadd.f32 v29, v47  }
0xd5: {  	v51 =	vnsel vm2, $0xF149F2CA, v20  }
0xd6: {  	v50 =	vperm.xlane v22, v1;
	v52 =	vperm.xlane v51, v3  }
0xd7: {  	v59 =	vld.idx.msk [tilespmem:v55+s4+$0x0], $0xffff;
	v31 =	vmul.f32 v31, v11  }
0xd8: {  	v32 =	vld.idx.msk [tilespmem:v32+s4+$0x0], $0xffff;
	v23 =	vmul.f32 v23, v14;
	v22 =	vadd.f32 v22, v50;
	v26 =	vmax.f32 v51, v52  }
0xd9: {  	v30 =	vmul.f32 v56, v9;
	v33 =	vperm.xlane v26, v2  }
0xda: {  	v34 =	vperm.xlane v23, v3;
	v54 =	vperm.xlane v22, v4  }
0xdb: {  	v58 =	vperm.xlane v31, v3;
	v62 =	vperm.xlane v30, v3;
	v26 =	vmax.f32 v26, v33  }
0xdc: {  	v23 =	vadd.f32 v34, v23;
	v25 =	vadd.f32 v22, v54;
	v33 =	vperm.xlane v26, v1  }
0xdd: {  	v31 =	vadd.f32 v58, v31;
	v32 =	vmul.f32 v32, v10;
	v34 =	vmul.f32 v59, v8  }
0xde: {  	v61 =	vperm.xlane v23, v2;
	v57 =	vand.u32 $0x7FFFFF, v25;
	v26 =	vmax.f32 v26, v33  }
0xdf: {  	v63 =	vperm.xlane v32, v3;
	v29 =	vor.u32 $0x3F800000, v57;
	v60 =	vperm.xlane v26, v4  }
0xe0: {  	v37 =	vperm.xlane v34, v3;
	v23 =	vadd.f32 v61, v23;
	v35 =	vadd.f32 $1.000000000e+00, v29  }
0xe1: {  	v33 =	vperm.xlane v31, v2;
	v22 =	vmax.f32 v26, v60;
	v26 =	vadd.f32 v62, v30  }
0xe2: {  	v30 =	vadd.f32 v63, v32;
	(erf) = vrcp.f32 v35;
	v28 =	vsub.f32 v51, v22  }
0xe3: {  	v31 =	vadd.f32 v33, v31;
	v35 =	vperm.xlane v23, v1;
	v36 =	vperm.xlane v26, v2  }
0xe4: {  	v32 =	vadd.f32 v37, v34;
	v39 =	vperm.xlane v30, v2;
	v28 =	vmul.f32 $1.442695020e+00, v28  }
0xe5: {  	v38 =	vperm.xlane v31, v1;
	v23 =	vadd.f32 v35, v23;
	v26 =	vadd.f32 v36, v26  }
0xe6: {  	v41 =	vperm.xlane v32, v2;
	v30 =	vadd.f32 v39, v30;
	(erf) = vpow2.f32 v28  }
0xe7: {  	v23 =	vperm.xlane v23, v6;
	v28 =	vadd.f32 v38, v31;
	v40 =	vperm.xlane v26, v1  }
0xe8: {  	v32 =	vadd.f32 v41, v32;
	v42 =	vperm.xlane v30, v1  }
0xe9: {  	v23 =	vnsel vm0, $0x0, v23;
	v28 =	vperm.xlane v28, v6;
	v26 =	vadd.f32 v40, v26  }
0xea: {  	v43 =	vperm.xlane v32, v1;
	v23 =	vadd.f32 $0.0e+00, v23  }
0xeb: {  	v30 =	vadd.f32 v42, v30;
	v28 =	vsel vm1, $0x0, v28;
	v26 =	vperm.xlane v26, v6  }
0xec: {  	v23 =	vadd.f32 v28, v23  }
0xed: {  	v45 =	vadd.f32 v43, v32;
	v44 =	vperm.xlane v30, v6;
	v26 =	vsel vm4, $0x0, v26  }
0xee: {  	v33 =	vpop (erf);
	v23 =	vadd.f32 v26, v23  }
0xef: {  	v30 =	vperm.xlane v45, v6;
	v28 =	vsel vm5, $0x0, v44;
	v46 =	vpop (erf)  }
0xf0: {  	v47 =	vperm.xlane v46, v3;
	v23 =	vadd.f32 v28, v23  }
0xf1: {  	v54 =	vadd.s32 $0x2E00, v17;
	v48 =	vsel vm3, $0x0, v30  }
0xf2: {  	v26 =	vadd.f32 v46, v47;
	v23 =	vadd.f32 v48, v23  }
0xf3: {  	v52 =	vadd.s32 $0x2E00, v18  }
0xf4: {  	v57 =	vadd.s32 $0x2E00, v15;
	v49 =	vperm.xlane v26, v2;
	v50 =	vnsel vm2, $0xF149F2CA, v23  }
0xf5: {  	v37 =	vadd.s32 $0x2E00, v13;
	v51 =	vperm.xlane v50, v3  }
0xf6: {  	v34 =	vld.idx.msk [tilespmem:v54+s4+$0x0], $0xffff;
	v26 =	vadd.f32 v26, v49  }
0xf7: {  	v28 =	vmax.f32 v50, v51  }
0xf8: {  	v56 =	vld.idx.msk [tilespmem:v52+s4+$0x0], $0xffff;
	v53 =	vperm.xlane v26, v1;
	v55 =	vperm.xlane v28, v2  }
0xf9: {  	v39 =	vld.idx.msk [tilespmem:v57+s4+$0x0], $0xffff  }
0xfa: {  	v37 =	vld.idx.msk [tilespmem:v37+s4+$0x0], $0xffff;
	v26 =	vadd.f32 v26, v53;
	v28 =	vmax.f32 v28, v55  }
0xfb: {  	v60 =	vadd.s32 $0x2E00, v12;
	v34 =	vmul.f32 v34, v11;
	v36 =	vperm.xlane v28, v1  }
0xfc: {  	v58 =	vperm.xlane v26, v4  }
0xfd: {  	v62 =	vperm.xlane v34, v3;
	v32 =	vmul.f32 v56, v14;
	v59 =	vmax.f32 v28, v36  }
0xfe: {  	v63 =	vmul.f32 v39, v9;
	v30 =	vadd.f32 v26, v58;
	v28 =	vperm.xlane v59, v4  }
0xff: {  	v61 =	vperm.xlane v32, v3;
	v37 =	vmul.f32 v37, v10  }
0x100: {  	v41 =	vperm.xlane v63, v3;
	v36 =	vld.idx.msk [tilespmem:v60+s4+$0x0], $0xffff;
	v38 =	vand.u32 $0x7FFFFF, v30;
	v26 =	vmax.f32 v59, v28  }
0x101: {  	v31 =	vadd.f32 v61, v32;
	v35 =	vor.u32 $0x3F800000, v38;
	v28 =	vsub.f32 v50, v26  }
0x102: {  	v32 =	vadd.f32 v62, v34;
	v43 =	vperm.xlane v37, v3;
	v38 =	vadd.f32 $1.000000000e+00, v35  }
0x103: {  	v40 =	vperm.xlane v31, v2;
	v28 =	vmul.f32 $1.442695020e+00, v28  }
0x104: {  	v34 =	vadd.f32 v41, v63;
	v42 =	vperm.xlane v32, v2;
	(erf) = vrcp.f32 v38  }
0x105: {  	v36 =	vmul.f32 v36, v8;
	(erf) = vpow2.f32 v28;
	v28 =	vadd.f32 v40, v31  }
0x106: {  	v45 =	vperm.xlane v34, v2;
	v38 =	vadd.f32 v43, v37  }
0x107: {  	v46 =	vperm.xlane v36, v3;
	v31 =	vadd.f32 v42, v32;
	v44 =	vperm.xlane v28, v1  }
0x108: {  	v32 =	vadd.f32 v45, v34;
	v48 =	vperm.xlane v38, v2  }
0x109: {  	v36 =	vadd.f32 v46, v36;
	v47 =	vperm.xlane v31, v1;
	v28 =	vadd.f32 v44, v28  }
0x10a: {  	v40 =	vperm.xlane v32, v1;
	v34 =	vadd.f32 v48, v38  }
0x10b: {  	v50 =	vperm.xlane v36, v2;
	v31 =	vadd.f32 v47, v31;
	v28 =	vperm.xlane v28, v6  }
0x10c: {  	v61 =	vadd.s32 $0x3980, v15;
	v32 =	vadd.f32 v40, v32;
	v51 =	vperm.xlane v34, v1  }
0x10d: {  	v36 =	vadd.f32 v50, v36;
	v31 =	vperm.xlane v31, v6;
	v37 =	vpop (erf);
	v28 =	vnsel vm0, $0x0, v28  }
0x10e: {  	v32 =	vperm.xlane v32, v6;
	v34 =	vadd.f32 v51, v34;
	v49 =	vpop (erf);
	v28 =	vadd.f32 $0.0e+00, v28  }
0x10f: {  	v53 =	vperm.xlane v36, v1;
	v31 =	vsel vm1, $0x0, v31;
	v41 =	vperm.xlane v49, v3  }
0x110: {  	v59 =	vadd.s32 $0x3980, v18;
	v55 =	vsel vm4, $0x0, v32;
	v28 =	vadd.f32 v31, v28  }
0x111: {  	v56 =	vperm.xlane v34, v6;
	v57 =	vadd.f32 v53, v36;
	v52 =	vadd.f32 v49, v41  }
0x112: {  	v60 =	vadd.s32 $0x3980, v17;
	v28 =	vadd.f32 v55, v28  }
0x113: {  	v32 =	vsel vm5, $0x0, v56;
	v34 =	vperm.xlane v57, v6;
	v54 =	vperm.xlane v52, v2  }
0x114: {  	v28 =	vadd.f32 v32, v28  }
0x115: {  	v44 =	vld.idx.msk [tilespmem:v61+s4+$0x0], $0xffff;
	v49 =	vadd.s32 $0x3980, v13;
	v34 =	vsel vm3, $0x0, v34;
	v58 =	vadd.f32 v52, v54  }
0x116: {  	v51 =	vadd.s32 $0x3980, v12;
	v31 =	vld.idx.msk [tilespmem:v59+s4+$0x0], $0xffff;
	v28 =	vadd.f32 v34, v28  }
0x117: {  	v32 =	vld.idx.msk [tilespmem:v60+s4+$0x0], $0xffff;
	v38 =	vperm.xlane v58, v1  }
0x118: {  	v63 =	vnsel vm2, $0xF149F2CA, v28  }
0x119: {  	v36 =	vadd.f32 v58, v38;
	v48 =	vperm.xlane v63, v3  }
0x11a: {  	v55 =	vmul.f32 v44, v9;
	v41 =	vld.idx.msk [tilespmem:v49+s4+$0x0], $0xffff  }
0x11b: {  	v40 =	vld.idx.msk [tilespmem:v51+s4+$0x0], $0xffff;
	v31 =	vmul.f32 v31, v14;
	v62 =	vperm.xlane v36, v4;
	v50 =	vmax.f32 v63, v48  }
0x11c: {  	v32 =	vmul.f32 v32, v11;
	v43 =	vperm.xlane v50, v2  }
0x11d: {  	v46 =	vperm.xlane v55, v3;
	v34 =	vadd.f32 v36, v62  }
0x11e: {  	v52 =	vperm.xlane v31, v3;
	v54 =	vperm.xlane v32, v3;
	v36 =	vmax.f32 v50, v43  }
0x11f: {  	v41 =	vmul.f32 v41, v10;
	v42 =	vand.u32 $0x7FFFFF, v34;
	v45 =	vperm.xlane v36, v1  }
0x120: {  	v40 =	vmul.f32 v40, v8;
	v38 =	vor.u32 $0x3F800000, v42;
	v42 =	vadd.f32 v52, v31  }
0x121: {  	v32 =	vadd.f32 v54, v32;
	v60 =	vperm.xlane v41, v3;
	v36 =	vmax.f32 v36, v45  }
0x122: {  	v56 =	vperm.xlane v36, v4;
	v57 =	vperm.xlane v42, v2  }
0x123: {  	v62 =	vperm.xlane v40, v3;
	v43 =	vadd.f32 v46, v55;
	v59 =	vperm.xlane v32, v2  }
0x124: {  	v41 =	vadd.f32 v60, v41;
	v31 =	vmax.f32 v36, v56;
	v58 =	vadd.f32 v57, v42  }
0x125: {  	v61 =	vperm.xlane v43, v2;
	v53 =	vadd.f32 $1.000000000e+00, v38;
	v39 =	vsub.f32 v63, v31  }
0x126: {  	v32 =	vadd.f32 v59, v32;
	v48 =	vperm.xlane v41, v2;
	v45 =	vperm.xlane v58, v1  }
0x127: {  	v40 =	vadd.f32 v62, v40;
	(erf) = vrcp.f32 v53;
	v39 =	vmul.f32 $1.442695020e+00, v39  }
0x128: {  	v42 =	vadd.f32 v61, v43;
	v63 =	vperm.xlane v32, v1;
	v36 =	vadd.f32 v45, v58  }
0x129: {  	v50 =	vperm.xlane v40, v2;
	v41 =	vadd.f32 v48, v41;
	(erf) = vpow2.f32 v39  }
0x12a: {  	v49 =	vperm.xlane v42, v1;
	v32 =	vadd.f32 v63, v32;
	v36 =	vperm.xlane v36, v6  }
0x12b: {  	v40 =	vadd.f32 v50, v40;
	v51 =	vperm.xlane v41, v1  }
0x12c: {  	v32 =	vperm.xlane v32, v6;
	v39 =	vadd.f32 v49, v42;
	v36 =	vnsel vm0, $0x0, v36  }
0x12d: {  	v52 =	vperm.xlane v40, v1;
	v36 =	vadd.f32 $0.0e+00, v36  }
0x12e: {  	v41 =	vadd.f32 v51, v41;
	v32 =	vsel vm1, $0x0, v32;
	v39 =	vperm.xlane v39, v6  }
0x12f: {  	v32 =	vadd.f32 v32, v36  }
0x130: {  	v55 =	vadd.f32 v52, v40;
	v54 =	vperm.xlane v41, v6;
	v53 =	vsel vm4, $0x0, v39  }
0x131: {  	v40 =	vpop (erf);
	v32 =	vadd.f32 v53, v32  }
0x132: {  	v57 =	vperm.xlane v55, v6;
	v56 =	vsel vm5, $0x0, v54;
	v58 =	vpop (erf)  }
0x133: {  	v32 =	vadd.f32 v56, v32;
	v59 =	vperm.xlane v58, v3  }
0x134: {  	v50 =	vadd.s32 $0x4500, v17;
	v39 =	vsel vm3, $0x0, v57  }
0x135: {  	v48 =	vadd.s32 $0x4500, v18;
	v32 =	vadd.f32 v39, v32;
	v36 =	vadd.f32 v58, v59;
	_ =	sdelay $0x1  }
0x136: {  	v52 =	vadd.s32 $0x4500, v15;
	v60 =	vnsel vm2, $0xF149F2CA, v32;
	v61 =	vperm.xlane v36, v2  }
0x137: {  	v55 =	vadd.s32 $0x4500, v12;
	v62 =	vperm.xlane v60, v3  }
0x138: {  	v44 =	vld.idx.msk [tilespmem:v50+s4+$0x0], $0xffff;
	v36 =	vadd.f32 v36, v61  }
0x139: {  	v42 =	vld.idx.msk [tilespmem:v48+s4+$0x0], $0xffff;
	v63 =	vmax.f32 v60, v62  }
0x13a: {  	v47 =	vadd.s32 $0x4500, v13;
	v49 =	vperm.xlane v63, v2;
	v51 =	vperm.xlane v36, v1  }
0x13b: {  	v43 =	vld.idx.msk [tilespmem:v52+s4+$0x0], $0xffff  }
0x13c: {  	v46 =	vld.idx.msk [tilespmem:v55+s4+$0x0], $0xffff;
	v39 =	vmax.f32 v63, v49;
	v36 =	vadd.f32 v36, v51  }
0x13d: {  	v44 =	vmul.f32 v44, v11;
	v53 =	vperm.xlane v39, v1  }
0x13e: {  	v42 =	vmul.f32 v42, v14;
	v54 =	vperm.xlane v36, v4  }
0x13f: {  	v57 =	vld.idx.msk [tilespmem:v47+s4+$0x0], $0xffff;
	v50 =	vperm.xlane v44, v3;
	v45 =	vmax.f32 v39, v53  }
0x140: {  	v49 =	vperm.xlane v42, v3;
	v48 =	vperm.xlane v45, v4;
	v39 =	vadd.f32 v36, v54  }
0x141: {  	v43 =	vmul.f32 v43, v9;
	v44 =	vadd.f32 v50, v44;
	v46 =	vmul.f32 v46, v8  }
0x142: {  	v42 =	vadd.f32 v49, v42;
	v36 =	vmax.f32 v45, v48;
	v56 =	vand.u32 $0x7FFFFF, v39  }
0x143: {  	v59 =	vperm.xlane v43, v3;
	v48 =	vsub.f32 v60, v36;
	v41 =	vor.u32 $0x3F800000, v56  }
0x144: {  	v45 =	vmul.f32 v57, v10;
	v60 =	vperm.xlane v42, v2;
	v58 =	vadd.f32 $1.000000000e+00, v41  }
0x145: {  	v43 =	vadd.f32 v59, v43;
	v61 =	vperm.xlane v44, v2;
	v48 =	vmul.f32 $1.442695020e+00, v48  }
0x146: {  	v62 =	vperm.xlane v45, v3;
	v42 =	vadd.f32 v60, v42;
	(erf) = vrcp.f32 v58  }
0x147: {  	v44 =	vadd.f32 v61, v44;
	v63 =	vperm.xlane v43, v2;
	(erf) = vpow2.f32 v48  }
0x148: {  	v53 =	vperm.xlane v46, v3;
	v45 =	vadd.f32 v62, v45;
	v52 =	vperm.xlane v42, v1  }
0x149: {  	v43 =	vadd.f32 v63, v43;
	v54 =	vperm.xlane v44, v1  }
0x14a: {  	v46 =	vadd.f32 v53, v46;
	v56 =	vperm.xlane v45, v2;
	v55 =	vadd.f32 v52, v42  }
0x14b: {  	v18 =	vadd.s32 $0x5080, v18;
	v44 =	vadd.f32 v54, v44;
	v57 =	vperm.xlane v43, v1  }
0x14c: {  	v59 =	vperm.xlane v46, v2;
	v45 =	vadd.f32 v56, v45;
	v48 =	vperm.xlane v55, v6  }
0x14d: {  	v15 =	vadd.s32 $0x5080, v15;
	v43 =	vadd.f32 v57, v43;
	v44 =	vperm.xlane v44, v6  }
0x14e: {  	v46 =	vadd.f32 v59, v46;
	v61 =	vperm.xlane v45, v1;
	v48 =	vnsel vm0, $0x0, v48  }
0x14f: {  	v54 =	vadd.s32 $0x5080, v17;
	v43 =	vperm.xlane v43, v6;
	v48 =	vadd.f32 $0.0e+00, v48;
	v42 =	vpop (erf)  }
0x150: {  	v44 =	vsel vm1, $0x0, v44;
	v62 =	vperm.xlane v46, v1;
	v45 =	vadd.f32 v61, v45;
	v58 =	vpop (erf)  }
0x151: {  	v43 =	vsel vm4, $0x0, v43;
	v44 =	vadd.f32 v44, v48;
	v60 =	vperm.xlane v58, v3  }
0x152: {  	v18 =	vld.idx.msk [tilespmem:v18+s4+$0x0], $0xffff;
	v46 =	vadd.f32 v62, v46;
	v61 =	vadd.s32 $0x5080, v12;
	v45 =	vperm.xlane v45, v6  }
0x153: {  	v43 =	vadd.f32 v43, v44;
	v47 =	vadd.f32 v58, v60  }
0x154: {  	v52 =	vperm.xlane v46, v6;
	v51 =	vsel vm5, $0x0, v45  }
0x155: {  	v15 =	vld.idx.msk [tilespmem:v15+s4+$0x0], $0xffff;
	v43 =	vadd.f32 v51, v43;
	v63 =	vperm.xlane v47, v2  }
0x156: {  	v55 =	vsel vm3, $0x0, v52;
	v44 =	vld.idx.msk [tilespmem:v54+s4+$0x0], $0xffff  }
0x157: {  	v14 =	vmul.f32 v18, v14;
	v45 =	vld.idx.msk [tilespmem:v61+s4+$0x0], $0xffff;
	v17 =	vadd.f32 v55, v43;
	v47 =	vadd.f32 v47, v63  }
0x158: {  	v59 =	vadd.s32 $0x5080, v13  }
0x159: {  	v52 =	vperm.xlane v14, v3;
	v46 =	vnsel vm2, $0xF149F2CA, v17;
	v53 =	vperm.xlane v47, v1  }
0x15a: {  	v58 =	vperm.xlane v46, v3  }
0x15b: {  	v15 =	vmul.f32 v15, v9;
	v14 =	vadd.f32 v52, v14;
	v56 =	vadd.f32 v47, v53  }
0x15c: {  	v11 =	vmul.f32 v44, v11;
	v8 =	vmul.f32 v45, v8;
	v60 =	vmax.f32 v46, v58  }
0x15d: {  	v53 =	vld.idx.msk [tilespmem:v59+s4+$0x0], $0xffff;
	v47 =	vperm.xlane v60, v2;
	v57 =	vperm.xlane v56, v4  }
0x15e: {  	v49 =	vperm.xlane v8, v3;
	v58 =	vperm.xlane v14, v2  }
0x15f: {  	v63 =	vmax.f32 v60, v47;
	v13 =	vadd.f32 v56, v57;
	v56 =	vperm.xlane v11, v3  }
0x160: {  	v59 =	vperm.xlane v15, v3;
	v8 =	vadd.f32 v49, v8;
	v55 =	vperm.xlane v63, v1  }
0x161: {  	v14 =	vadd.f32 v58, v14;
	v11 =	vadd.f32 v56, v11  }
0x162: {  	v15 =	vadd.f32 v59, v15;
	v10 =	vmul.f32 v53, v10;
	v18 =	vmax.f32 v63, v55  }
0x163: {  	v62 =	vand.u32 $0x7FFFFF, v13;
	v57 =	vperm.xlane v18, v4;
	v60 =	vperm.xlane v11, v2  }
0x164: {  	v48 =	vperm.xlane v15, v2;
	v63 =	vperm.xlane v14, v1;
	v12 =	vor.u32 $0x3F800000, v62  }
0x165: {  	v61 =	vperm.xlane v10, v3;
	v9 =	vmax.f32 v18, v57;
	v11 =	vadd.f32 v60, v11  }
0x166: {  	v53 =	vperm.xlane v8, v2;
	v54 =	vadd.f32 $1.000000000e+00, v12;
	v62 =	vsub.f32 v46, v9  }
0x167: {  	v14 =	vadd.f32 v63, v14;
	v10 =	vadd.f32 v61, v10;
	v50 =	vperm.xlane v11, v1  }
0x168: {  	v15 =	vadd.f32 v48, v15;
	(erf) = vrcp.f32 v54;
	v44 =	vmul.f32 $1.442695020e+00, v62  }
0x169: {  	v14 =	vperm.xlane v14, v6;
	v51 =	vperm.xlane v10, v2;
	v11 =	vadd.f32 v50, v11  }
0x16a: {  	v52 =	vperm.xlane v15, v1;
	(erf) = vpow2.f32 v44  }
0x16b: {  	v14 =	vnsel vm0, $0x0, v14;
	v10 =	vadd.f32 v51, v10;
	v11 =	vperm.xlane v11, v6  }
0x16c: {  	v8 =	vadd.f32 v53, v8;
	v14 =	vadd.f32 $0.0e+00, v14  }
0x16d: {  	v15 =	vadd.f32 v52, v15;
	v54 =	vperm.xlane v10, v1;
	v11 =	vsel vm1, $0x0, v11  }
0x16e: {  	v11 =	vadd.f32 v11, v14  }
0x16f: {  	v55 =	vperm.xlane v8, v1;
	v15 =	vperm.xlane v15, v6;
	v10 =	vadd.f32 v54, v10;
	_ =	sdelay $0x1  }
0x170: {  	v8 =	vadd.f32 v55, v8;
	v56 =	vsel vm4, $0x0, v15;
	v10 =	vperm.xlane v10, v6  }
0x171: {  	v14 =	vadd.f32 v56, v11;
	v11 =	vpop (erf)  }
0x172: {  	v6 =	vperm.xlane v8, v6;
	v10 =	vsel vm5, $0x0, v10;
	v57 =	vpop (erf)  }
0x173: {  	v10 =	vadd.f32 v10, v14;
	v59 =	vperm.xlane v57, v3  }
0x174: {  	v6 =	vsel vm3, $0x0, v6  }
0x175: {  	v6 =	vadd.f32 v6, v10;
	v60 =	vadd.f32 v57, v59;
	_ =	sdelay $0x1  }
0x176: {  	v63 =	vnsel vm2, $0xF149F2CA, v6;
	v62 =	vperm.xlane v60, v2  }
0x177: {  	v45 =	vperm.xlane v63, v3  }
0x178: {  	v8 =	vadd.f32 v60, v62  }
0x179: {  	v47 =	vmax.f32 v63, v45  }
0x17a: {  	v50 =	vperm.xlane v47, v2;
	v49 =	vperm.xlane v8, v1;
	_ =	sdelay $0x1  }
0x17b: {  	v10 =	vmax.f32 v47, v50;
	v8 =	vadd.f32 v8, v49  }
0x17c: {  	vm15 =	vmmov $0x1;
	v29 =	vadd.f32 $-1.000000000e+00, v29;
	v52 =	vperm.xlane v10, v1  }
0x17d: {  	v21 =	vshrl.u32 v21, $0x17;
	v58 =	vadd.f32 $-1.000000000e+00, v24;
	v53 =	vperm.xlane v8, v4  }
0x17e: {  	v21 =	vand.u32 $0xFF, v21;
	v51 =	vmul.f32 v33, v29;
	v29 =	vmax.f32 v10, v52  }
0x17f: {  	v14 =	vmul.f32 v27, v58;
	v55 =	vperm.xlane v29, v4;
	v10 =	vadd.f32 v8, v53  }
0x180: {  	v21 =	vadd.s32 $0xFFFFFF81, v21;
	v39 =	vshrl.u32 v39, $0x17;
	v13 =	vshrl.u32 v13, $0x17  }
0x181: {  	v61 =	vmul.f32 v14, v14;
	v8 =	vmax.f32 v29, v55;
	v58 =	vand.u32 $0x7FFFFF, v10  }
0x182: {  	v13 =	vand.u32 $0xFF, v13;
	v18 =	vsub.f32 v63, v8;
	v29 =	vor.u32 $0x3F800000, v58  }
0x183: {  	v12 =	vadd.f32 $-1.000000000e+00, v12;
	v46 =	vmul.f32 $1.428571490e-01, v61;
	v59 =	vadd.f32 $1.000000000e+00, v29  }
0x184: {  	v13 =	vadd.s32 $0xFFFFFF81, v13;
	v54 =	vmul.f32 v51, v51;
	v18 =	vmul.f32 $1.442695020e+00, v18  }
0x185: {  	v13 =	vcvt.s32.f32 v13;
	v48 =	vadd.f32 $2.000000030e-01, v46;
	(erf) = vrcp.f32 v59  }
0x186: {  	v56 =	vmul.f32 $1.428571490e-01, v54;
	v57 =	vadd.f32 $-1.000000000e+00, v35;
	(erf) = vpow2.f32 v18  }
0x187: {  	v27 =	vadd.f32 v51, v51;
	v11 =	vmul.f32 v11, v12;
	v24 =	vmul.f32 v48, v61  }
0x188: {  	v14 =	vadd.f32 v14, v14;
	v33 =	vmul.f32 v37, v57;
	v37 =	vimm.s32 $0x0  }
0x189: {  	v43 =	vperm.xlane v0, v37;
	v37 =	vmul.f32 v11, v11;
	v24 =	vadd.f32 $3.333333430e-01, v24  }
0x18a: {  	v11 =	vadd.f32 v11, v11;
	v60 =	vcvt.s32.f32 v21;
	v48 =	vimm.s32 $0x1  }
0x18b: {  	v5 =	vperm.xlane v5, v43;
	v15 =	vmul.f32 v24, v61;
	v24 =	vadd.f32 $2.000000030e-01, v56  }
0x18c: {  	v51 =	vperm.xlane v0, v48;
	v61 =	vmul.f32 v33, v33;
	v49 =	vadd.f32 $-1.000000000e+00, v38  }
0x18d: {  	v38 =	vimm.s32 $0x3;
	v24 =	vmul.f32 v24, v54;
	v15 =	vadd.f32 $1.000000000e+00, v15  }
0x18e: {  	v62 =	vshrl.u32 v25, $0x17;
	v52 =	vmul.f32 v40, v49;
	v40 =	vperm.xlane v0, v38;
	v44 =	vpop (erf)  }
0x18f: {  	v24 =	vadd.f32 $3.333333430e-01, v24;
	v14 =	vmul.f32 v15, v14;
	v15 =	vand.u32 $0xFF, v62;
	v47 =	vpop (erf)  }
0x190: {  	v53 =	vadd.f32 v33, v33;
	v55 =	vmul.f32 v52, v52;
	v3 =	vperm.xlane v47, v3  }
0x191: {  	v63 =	vmul.f32 $1.428571490e-01, v61;
	v15 =	vadd.s32 $0xFFFFFF81, v15;
	v24 =	vmul.f32 v24, v54  }
0x192: {  	v15 =	vcvt.s32.f32 v15;
	v54 =	vshrl.u32 v30, $0x17;
	v3 =	vadd.f32 v47, v3  }
0x193: {  	v57 =	vmul.f32 $1.428571490e-01, v55;
	v30 =	vadd.f32 v52, v52;
	v10 =	vshrl.u32 v10, $0x17  }
0x194: {  	v25 =	vadd.f32 $2.000000030e-01, v63;
	v56 =	vand.u32 $0xFF, v54;
	v2 =	vperm.xlane v3, v2  }
0x195: {  	v58 =	vadd.f32 $-1.000000000e+00, v41;
	v10 =	vand.u32 $0xFF, v10;
	v24 =	vadd.f32 $1.000000000e+00, v24  }
0x196: {  	v15 =	vmul.f32 $6.931471820e-01, v15;
	v10 =	vadd.s32 $0xFFFFFF81, v10;
	v2 =	vadd.f32 v3, v2  }
0x197: {  	v41 =	vand.u32 $0xFF, v39;
	v25 =	vmul.f32 v25, v61;
	v10 =	vcvt.s32.f32 v10  }
0x198: {  	v43 =	vadd.f32 $-1.000000000e+00, v29;
	v24 =	vmul.f32 v24, v27;
	v1 =	vperm.xlane v2, v1  }
0x199: {  	v59 =	vimm.s32 $0x2;
	v18 =	vmul.f32 $6.931471820e-01, v60;
	v46 =	vadd.f32 $3.333333430e-01, v25  }
0x19a: {  	v25 =	vshrl.u32 v34, $0x17;
	v10 =	vmul.f32 $6.931471820e-01, v10;
	v1 =	vadd.f32 v2, v1  }
0x19b: {  	v45 =	vadd.f32 v24, v15;
	v15 =	vperm.xlane v16, v51;
	v16 =	vmul.f32 v42, v58  }
0x19c: {  	v42 =	vmul.f32 $1.428571490e-01, v37;
	v14 =	vadd.f32 v14, v18;
	v4 =	vperm.xlane v1, v4  }
0x19d: {  	v50 =	vmul.f32 v46, v61;
	v62 =	vmul.f32 v16, v16;
	v16 =	vadd.f32 v16, v16  }
0x19e: {  	v61 =	vperm.xlane v0, v59;
	v18 =	vadd.f32 $2.000000030e-01, v42;
	v1 =	vadd.f32 v1, v4  }
0x19f: {  	v59 =	vimm.s32 $0x6;
	v7 =	vadd.f32 v14, v7;
	v14 =	vadd.f32 v45, v19  }
0x1a0: {  	v20 =	vperm.xlane v20, v61;
	v24 =	vmul.f32 $1.428571490e-01, v62;
	v33 =	vand.u32 $0x7FFFFF, v1  }
0x1a1: {  	v18 =	vmul.f32 v18, v37;
	v14 =	vsub.f32 v14, v15;
	v12 =	vor.u32 $0x3F800000, v33  }
0x1a2: {  	v15 =	vadd.s32 $0xFFFFFF81, v56;
	v3 =	vadd.f32 $2.000000030e-01, v57;
	v34 =	vadd.f32 $1.000000000e+00, v12  }
0x1a3: {  	v5 =	vsub.f32 v7, v5;
	v7 =	vadd.f32 $1.000000000e+00, v50;
	v15 =	vcvt.s32.f32 v15  }
0x1a4: {  	v45 =	vadd.f32 $3.333333430e-01, v18;
	v3 =	vmul.f32 v3, v55;
	(erf) = vrcp.f32 v34  }
0x1a5: {  	v7 =	vmul.f32 v7, v53;
	v5 =	vnsel vm15, $0x0, v5;
	v60 =	vnsel vm15, $0x0, v14  }
0x1a6: {  	v14 =	vadd.f32 $2.000000030e-01, v24;
	v53 =	vmul.f32 $6.931471820e-01, v13;
	v3 =	vadd.f32 $3.333333430e-01, v3  }
0x1a7: {  	v5 =	vadd.f32 $0.0e+00, v5;
	v15 =	vmul.f32 $6.931471820e-01, v15;
	v44 =	vmul.f32 v44, v43  }
0x1a8: {  	v14 =	vmul.f32 v14, v62;
	v3 =	vmul.f32 v3, v55;
	v4 =	vand.u32 $0xFF, v25  }
0x1a9: {  	v63 =	vadd.f32 v7, v15;
	v15 =	vadd.s32 $0xFFFFFF81, v41;
	v4 =	vadd.s32 $0xFFFFFF81, v4  }
0x1aa: {  	v7 =	vperm.xlane v23, v40;
	v3 =	vadd.f32 $1.000000000e+00, v3;
	v4 =	vcvt.s32.f32 v4  }
0x1ab: {  	v46 =	vmul.f32 v44, v44;
	v14 =	vadd.f32 $3.333333430e-01, v14;
	v15 =	vcvt.s32.f32 v15  }
0x1ac: {  	v3 =	vmul.f32 v3, v30;
	v4 =	vmul.f32 $6.931471820e-01, v4;
	v12 =	vadd.f32 $-1.000000000e+00, v12  }
0x1ad: {  	v47 =	vimm.s32 $0x4;
	v2 =	vadd.f32 v60, v5;
	v5 =	vadd.f32 v63, v22;
	v48 =	vpop (erf)  }
0x1ae: {  	v49 =	vmul.f32 $1.428571490e-01, v46;
	v3 =	vadd.f32 v3, v4;
	v12 =	vmul.f32 v48, v12  }
0x1af: {  	v50 =	vperm.xlane v0, v47;
	v35 =	vmul.f32 v14, v62;
	v5 =	vsub.f32 v5, v20  }
0x1b0: {  	v15 =	vmul.f32 $6.931471820e-01, v15;
	v3 =	vadd.f32 v3, v26;
	v52 =	vmul.f32 v12, v12  }
0x1b1: {  	v51 =	vadd.f32 $2.000000030e-01, v49;
	v14 =	vperm.xlane v28, v50;
	v5 =	vnsel vm15, $0x0, v5  }
0x1b2: {  	v3 =	vsub.f32 v3, v7;
	v7 =	vmul.f32 v45, v37;
	v55 =	vmul.f32 $1.428571490e-01, v52  }
0x1b3: {  	v57 =	vimm.s32 $0x5;
	v54 =	vmul.f32 v51, v46;
	v2 =	vadd.f32 v5, v2  }
0x1b4: {  	v7 =	vadd.f32 $1.000000000e+00, v7;
	v3 =	vnsel vm15, $0x0, v3;
	v56 =	vadd.f32 $2.000000030e-01, v55  }
0x1b5: {  	v13 =	vperm.xlane v0, v57;
	v4 =	vadd.f32 $1.000000000e+00, v35;
	v2 =	vadd.f32 v3, v2  }
0x1b6: {  	v3 =	vadd.f32 $3.333333430e-01, v54;
	v7 =	vmul.f32 v7, v11;
	v11 =	vmul.f32 v56, v52  }
0x1b7: {  	v61 =	vimm.s32 $0x7;
	v13 =	vperm.xlane v32, v13;
	v4 =	vmul.f32 v4, v16  }
0x1b8: {  	v1 =	vshrl.u32 v1, $0x17;
	v3 =	vmul.f32 v3, v46;
	v11 =	vadd.f32 $3.333333430e-01, v11  }
0x1b9: {  	v5 =	vadd.f32 v44, v44;
	v1 =	vand.u32 $0xFF, v1;
	v4 =	vadd.f32 v4, v15  }
0x1ba: {  	v1 =	vadd.s32 $0xFFFFFF81, v1;
	v3 =	vadd.f32 $1.000000000e+00, v3;
	v58 =	vmul.f32 v11, v52  }
0x1bb: {  	v1 =	vcvt.s32.f32 v1;
	v4 =	vadd.f32 v4, v31;
	v7 =	vadd.f32 v7, v53  }
0x1bc: {  	v12 =	vadd.f32 v12, v12;
	v3 =	vmul.f32 v3, v5;
	v5 =	vadd.f32 $1.000000000e+00, v58  }
0x1bd: {  	v60 =	vperm.xlane v0, v59;
	v4 =	vsub.f32 v4, v14;
	v7 =	vadd.f32 v7, v36  }
0x1be: {  	v1 =	vmul.f32 $6.931471820e-01, v1;
	v3 =	vadd.f32 v3, v10;
	v5 =	vmul.f32 v5, v12  }
0x1bf: {  	v0 =	vperm.xlane v0, v61;
	v4 =	vnsel vm15, $0x0, v4;
	v7 =	vsub.f32 v7, v13  }
0x1c0: {  	v10 =	vperm.xlane v17, v60;
	v3 =	vadd.f32 v3, v9;
	v1 =	vadd.f32 v5, v1  }
0x1c1: {  	v0 =	vperm.xlane v6, v0;
	v2 =	vadd.f32 v4, v2  }
0x1c2: {  	v62 =	vnsel vm15, $0x0, v7;
	v3 =	vsub.f32 v3, v10;
	v1 =	vadd.f32 v1, v8  }
0x1c3: {  	v2 =	vadd.f32 v62, v2  }
0x1c4: {  	v3 =	vnsel vm15, $0x0, v3;
	v0 =	vsub.f32 v1, v0  }
0x1c5: {  	v63 =	vadd.f32 v3, v2  }
0x1c6: {  	v0 =	vnsel vm15, $0x0, v0  }
0x1c7: {  	v0 =	vadd.f32 v0, v63  }
0x1c8: {  	s29 =	sshll.u32 s3, $0x4  }
0x1c9: {  	s30 =	simm.s32 $0x5D80;
	s31 =	simm.s32 $0x5;
	s4 =	sadd.s32 s29, s2;
	[tilespmem:$0x5D80] =	vst v0  }
0x1ca: {  	[spmem:s4] =	stream.linear.scatter [tilespmem:s30], [sflag:$0x5], $0x10, $0x38;
	[tilespmem:$0x5F90] =	vst v63  }
0x1cb: {  	_ =	swait.ge [sflag:s31], $0x10  }
0x1cc: {  	[sflag:s31] =	ssyncset.done $0x0  }
0x1cd: {  	[sflag:s31] =	ssyncadd.s32 $0xFFFFFFF0  }
0x1ce: {  	p0 =	sne.s32 s3, $0x0;
	[bflag:$0x0] =	sbarrier.arrive $0xFFFF  }
0x1cf: {  	_ =	sfence.sel @p0 $0x180000  }
0x1d0: {  	[bflag:$0x0] =	sbarrier.arrive @p0 $0xFFFF  }
0x1d1: {  	_ =	strace @p0 $0x90000047  }
0x1d2: {  	s3 =	simm.s32 @!p0 $0x5E90;
	[bflag:$0x2] =	sbarrier.arrive @p0 $0xFFFF  }
0x1d3: {  	[tilespmem:s3], [sflag:$0x5] =	stream.linear.gather @!p0 [spmem:s2], $0x100, $0x38;
	[tilespmem:$0x5F90] =	vst v63  }
0x1d4: {  	s2 =	simm.s32 @!p0 $0x5  }
0x1d5: {  	_ =	swait.ge @!p0 [sflag:s2], $0x100  }
0x1d6: {  	[sflag:s2] =	ssyncset.done @!p0 $0x0  }
0x1d7: {  	[sflag:s2] =	ssyncadd.s32 @!p0 $0xFFFFFF00  }
0x1d8: {  	v0 =	vld @!p0 [tilespmem:$0x5E90];
	_ =	sdelay $0x1  }
0x1d9: {  	v1 =	vld @!p0 [tilespmem:$0x5EA0];
	_ =	sdelay $0x1  }
0x1da: {  	v2 =	vld @!p0 [tilespmem:$0x5EB0]  }
0x1db: {  	v0 =	vadd.f32 @!p0 $0.0e+00, v0  }
0x1dc: {  	v3 =	vld @!p0 [tilespmem:$0x5EC0]  }
0x1dd: {  	v0 =	vadd.f32 @!p0 v1, v0  }
0x1de: {  	v1 =	vld @!p0 [tilespmem:$0x5ED0]  }
0x1df: {  	v0 =	vadd.f32 @!p0 v2, v0  }
0x1e0: {  	v2 =	vld @!p0 [tilespmem:$0x5EE0]  }
0x1e1: {  	v0 =	vadd.f32 @!p0 v3, v0  }
0x1e2: {  	v3 =	vld @!p0 [tilespmem:$0x5EF0]  }
0x1e3: {  	v0 =	vadd.f32 @!p0 v1, v0  }
0x1e4: {  	v1 =	vld @!p0 [tilespmem:$0x5F00]  }
0x1e5: {  	v0 =	vadd.f32 @!p0 v2, v0  }
0x1e6: {  	v2 =	vld @!p0 [tilespmem:$0x5F10]  }
0x1e7: {  	v0 =	vadd.f32 @!p0 v3, v0  }
0x1e8: {  	v3 =	vld @!p0 [tilespmem:$0x5F20]  }
0x1e9: {  	v0 =	vadd.f32 @!p0 v1, v0  }
0x1ea: {  	v1 =	vld @!p0 [tilespmem:$0x5F30]  }
0x1eb: {  	v0 =	vadd.f32 @!p0 v2, v0  }
0x1ec: {  	v2 =	vld @!p0 [tilespmem:$0x5F40]  }
0x1ed: {  	v0 =	vadd.f32 @!p0 v3, v0  }
0x1ee: {  	v3 =	vld @!p0 [tilespmem:$0x5F50]  }
0x1ef: {  	v0 =	vadd.f32 @!p0 v1, v0  }
0x1f0: {  	v1 =	vld @!p0 [tilespmem:$0x5F60]  }
0x1f1: {  	v0 =	vadd.f32 @!p0 v2, v0  }
0x1f2: {  	v2 =	vld @!p0 [tilespmem:$0x5F70]  }
0x1f3: {  	v0 =	vadd.f32 @!p0 v3, v0  }
0x1f4: {  	v3 =	vld @!p0 [tilespmem:$0x5F80]  }
0x1f5: {  	v0 =	vadd.f32 @!p0 v1, v0;
	_ =	sdelay $0x1  }
0x1f6: {  	v0 =	vadd.f32 @!p0 v2, v0;
	_ =	sdelay $0x1  }
0x1f7: {  	v0 =	vadd.f32 @!p0 v3, v0;
	_ =	sdelay $0x1  }
0x1f8: {  	v0 =	vmul.f32 @!p0 $7.812500000e-03, v0;
	_ =	sdelay $0x1  }
0x1f9: {  	s4 =	simm.s32 @!p0 $0x5E00;
	s3 =	simm.s32 @!p0 $0x0;
	[tilespmem:$0x5E00] =	vst @!p0 v0  }
0x1fa: {  	[hbm4b:s1+s3] =	stream.linear.scatter @!p0 [tilespmem:s4], [sflag:$0x5], $0x1, $0x38;
	[tilespmem:$0x5F90] =	vst v63  }
0x1fb: {  	_ =	swait.ge @!p0 [sflag:s2], $0x1  }
0x1fc: {  	[sflag:s2] =	ssyncset.done @!p0 $0x0  }
0x1fd: {  	[sflag:s2] =	ssyncadd.s32 @!p0 $0xFFFFFFFF  }
0x1fe: {  	_ =	sfence.sel @!p0 $0x180000  }
0x1ff: {  	[bflag:$0x0] =	sbarrier.arrive @!p0 $0xFFFF  }
0x200: {  	_ =	strace @!p0 $0x90000047  }
0x201: {  	s0 =	sadd.s32 @!p0 $0x100000, s0;
	[bflag:$0x2] =	sbarrier.arrive @!p0 $0xFFFF  }
0x202: {  	[sflag:s0] =	ssyncadd.tile.s32 @!p0 $0x1;
	_ =	shalt  }
.Lfunc_end2:
_tile_overlayer_lowered:
.L_overlay_start_2:
0x203: {  	(tag) =	ssettag $0x2  }
0x204: {  	s0 =	rddreg [dreg:$0x0];
	s2 =	stileid.u32  }
0x205: {  	s1 =	rddreg [dreg:$0x1];
	p0 =	sne.s32 s2, $0x0  }
0x206: {  	s3 =	rddreg [dreg:$0x2];
	[bflag:$0x3] =	sbarrier.arrive $0xFFFF;
	s2 =	simm.s32 @!p0 $0x1C05  }
0x207: {  	[timem:s3], [sflag:s2] =	dma.local @!p0 [hbm:s0], s1  }
0x208: {  	s0 =	simm.s32 @!p0 $0x5  }
0x209: {  	_ =	swait.ge @!p0 [sflag:s0], s1  }
0x20a: {  	s1 =	ssub.s32 @!p0 $0x0, s1;
	[sflag:s0] =	ssyncset.done @!p0 $0x0  }
0x20b: {  	[sflag:s0] =	ssyncadd.s32 @!p0 s1  }
0x20c: {  	[bflag:$0x3] =	sbarrier.arrive $0xFFFF  }
0x20d: {  	_ =	shalt  }

</sc_bundles>
